<compile_context>
chip_gen: v7x
topology: tpu7x:2x2x1
jax: 0.10.2.dev20260603
libtpu: 0.0.44.dev20260713+nightly
codegen_flags: <defaults>
</compile_context>

<pallas_src>
import functools

import jax
import jax.numpy as jnp
from jax import lax
from jax.experimental import pallas as pl
from jax.experimental.pallas import tpu as pltpu
from jax.experimental.pallas import tpu_sc as plsc

EPS = 1e-12
CHUNK = 8
NBUF = 8


def _emb_rmsnorm_sc(ids, pids, word_table, pos_table, norm_weight):
    NW_, n_ch, _ = ids.shape
    D = word_table.shape[1]
    info = plsc.get_sparse_core_info()
    NC, NS, L = info.num_cores, info.num_subcores, info.num_lanes
    NW = NC * NS
    assert NW_ == NW
    N = NW * n_ch * CHUNK
    per_w = n_ch * CHUNK
    nvec = D // L

    mesh = plsc.VectorSubcoreMesh(core_axis_name="c", subcore_axis_name="s")

    @functools.partial(
        pl.kernel,
        mesh=mesh,
        out_type=jax.ShapeDtypeStruct((N, D), jnp.float32),
        compiler_params=pltpu.CompilerParams(needs_layout_passes=False),
        scratch_types=[
            pltpu.VMEM((n_ch, CHUNK), jnp.int32),
            pltpu.VMEM((n_ch, CHUNK), jnp.int32),
            pltpu.VMEM((NBUF, CHUNK, D), jnp.float32),
            pltpu.VMEM((NBUF, CHUNK, D), jnp.float32),
            pltpu.VMEM((D,), jnp.float32),
            pltpu.SemaphoreType.DMA((NBUF,)),
            pltpu.SemaphoreType.DMA((NBUF,)),
            pltpu.SemaphoreType.DMA((NBUF,)),
        ],
    )
    def emb_kernel(ids_hbm, pid_hbm, wt_hbm, pt_hbm, nw_hbm, out_hbm,
                   widx, pidxv, wbuf, pbuf, nwv, semw, semp, semo):
        wid = lax.axis_index("s") * NC + lax.axis_index("c")
        base = wid * per_w

        pltpu.sync_copy(nw_hbm, nwv)
        pltpu.sync_copy(ids_hbm.at[wid], widx)
        pltpu.sync_copy(pid_hbm.at[wid], pidxv)

        def w_desc(c):
            b = lax.rem(c, NBUF)
            return pltpu.make_async_copy(wt_hbm.at[widx.at[c]], wbuf.at[b],
                                         semw.at[b])

        def p_desc(c):
            b = lax.rem(c, NBUF)
            return pltpu.make_async_copy(pt_hbm.at[pidxv.at[c]], pbuf.at[b],
                                         semp.at[b])

        def out_desc(c):
            b = lax.rem(c, NBUF)
            return pltpu.make_async_copy(
                wbuf.at[b], out_hbm.at[pl.ds(base + c * CHUNK, CHUNK)],
                semo.at[b])

        def gather(c):
            w_desc(c).start()
            p_desc(c).start()

        def compute(c):
            b = lax.rem(c, NBUF)

            @plsc.parallel_loop(0, CHUNK, unroll=2)
            def body(t):
                accs = [jnp.zeros((L,), jnp.float32) for _ in range(4)]
                for j in range(nvec):
                    sl = pl.ds(j * L, L)
                    v = wbuf[b, t, sl] + pbuf[b, t, sl]
                    wbuf[b, t, sl] = v * nwv[sl]
                    accs[j & 3] = accs[j & 3] + v * v
                total = jnp.sum((accs[0] + accs[1]) + (accs[2] + accs[3]))
                dv = jnp.broadcast_to(total * (1.0 / D) + EPS, (L,))
                bits = plsc.bitcast(dv, jnp.int32)
                magic = jnp.full((L,), 0x5F3759DF, dtype=jnp.int32)
                one = jnp.full((L,), 1, dtype=jnp.int32)
                y = plsc.bitcast(magic - lax.shift_right_logical(bits, one),
                                 jnp.float32)
                for _ in range(2):
                    y = y * (1.5 - 0.5 * dv * y * y)
                for j in range(nvec):
                    sl = pl.ds(j * L, L)
                    wbuf[b, t, sl] = wbuf[b, t, sl] * y

        LEAD = 4
        for k in range(LEAD):
            gather(jnp.int32(k))

        def body(c, carry):
            @pl.when(c + LEAD < n_ch)
            def _():
                @pl.when(c >= NBUF - LEAD)
                def _():
                    out_desc(c + LEAD - NBUF).wait()
                gather(c + LEAD)

            w_desc(c).wait()
            p_desc(c).wait()
            compute(c)
            out_desc(c).start()
            return carry

        lax.fori_loop(0, n_ch, body, 0)
        for c in range(max(n_ch - NBUF, 0), n_ch):
            out_desc(jnp.int32(c)).wait()

    return emb_kernel(ids, pids, word_table, pos_table, norm_weight)


def kernel(input_ids, position_idcs, word_table, pos_table, norm_weight):
    B, S = input_ids.shape
    D = word_table.shape[1]
    N = B * S
    NW = 32
    per_w = N // NW
    n_ch = per_w // CHUNK
    ids = input_ids.reshape(NW, n_ch, CHUNK).astype(jnp.int32)
    pids = position_idcs.reshape(NW, n_ch, CHUNK).astype(jnp.int32)
    out = _emb_rmsnorm_sc(ids, pids, word_table.astype(jnp.float32),
                          pos_table.astype(jnp.float32),
                          norm_weight.astype(jnp.float32))
    return out.reshape(B, S, D)

# --- scband reference (transcript-rebuilt; emitter-appended) ---
"""Pipeline reference for scband-tite-embeddings-16638703305415 (READ-ONLY COPY).

The authoritative reference and input builder live on the scoring server;
editing this copy changes nothing except your own understanding.
"""

import jax, jax.numpy as jnp
import numpy as np

VOCAB = 30522
D = 768
MAXPOS = 2048
B = 4
S = 2048
EPS = 1e-12


def setup_inputs(seed: int = 0) -> dict:
    key = jax.random.key(seed)
    k1, k2, k3, k4 = jax.random.split(key, 4)
    input_ids = jax.random.randint(k1, (B, S), 0, VOCAB)
    position_idcs = jax.random.randint(k2, (B, S), 0, MAXPOS)
    word_table = jax.random.normal(k3, (VOCAB, D), dtype=jnp.float32) * 0.02
    # padding_idx=0: embedding row for pad token is zero
    word_table = word_table.at[0].set(0.0)
    pos_table = jax.random.normal(k4, (MAXPOS, D), dtype=jnp.float32) * 0.02
    norm_weight = jnp.ones((D,), dtype=jnp.float32)
    return {
        "input_ids": input_ids,
        "position_idcs": position_idcs,
        "word_table": word_table,
        "pos_table": pos_table,
        "norm_weight": norm_weight,
    }


def reference(input_ids, position_idcs, word_table, pos_table, norm_weight):
    # word embedding lookup (gather)
    emb = jnp.take(word_table, input_ids, axis=0)
    # absolute position embedding lookup (gather) and add
    emb = emb + jnp.take(pos_table, position_idcs, axis=0)
    # RMSNorm (Llama2 style): norm in float32, then scale by weight
    x = emb.astype(jnp.float32)
    normed = x * jax.lax.rsqrt(jnp.mean(x * x, axis=-1, keepdims=True) + EPS)
    normed = normed.astype(emb.dtype)
    out = normed * norm_weight
    # dropout_prob=0.0 / eval mode -> identity
    return out

if __name__ == "__main__":
    import jax
    _d = setup_inputs()
    print(jax.jit(kernel)(*tuple(_d.values())))

</pallas_src>

<mosaic_0001>
#map = affine_map<(d0, d1) -> (0, 0, 0)>
#map1 = affine_map<(d0, d1) -> (0, 0)>
#map2 = affine_map<(d0, d1) -> (0)>
module attributes {stable_mosaic.version = 14 : i64} {
  func.func @emb_kernel(%arg0: i32, %arg1: i32, %arg2: memref<32x32x8xi32, #tpu.memory_space<hbm>>, %arg3: memref<32x32x8xi32, #tpu.memory_space<hbm>>, %arg4: memref<30522x768xf32, #tpu.memory_space<hbm>>, %arg5: memref<2048x768xf32, #tpu.memory_space<hbm>>, %arg6: memref<768xf32, #tpu.memory_space<hbm>>, %arg7: memref<8192x768xf32, #tpu.memory_space<hbm>>, %arg8: memref<32x8xi32, #tpu.memory_space<vmem>>, %arg9: memref<32x8xi32, #tpu.memory_space<vmem>>, %arg10: memref<8x8x768xf32, #tpu.memory_space<vmem>>, %arg11: memref<8x8x768xf32, #tpu.memory_space<vmem>>, %arg12: memref<768xf32, #tpu.memory_space<vmem>>, %arg13: memref<8x!tpu.dma_semaphore, #tpu.memory_space<semaphore_mem>>, %arg14: memref<8x!tpu.dma_semaphore, #tpu.memory_space<semaphore_mem>>, %arg15: memref<8x!tpu.dma_semaphore, #tpu.memory_space<semaphore_mem>>) attributes {dimension_semantics = [#tpu.dimension_semantics<core_parallel>, #tpu.dimension_semantics<subcore_parallel>], iteration_bounds = array<i64: 2, 16>, scalar_prefetch = 0 : i64, scratch_operands = 8 : i64, tpu.core_type = #tpu.core_type<sc_vector_subcore>, window_params = [{transform_indices = #map}, {transform_indices = #map}, {transform_indices = #map1}, {transform_indices = #map1}, {transform_indices = #map2}, {transform_indices = #map1}]} {
    %mul3A = arith.constant 2 : i32
    %mul3A_0 = arith.muli %arg1, %mul3A : i32
    %add3A = arith.addi %mul3A_0, %arg0 : i32
    %mul3A_1 = arith.constant 256 : i32
    %mul3A_2 = arith.muli %add3A, %mul3A_1 : i32
    "tpu.region"() ({
      %run_scoped3A = tpu.sem_alloc : memref<!tpu.dma_semaphore, #tpu.memory_space<semaphore_mem>>
      tpu.enqueue_dma source(%arg6 : memref<768xf32, #tpu.memory_space<hbm>>) target(%arg12 : memref<768xf32, #tpu.memory_space<vmem>>) target_semaphore(%run_scoped3A : memref<!tpu.dma_semaphore, #tpu.memory_space<semaphore_mem>>)
      tpu.wait_dma2 semaphore(%run_scoped3A : memref<!tpu.dma_semaphore, #tpu.memory_space<semaphore_mem>>) src(%arg6 : memref<768xf32, #tpu.memory_space<hbm>>) dst(%arg12 : memref<768xf32, #tpu.memory_space<vmem>>)
      tpu.yield
    }) : () -> ()
    "tpu.region"() ({
      %run_scoped3A = tpu.sem_alloc : memref<!tpu.dma_semaphore, #tpu.memory_space<semaphore_mem>>
      %dma_start3A_301 = arith.constant 0 : i32
      %dma_start3A_302 = arith.constant 0 : i32
      %dma_start3A_303 = tpu.memref_slice %arg2[%add3A, %dma_start3A_301, %dma_start3A_302] : memref<32x32x8xi32, #tpu.memory_space<hbm>> -> memref<1x32x8xi32, #tpu.memory_space<hbm>>
      %dma_start3A_304 = tpu.memref_squeeze %dma_start3A_303 : memref<1x32x8xi32, #tpu.memory_space<hbm>> -> memref<32x8xi32, #tpu.memory_space<hbm>>
      %dma_start3A_305 = arith.constant 0 : i32
      %dma_start3A_306 = arith.constant 0 : i32
      %dma_start3A_307 = tpu.memref_slice %arg2[%add3A, %dma_start3A_305, %dma_start3A_306] : memref<32x32x8xi32, #tpu.memory_space<hbm>> -> memref<1x32x8xi32, #tpu.memory_space<hbm>>
      %dma_start3A_308 = tpu.memref_squeeze %dma_start3A_307 : memref<1x32x8xi32, #tpu.memory_space<hbm>> -> memref<32x8xi32, #tpu.memory_space<hbm>>
      tpu.enqueue_dma source(%dma_start3A_308 : memref<32x8xi32, #tpu.memory_space<hbm>>) target(%arg8 : memref<32x8xi32, #tpu.memory_space<vmem>>) target_semaphore(%run_scoped3A : memref<!tpu.dma_semaphore, #tpu.memory_space<semaphore_mem>>)
      %dma_wait3A_309 = arith.constant 0 : i32
      %dma_wait3A_310 = arith.constant 0 : i32
      %dma_wait3A_311 = tpu.memref_slice %arg2[%add3A, %dma_wait3A_309, %dma_wait3A_310] : memref<32x32x8xi32, #tpu.memory_space<hbm>> -> memref<1x32x8xi32, #tpu.memory_space<hbm>>
      %dma_wait3A_312 = tpu.memref_squeeze %dma_wait3A_311 : memref<1x32x8xi32, #tpu.memory_space<hbm>> -> memref<32x8xi32, #tpu.memory_space<hbm>>
      %dma_wait3A_313 = arith.constant 0 : i32
      %dma_wait3A_314 = arith.constant 0 : i32
      %dma_wait3A_315 = tpu.memref_slice %arg2[%add3A, %dma_wait3A_313, %dma_wait3A_314] : memref<32x32x8xi32, #tpu.memory_space<hbm>> -> memref<1x32x8xi32, #tpu.memory_space<hbm>>
      %dma_wait3A_316 = tpu.memref_squeeze %dma_wait3A_315 : memref<1x32x8xi32, #tpu.memory_space<hbm>> -> memref<32x8xi32, #tpu.memory_space<hbm>>
      tpu.wait_dma2 semaphore(%run_scoped3A : memref<!tpu.dma_semaphore, #tpu.memory_space<semaphore_mem>>) src(%dma_wait3A_316 : memref<32x8xi32, #tpu.memory_space<hbm>>) dst(%arg8 : memref<32x8xi32, #tpu.memory_space<vmem>>)
      tpu.yield
    }) : () -> ()
    "tpu.region"() ({
      %run_scoped3A = tpu.sem_alloc : memref<!tpu.dma_semaphore, #tpu.memory_space<semaphore_mem>>
      %dma_start3A_301 = arith.constant 0 : i32
      %dma_start3A_302 = arith.constant 0 : i32
      %dma_start3A_303 = tpu.memref_slice %arg3[%add3A, %dma_start3A_301, %dma_start3A_302] : memref<32x32x8xi32, #tpu.memory_space<hbm>> -> memref<1x32x8xi32, #tpu.memory_space<hbm>>
      %dma_start3A_304 = tpu.memref_squeeze %dma_start3A_303 : memref<1x32x8xi32, #tpu.memory_space<hbm>> -> memref<32x8xi32, #tpu.memory_space<hbm>>
      %dma_start3A_305 = arith.constant 0 : i32
      %dma_start3A_306 = arith.constant 0 : i32
      %dma_start3A_307 = tpu.memref_slice %arg3[%add3A, %dma_start3A_305, %dma_start3A_306] : memref<32x32x8xi32, #tpu.memory_space<hbm>> -> memref<1x32x8xi32, #tpu.memory_space<hbm>>
      %dma_start3A_308 = tpu.memref_squeeze %dma_start3A_307 : memref<1x32x8xi32, #tpu.memory_space<hbm>> -> memref<32x8xi32, #tpu.memory_space<hbm>>
      tpu.enqueue_dma source(%dma_start3A_308 : memref<32x8xi32, #tpu.memory_space<hbm>>) target(%arg9 : memref<32x8xi32, #tpu.memory_space<vmem>>) target_semaphore(%run_scoped3A : memref<!tpu.dma_semaphore, #tpu.memory_space<semaphore_mem>>)
      %dma_wait3A_309 = arith.constant 0 : i32
      %dma_wait3A_310 = arith.constant 0 : i32
      %dma_wait3A_311 = tpu.memref_slice %arg3[%add3A, %dma_wait3A_309, %dma_wait3A_310] : memref<32x32x8xi32, #tpu.memory_space<hbm>> -> memref<1x32x8xi32, #tpu.memory_space<hbm>>
      %dma_wait3A_312 = tpu.memref_squeeze %dma_wait3A_311 : memref<1x32x8xi32, #tpu.memory_space<hbm>> -> memref<32x8xi32, #tpu.memory_space<hbm>>
      %dma_wait3A_313 = arith.constant 0 : i32
      %dma_wait3A_314 = arith.constant 0 : i32
      %dma_wait3A_315 = tpu.memref_slice %arg3[%add3A, %dma_wait3A_313, %dma_wait3A_314] : memref<32x32x8xi32, #tpu.memory_space<hbm>> -> memref<1x32x8xi32, #tpu.memory_space<hbm>>
      %dma_wait3A_316 = tpu.memref_squeeze %dma_wait3A_315 : memref<1x32x8xi32, #tpu.memory_space<hbm>> -> memref<32x8xi32, #tpu.memory_space<hbm>>
      tpu.wait_dma2 semaphore(%run_scoped3A : memref<!tpu.dma_semaphore, #tpu.memory_space<semaphore_mem>>) src(%dma_wait3A_316 : memref<32x8xi32, #tpu.memory_space<hbm>>) dst(%arg9 : memref<32x8xi32, #tpu.memory_space<vmem>>)
      tpu.yield
    }) : () -> ()
    %rem3A = arith.constant 0 : i32
    %rem3A_3 = arith.constant 8 : i32
    %rem3A_4 = arith.remsi %rem3A, %rem3A_3 : i32
    %dma_start3A = arith.constant 0 : i32
    %dma_start3A_5 = arith.constant 0 : i32
    %dma_start3A_6 = arith.constant 0 : i32
    %dma_start3A_7 = tpu.memref_slice %arg10[%rem3A_4, %dma_start3A_5, %dma_start3A_6] : memref<8x8x768xf32, #tpu.memory_space<vmem>> -> memref<1x8x768xf32, #tpu.memory_space<vmem>>
    %dma_start3A_8 = tpu.memref_squeeze %dma_start3A_7 : memref<1x8x768xf32, #tpu.memory_space<vmem>> -> memref<8x768xf32, #tpu.memory_space<vmem>>
    %dma_start3A_9 = arith.constant 0 : i32
    %dma_start3A_10 = tpu.memref_slice %arg8[%dma_start3A, %dma_start3A_9] : memref<32x8xi32, #tpu.memory_space<vmem>> -> memref<1x8xi32, #tpu.memory_space<vmem>>
    %dma_start3A_11 = tpu.memref_squeeze %dma_start3A_10 : memref<1x8xi32, #tpu.memory_space<vmem>> -> memref<8xi32, #tpu.memory_space<vmem>>
    %dma_start3A_12 = arith.constant 0 : i32
    %dma_start3A_13 = arith.constant 0 : i32
    %dma_start3A_14 = tpu.memref_slice %arg4[%dma_start3A_12, %dma_start3A_13] : memref<30522x768xf32, #tpu.memory_space<hbm>> -> memref<30522x768xf32, #tpu.memory_space<hbm>>
    %dma_start3A_15 = tpu.memref_slice %arg13[%rem3A_4] : memref<8x!tpu.dma_semaphore, #tpu.memory_space<semaphore_mem>> -> memref<1x!tpu.dma_semaphore, #tpu.memory_space<semaphore_mem>>
    %dma_start3A_16 = tpu.memref_squeeze %dma_start3A_15 : memref<1x!tpu.dma_semaphore, #tpu.memory_space<semaphore_mem>> -> memref<!tpu.dma_semaphore, #tpu.memory_space<semaphore_mem>>
    tpu.enqueue_indirect_dma source(%dma_start3A_14 : memref<30522x768xf32, #tpu.memory_space<hbm>>) target(%dma_start3A_8 : memref<8x768xf32, #tpu.memory_space<vmem>>) offsets(%dma_start3A_11 : memref<8xi32, #tpu.memory_space<vmem>>) semaphore(%dma_start3A_16 : memref<!tpu.dma_semaphore, #tpu.memory_space<semaphore_mem>>)
    %rem3A_17 = arith.constant 0 : i32
    %rem3A_18 = arith.constant 8 : i32
    %rem3A_19 = arith.remsi %rem3A_17, %rem3A_18 : i32
    %dma_start3A_20 = arith.constant 0 : i32
    %dma_start3A_21 = arith.constant 0 : i32
    %dma_start3A_22 = arith.constant 0 : i32
    %dma_start3A_23 = tpu.memref_slice %arg11[%rem3A_19, %dma_start3A_21, %dma_start3A_22] : memref<8x8x768xf32, #tpu.memory_space<vmem>> -> memref<1x8x768xf32, #tpu.memory_space<vmem>>
    %dma_start3A_24 = tpu.memref_squeeze %dma_start3A_23 : memref<1x8x768xf32, #tpu.memory_space<vmem>> -> memref<8x768xf32, #tpu.memory_space<vmem>>
    %dma_start3A_25 = arith.constant 0 : i32
    %dma_start3A_26 = tpu.memref_slice %arg9[%dma_start3A_20, %dma_start3A_25] : memref<32x8xi32, #tpu.memory_space<vmem>> -> memref<1x8xi32, #tpu.memory_space<vmem>>
    %dma_start3A_27 = tpu.memref_squeeze %dma_start3A_26 : memref<1x8xi32, #tpu.memory_space<vmem>> -> memref<8xi32, #tpu.memory_space<vmem>>
    %dma_start3A_28 = arith.constant 0 : i32
    %dma_start3A_29 = arith.constant 0 : i32
    %dma_start3A_30 = tpu.memref_slice %arg5[%dma_start3A_28, %dma_start3A_29] : memref<2048x768xf32, #tpu.memory_space<hbm>> -> memref<2048x768xf32, #tpu.memory_space<hbm>>
    %dma_start3A_31 = tpu.memref_slice %arg14[%rem3A_19] : memref<8x!tpu.dma_semaphore, #tpu.memory_space<semaphore_mem>> -> memref<1x!tpu.dma_semaphore, #tpu.memory_space<semaphore_mem>>
    %dma_start3A_32 = tpu.memref_squeeze %dma_start3A_31 : memref<1x!tpu.dma_semaphore, #tpu.memory_space<semaphore_mem>> -> memref<!tpu.dma_semaphore, #tpu.memory_space<semaphore_mem>>
    tpu.enqueue_indirect_dma source(%dma_start3A_30 : memref<2048x768xf32, #tpu.memory_space<hbm>>) target(%dma_start3A_24 : memref<8x768xf32, #tpu.memory_space<vmem>>) offsets(%dma_start3A_27 : memref<8xi32, #tpu.memory_space<vmem>>) semaphore(%dma_start3A_32 : memref<!tpu.dma_semaphore, #tpu.memory_space<semaphore_mem>>)
    %rem3A_33 = arith.constant 1 : i32
    %rem3A_34 = arith.constant 8 : i32
    %rem3A_35 = arith.remsi %rem3A_33, %rem3A_34 : i32
    %dma_start3A_36 = arith.constant 1 : i32
    %dma_start3A_37 = arith.constant 0 : i32
    %dma_start3A_38 = arith.constant 0 : i32
    %dma_start3A_39 = tpu.memref_slice %arg10[%rem3A_35, %dma_start3A_37, %dma_start3A_38] : memref<8x8x768xf32, #tpu.memory_space<vmem>> -> memref<1x8x768xf32, #tpu.memory_space<vmem>>
    %dma_start3A_40 = tpu.memref_squeeze %dma_start3A_39 : memref<1x8x768xf32, #tpu.memory_space<vmem>> -> memref<8x768xf32, #tpu.memory_space<vmem>>
    %dma_start3A_41 = arith.constant 0 : i32
    %dma_start3A_42 = tpu.memref_slice %arg8[%dma_start3A_36, %dma_start3A_41] : memref<32x8xi32, #tpu.memory_space<vmem>> -> memref<1x8xi32, #tpu.memory_space<vmem>>
    %dma_start3A_43 = tpu.memref_squeeze %dma_start3A_42 : memref<1x8xi32, #tpu.memory_space<vmem>> -> memref<8xi32, #tpu.memory_space<vmem>>
    %dma_start3A_44 = arith.constant 0 : i32
    %dma_start3A_45 = arith.constant 0 : i32
    %dma_start3A_46 = tpu.memref_slice %arg4[%dma_start3A_44, %dma_start3A_45] : memref<30522x768xf32, #tpu.memory_space<hbm>> -> memref<30522x768xf32, #tpu.memory_space<hbm>>
    %dma_start3A_47 = tpu.memref_slice %arg13[%rem3A_35] : memref<8x!tpu.dma_semaphore, #tpu.memory_space<semaphore_mem>> -> memref<1x!tpu.dma_semaphore, #tpu.memory_space<semaphore_mem>>
    %dma_start3A_48 = tpu.memref_squeeze %dma_start3A_47 : memref<1x!tpu.dma_semaphore, #tpu.memory_space<semaphore_mem>> -> memref<!tpu.dma_semaphore, #tpu.memory_space<semaphore_mem>>
    tpu.enqueue_indirect_dma source(%dma_start3A_46 : memref<30522x768xf32, #tpu.memory_space<hbm>>) target(%dma_start3A_40 : memref<8x768xf32, #tpu.memory_space<vmem>>) offsets(%dma_start3A_43 : memref<8xi32, #tpu.memory_space<vmem>>) semaphore(%dma_start3A_48 : memref<!tpu.dma_semaphore, #tpu.memory_space<semaphore_mem>>)
    %rem3A_49 = arith.constant 1 : i32
    %rem3A_50 = arith.constant 8 : i32
    %rem3A_51 = arith.remsi %rem3A_49, %rem3A_50 : i32
    %dma_start3A_52 = arith.constant 1 : i32
    %dma_start3A_53 = arith.constant 0 : i32
    %dma_start3A_54 = arith.constant 0 : i32
    %dma_start3A_55 = tpu.memref_slice %arg11[%rem3A_51, %dma_start3A_53, %dma_start3A_54] : memref<8x8x768xf32, #tpu.memory_space<vmem>> -> memref<1x8x768xf32, #tpu.memory_space<vmem>>
    %dma_start3A_56 = tpu.memref_squeeze %dma_start3A_55 : memref<1x8x768xf32, #tpu.memory_space<vmem>> -> memref<8x768xf32, #tpu.memory_space<vmem>>
    %dma_start3A_57 = arith.constant 0 : i32
    %dma_start3A_58 = tpu.memref_slice %arg9[%dma_start3A_52, %dma_start3A_57] : memref<32x8xi32, #tpu.memory_space<vmem>> -> memref<1x8xi32, #tpu.memory_space<vmem>>
    %dma_start3A_59 = tpu.memref_squeeze %dma_start3A_58 : memref<1x8xi32, #tpu.memory_space<vmem>> -> memref<8xi32, #tpu.memory_space<vmem>>
    %dma_start3A_60 = arith.constant 0 : i32
    %dma_start3A_61 = arith.constant 0 : i32
    %dma_start3A_62 = tpu.memref_slice %arg5[%dma_start3A_60, %dma_start3A_61] : memref<2048x768xf32, #tpu.memory_space<hbm>> -> memref<2048x768xf32, #tpu.memory_space<hbm>>
    %dma_start3A_63 = tpu.memref_slice %arg14[%rem3A_51] : memref<8x!tpu.dma_semaphore, #tpu.memory_space<semaphore_mem>> -> memref<1x!tpu.dma_semaphore, #tpu.memory_space<semaphore_mem>>
    %dma_start3A_64 = tpu.memref_squeeze %dma_start3A_63 : memref<1x!tpu.dma_semaphore, #tpu.memory_space<semaphore_mem>> -> memref<!tpu.dma_semaphore, #tpu.memory_space<semaphore_mem>>
    tpu.enqueue_indirect_dma source(%dma_start3A_62 : memref<2048x768xf32, #tpu.memory_space<hbm>>) target(%dma_start3A_56 : memref<8x768xf32, #tpu.memory_space<vmem>>) offsets(%dma_start3A_59 : memref<8xi32, #tpu.memory_space<vmem>>) semaphore(%dma_start3A_64 : memref<!tpu.dma_semaphore, #tpu.memory_space<semaphore_mem>>)
    %rem3A_65 = arith.constant 2 : i32
    %rem3A_66 = arith.constant 8 : i32
    %rem3A_67 = arith.remsi %rem3A_65, %rem3A_66 : i32
    %dma_start3A_68 = arith.constant 2 : i32
    %dma_start3A_69 = arith.constant 0 : i32
    %dma_start3A_70 = arith.constant 0 : i32
    %dma_start3A_71 = tpu.memref_slice %arg10[%rem3A_67, %dma_start3A_69, %dma_start3A_70] : memref<8x8x768xf32, #tpu.memory_space<vmem>> -> memref<1x8x768xf32, #tpu.memory_space<vmem>>
    %dma_start3A_72 = tpu.memref_squeeze %dma_start3A_71 : memref<1x8x768xf32, #tpu.memory_space<vmem>> -> memref<8x768xf32, #tpu.memory_space<vmem>>
    %dma_start3A_73 = arith.constant 0 : i32
    %dma_start3A_74 = tpu.memref_slice %arg8[%dma_start3A_68, %dma_start3A_73] : memref<32x8xi32, #tpu.memory_space<vmem>> -> memref<1x8xi32, #tpu.memory_space<vmem>>
    %dma_start3A_75 = tpu.memref_squeeze %dma_start3A_74 : memref<1x8xi32, #tpu.memory_space<vmem>> -> memref<8xi32, #tpu.memory_space<vmem>>
    %dma_start3A_76 = arith.constant 0 : i32
    %dma_start3A_77 = arith.constant 0 : i32
    %dma_start3A_78 = tpu.memref_slice %arg4[%dma_start3A_76, %dma_start3A_77] : memref<30522x768xf32, #tpu.memory_space<hbm>> -> memref<30522x768xf32, #tpu.memory_space<hbm>>
    %dma_start3A_79 = tpu.memref_slice %arg13[%rem3A_67] : memref<8x!tpu.dma_semaphore, #tpu.memory_space<semaphore_mem>> -> memref<1x!tpu.dma_semaphore, #tpu.memory_space<semaphore_mem>>
    %dma_start3A_80 = tpu.memref_squeeze %dma_start3A_79 : memref<1x!tpu.dma_semaphore, #tpu.memory_space<semaphore_mem>> -> memref<!tpu.dma_semaphore, #tpu.memory_space<semaphore_mem>>
    tpu.enqueue_indirect_dma source(%dma_start3A_78 : memref<30522x768xf32, #tpu.memory_space<hbm>>) target(%dma_start3A_72 : memref<8x768xf32, #tpu.memory_space<vmem>>) offsets(%dma_start3A_75 : memref<8xi32, #tpu.memory_space<vmem>>) semaphore(%dma_start3A_80 : memref<!tpu.dma_semaphore, #tpu.memory_space<semaphore_mem>>)
    %rem3A_81 = arith.constant 2 : i32
    %rem3A_82 = arith.constant 8 : i32
    %rem3A_83 = arith.remsi %rem3A_81, %rem3A_82 : i32
    %dma_start3A_84 = arith.constant 2 : i32
    %dma_start3A_85 = arith.constant 0 : i32
    %dma_start3A_86 = arith.constant 0 : i32
    %dma_start3A_87 = tpu.memref_slice %arg11[%rem3A_83, %dma_start3A_85, %dma_start3A_86] : memref<8x8x768xf32, #tpu.memory_space<vmem>> -> memref<1x8x768xf32, #tpu.memory_space<vmem>>
    %dma_start3A_88 = tpu.memref_squeeze %dma_start3A_87 : memref<1x8x768xf32, #tpu.memory_space<vmem>> -> memref<8x768xf32, #tpu.memory_space<vmem>>
    %dma_start3A_89 = arith.constant 0 : i32
    %dma_start3A_90 = tpu.memref_slice %arg9[%dma_start3A_84, %dma_start3A_89] : memref<32x8xi32, #tpu.memory_space<vmem>> -> memref<1x8xi32, #tpu.memory_space<vmem>>
    %dma_start3A_91 = tpu.memref_squeeze %dma_start3A_90 : memref<1x8xi32, #tpu.memory_space<vmem>> -> memref<8xi32, #tpu.memory_space<vmem>>
    %dma_start3A_92 = arith.constant 0 : i32
    %dma_start3A_93 = arith.constant 0 : i32
    %dma_start3A_94 = tpu.memref_slice %arg5[%dma_start3A_92, %dma_start3A_93] : memref<2048x768xf32, #tpu.memory_space<hbm>> -> memref<2048x768xf32, #tpu.memory_space<hbm>>
    %dma_start3A_95 = tpu.memref_slice %arg14[%rem3A_83] : memref<8x!tpu.dma_semaphore, #tpu.memory_space<semaphore_mem>> -> memref<1x!tpu.dma_semaphore, #tpu.memory_space<semaphore_mem>>
    %dma_start3A_96 = tpu.memref_squeeze %dma_start3A_95 : memref<1x!tpu.dma_semaphore, #tpu.memory_space<semaphore_mem>> -> memref<!tpu.dma_semaphore, #tpu.memory_space<semaphore_mem>>
    tpu.enqueue_indirect_dma source(%dma_start3A_94 : memref<2048x768xf32, #tpu.memory_space<hbm>>) target(%dma_start3A_88 : memref<8x768xf32, #tpu.memory_space<vmem>>) offsets(%dma_start3A_91 : memref<8xi32, #tpu.memory_space<vmem>>) semaphore(%dma_start3A_96 : memref<!tpu.dma_semaphore, #tpu.memory_space<semaphore_mem>>)
    %rem3A_97 = arith.constant 3 : i32
    %rem3A_98 = arith.constant 8 : i32
    %rem3A_99 = arith.remsi %rem3A_97, %rem3A_98 : i32
    %dma_start3A_100 = arith.constant 3 : i32
    %dma_start3A_101 = arith.constant 0 : i32
    %dma_start3A_102 = arith.constant 0 : i32
    %dma_start3A_103 = tpu.memref_slice %arg10[%rem3A_99, %dma_start3A_101, %dma_start3A_102] : memref<8x8x768xf32, #tpu.memory_space<vmem>> -> memref<1x8x768xf32, #tpu.memory_space<vmem>>
    %dma_start3A_104 = tpu.memref_squeeze %dma_start3A_103 : memref<1x8x768xf32, #tpu.memory_space<vmem>> -> memref<8x768xf32, #tpu.memory_space<vmem>>
    %dma_start3A_105 = arith.constant 0 : i32
    %dma_start3A_106 = tpu.memref_slice %arg8[%dma_start3A_100, %dma_start3A_105] : memref<32x8xi32, #tpu.memory_space<vmem>> -> memref<1x8xi32, #tpu.memory_space<vmem>>
    %dma_start3A_107 = tpu.memref_squeeze %dma_start3A_106 : memref<1x8xi32, #tpu.memory_space<vmem>> -> memref<8xi32, #tpu.memory_space<vmem>>
    %dma_start3A_108 = arith.constant 0 : i32
    %dma_start3A_109 = arith.constant 0 : i32
    %dma_start3A_110 = tpu.memref_slice %arg4[%dma_start3A_108, %dma_start3A_109] : memref<30522x768xf32, #tpu.memory_space<hbm>> -> memref<30522x768xf32, #tpu.memory_space<hbm>>
    %dma_start3A_111 = tpu.memref_slice %arg13[%rem3A_99] : memref<8x!tpu.dma_semaphore, #tpu.memory_space<semaphore_mem>> -> memref<1x!tpu.dma_semaphore, #tpu.memory_space<semaphore_mem>>
    %dma_start3A_112 = tpu.memref_squeeze %dma_start3A_111 : memref<1x!tpu.dma_semaphore, #tpu.memory_space<semaphore_mem>> -> memref<!tpu.dma_semaphore, #tpu.memory_space<semaphore_mem>>
    tpu.enqueue_indirect_dma source(%dma_start3A_110 : memref<30522x768xf32, #tpu.memory_space<hbm>>) target(%dma_start3A_104 : memref<8x768xf32, #tpu.memory_space<vmem>>) offsets(%dma_start3A_107 : memref<8xi32, #tpu.memory_space<vmem>>) semaphore(%dma_start3A_112 : memref<!tpu.dma_semaphore, #tpu.memory_space<semaphore_mem>>)
    %rem3A_113 = arith.constant 3 : i32
    %rem3A_114 = arith.constant 8 : i32
    %rem3A_115 = arith.remsi %rem3A_113, %rem3A_114 : i32
    %dma_start3A_116 = arith.constant 3 : i32
    %dma_start3A_117 = arith.constant 0 : i32
    %dma_start3A_118 = arith.constant 0 : i32
    %dma_start3A_119 = tpu.memref_slice %arg11[%rem3A_115, %dma_start3A_117, %dma_start3A_118] : memref<8x8x768xf32, #tpu.memory_space<vmem>> -> memref<1x8x768xf32, #tpu.memory_space<vmem>>
    %dma_start3A_120 = tpu.memref_squeeze %dma_start3A_119 : memref<1x8x768xf32, #tpu.memory_space<vmem>> -> memref<8x768xf32, #tpu.memory_space<vmem>>
    %dma_start3A_121 = arith.constant 0 : i32
    %dma_start3A_122 = tpu.memref_slice %arg9[%dma_start3A_116, %dma_start3A_121] : memref<32x8xi32, #tpu.memory_space<vmem>> -> memref<1x8xi32, #tpu.memory_space<vmem>>
    %dma_start3A_123 = tpu.memref_squeeze %dma_start3A_122 : memref<1x8xi32, #tpu.memory_space<vmem>> -> memref<8xi32, #tpu.memory_space<vmem>>
    %dma_start3A_124 = arith.constant 0 : i32
    %dma_start3A_125 = arith.constant 0 : i32
    %dma_start3A_126 = tpu.memref_slice %arg5[%dma_start3A_124, %dma_start3A_125] : memref<2048x768xf32, #tpu.memory_space<hbm>> -> memref<2048x768xf32, #tpu.memory_space<hbm>>
    %dma_start3A_127 = tpu.memref_slice %arg14[%rem3A_115] : memref<8x!tpu.dma_semaphore, #tpu.memory_space<semaphore_mem>> -> memref<1x!tpu.dma_semaphore, #tpu.memory_space<semaphore_mem>>
    %dma_start3A_128 = tpu.memref_squeeze %dma_start3A_127 : memref<1x!tpu.dma_semaphore, #tpu.memory_space<semaphore_mem>> -> memref<!tpu.dma_semaphore, #tpu.memory_space<semaphore_mem>>
    tpu.enqueue_indirect_dma source(%dma_start3A_126 : memref<2048x768xf32, #tpu.memory_space<hbm>>) target(%dma_start3A_120 : memref<8x768xf32, #tpu.memory_space<vmem>>) offsets(%dma_start3A_123 : memref<8xi32, #tpu.memory_space<vmem>>) semaphore(%dma_start3A_128 : memref<!tpu.dma_semaphore, #tpu.memory_space<semaphore_mem>>)
    %scan3A = arith.constant 0 : i32
    %scan3A_129 = arith.constant 0 : i32
    %scan3A_130 = arith.constant 32 : i32
    %scan3A_131 = arith.addi %scan3A_129, %scan3A_130 : i32
    %scan3A_132 = arith.constant 1 : i32
    scf.for %scan3A_301 = %scan3A_129 to %scan3A_131 step %scan3A_132  : i32 {
      %add3A_302 = arith.constant 4 : i32
      %add3A_303 = arith.addi %scan3A_301, %add3A_302 : i32
      %lt3A = arith.constant 32 : i32
      %lt3A_304 = arith.cmpi slt, %add3A_303, %lt3A : i32
      %convert_element_type3A = arith.extui %lt3A_304 : i1 to i32
      %cond3A = arith.constant 0 : i32
      %cond3A_305 = arith.cmpi ne, %convert_element_type3A, %cond3A : i32
      scf.if %cond3A_305 {
        %ge3A = arith.constant 4 : i32
        %ge3A_357 = arith.cmpi sge, %scan3A_301, %ge3A : i32
        %convert_element_type3A_358 = arith.extui %ge3A_357 : i1 to i32
        %cond3A_359 = arith.constant 0 : i32
        %cond3A_360 = arith.cmpi ne, %convert_element_type3A_358, %cond3A_359 : i32
        scf.if %cond3A_360 {
          %add3A_391 = arith.constant 4 : i32
          %add3A_392 = arith.addi %scan3A_301, %add3A_391 : i32
          %sub3A = arith.constant 8 : i32
          %sub3A_393 = arith.subi %add3A_392, %sub3A : i32
          %rem3A_394 = arith.constant 8 : i32
          %rem3A_395 = arith.remsi %sub3A_393, %rem3A_394 : i32
          %mul3A_396 = arith.constant 8 : i32
          %mul3A_397 = arith.muli %sub3A_393, %mul3A_396 : i32
          %add3A_398 = arith.addi %mul3A_2, %mul3A_397 : i32
          %dma_wait3A_399 = arith.constant 0 : i32
          %dma_wait3A_400 = arith.constant 0 : i32
          %dma_wait3A_401 = tpu.memref_slice %arg10[%rem3A_395, %dma_wait3A_399, %dma_wait3A_400] : memref<8x8x768xf32, #tpu.memory_space<vmem>> -> memref<1x8x768xf32, #tpu.memory_space<vmem>>
          %dma_wait3A_402 = tpu.memref_squeeze %dma_wait3A_401 : memref<1x8x768xf32, #tpu.memory_space<vmem>> -> memref<8x768xf32, #tpu.memory_space<vmem>>
          %dma_wait3A_403 = arith.constant 0 : i32
          %dma_wait3A_404 = tpu.memref_slice %arg7[%add3A_398, %dma_wait3A_403] : memref<8192x768xf32, #tpu.memory_space<hbm>> -> memref<8x768xf32, #tpu.memory_space<hbm>>
          %dma_wait3A_405 = tpu.memref_slice %arg15[%rem3A_395] : memref<8x!tpu.dma_semaphore, #tpu.memory_space<semaphore_mem>> -> memref<1x!tpu.dma_semaphore, #tpu.memory_space<semaphore_mem>>
          %dma_wait3A_406 = tpu.memref_squeeze %dma_wait3A_405 : memref<1x!tpu.dma_semaphore, #tpu.memory_space<semaphore_mem>> -> memref<!tpu.dma_semaphore, #tpu.memory_space<semaphore_mem>>
          %dma_wait3A_407 = arith.constant 0 : i32
          %dma_wait3A_408 = tpu.memref_slice %arg7[%add3A_398, %dma_wait3A_407] : memref<8192x768xf32, #tpu.memory_space<hbm>> -> memref<8x768xf32, #tpu.memory_space<hbm>>
          %dma_wait3A_409 = arith.constant 0 : i32
          %dma_wait3A_410 = arith.constant 0 : i32
          %dma_wait3A_411 = tpu.memref_slice %arg10[%rem3A_395, %dma_wait3A_409, %dma_wait3A_410] : memref<8x8x768xf32, #tpu.memory_space<vmem>> -> memref<1x8x768xf32, #tpu.memory_space<vmem>>
          %dma_wait3A_412 = tpu.memref_squeeze %dma_wait3A_411 : memref<1x8x768xf32, #tpu.memory_space<vmem>> -> memref<8x768xf32, #tpu.memory_space<vmem>>
          tpu.wait_dma2 semaphore(%dma_wait3A_406 : memref<!tpu.dma_semaphore, #tpu.memory_space<semaphore_mem>>) src(%dma_wait3A_412 : memref<8x768xf32, #tpu.memory_space<vmem>>) dst(%dma_wait3A_408 : memref<8x768xf32, #tpu.memory_space<hbm>>)
        } else {
        }
        %add3A_361 = arith.constant 4 : i32
        %add3A_362 = arith.addi %scan3A_301, %add3A_361 : i32
        %rem3A_363 = arith.constant 8 : i32
        %rem3A_364 = arith.remsi %add3A_362, %rem3A_363 : i32
        %dma_start3A_365 = arith.constant 0 : i32
        %dma_start3A_366 = arith.constant 0 : i32
        %dma_start3A_367 = tpu.memref_slice %arg10[%rem3A_364, %dma_start3A_365, %dma_start3A_366] : memref<8x8x768xf32, #tpu.memory_space<vmem>> -> memref<1x8x768xf32, #tpu.memory_space<vmem>>
        %dma_start3A_368 = tpu.memref_squeeze %dma_start3A_367 : memref<1x8x768xf32, #tpu.memory_space<vmem>> -> memref<8x768xf32, #tpu.memory_space<vmem>>
        %dma_start3A_369 = arith.constant 0 : i32
        %dma_start3A_370 = tpu.memref_slice %arg8[%add3A_362, %dma_start3A_369] : memref<32x8xi32, #tpu.memory_space<vmem>> -> memref<1x8xi32, #tpu.memory_space<vmem>>
        %dma_start3A_371 = tpu.memref_squeeze %dma_start3A_370 : memref<1x8xi32, #tpu.memory_space<vmem>> -> memref<8xi32, #tpu.memory_space<vmem>>
        %dma_start3A_372 = arith.constant 0 : i32
        %dma_start3A_373 = arith.constant 0 : i32
        %dma_start3A_374 = tpu.memref_slice %arg4[%dma_start3A_372, %dma_start3A_373] : memref<30522x768xf32, #tpu.memory_space<hbm>> -> memref<30522x768xf32, #tpu.memory_space<hbm>>
        %dma_start3A_375 = tpu.memref_slice %arg13[%rem3A_364] : memref<8x!tpu.dma_semaphore, #tpu.memory_space<semaphore_mem>> -> memref<1x!tpu.dma_semaphore, #tpu.memory_space<semaphore_mem>>
        %dma_start3A_376 = tpu.memref_squeeze %dma_start3A_375 : memref<1x!tpu.dma_semaphore, #tpu.memory_space<semaphore_mem>> -> memref<!tpu.dma_semaphore, #tpu.memory_space<semaphore_mem>>
        tpu.enqueue_indirect_dma source(%dma_start3A_374 : memref<30522x768xf32, #tpu.memory_space<hbm>>) target(%dma_start3A_368 : memref<8x768xf32, #tpu.memory_space<vmem>>) offsets(%dma_start3A_371 : memref<8xi32, #tpu.memory_space<vmem>>) semaphore(%dma_start3A_376 : memref<!tpu.dma_semaphore, #tpu.memory_space<semaphore_mem>>)
        %rem3A_377 = arith.constant 8 : i32
        %rem3A_378 = arith.remsi %add3A_362, %rem3A_377 : i32
        %dma_start3A_379 = arith.constant 0 : i32
        %dma_start3A_380 = arith.constant 0 : i32
        %dma_start3A_381 = tpu.memref_slice %arg11[%rem3A_378, %dma_start3A_379, %dma_start3A_380] : memref<8x8x768xf32, #tpu.memory_space<vmem>> -> memref<1x8x768xf32, #tpu.memory_space<vmem>>
        %dma_start3A_382 = tpu.memref_squeeze %dma_start3A_381 : memref<1x8x768xf32, #tpu.memory_space<vmem>> -> memref<8x768xf32, #tpu.memory_space<vmem>>
        %dma_start3A_383 = arith.constant 0 : i32
        %dma_start3A_384 = tpu.memref_slice %arg9[%add3A_362, %dma_start3A_383] : memref<32x8xi32, #tpu.memory_space<vmem>> -> memref<1x8xi32, #tpu.memory_space<vmem>>
        %dma_start3A_385 = tpu.memref_squeeze %dma_start3A_384 : memref<1x8xi32, #tpu.memory_space<vmem>> -> memref<8xi32, #tpu.memory_space<vmem>>
        %dma_start3A_386 = arith.constant 0 : i32
        %dma_start3A_387 = arith.constant 0 : i32
        %dma_start3A_388 = tpu.memref_slice %arg5[%dma_start3A_386, %dma_start3A_387] : memref<2048x768xf32, #tpu.memory_space<hbm>> -> memref<2048x768xf32, #tpu.memory_space<hbm>>
        %dma_start3A_389 = tpu.memref_slice %arg14[%rem3A_378] : memref<8x!tpu.dma_semaphore, #tpu.memory_space<semaphore_mem>> -> memref<1x!tpu.dma_semaphore, #tpu.memory_space<semaphore_mem>>
        %dma_start3A_390 = tpu.memref_squeeze %dma_start3A_389 : memref<1x!tpu.dma_semaphore, #tpu.memory_space<semaphore_mem>> -> memref<!tpu.dma_semaphore, #tpu.memory_space<semaphore_mem>>
        tpu.enqueue_indirect_dma source(%dma_start3A_388 : memref<2048x768xf32, #tpu.memory_space<hbm>>) target(%dma_start3A_382 : memref<8x768xf32, #tpu.memory_space<vmem>>) offsets(%dma_start3A_385 : memref<8xi32, #tpu.memory_space<vmem>>) semaphore(%dma_start3A_390 : memref<!tpu.dma_semaphore, #tpu.memory_space<semaphore_mem>>)
      } else {
      }
      %rem3A_306 = arith.constant 8 : i32
      %rem3A_307 = arith.remsi %scan3A_301, %rem3A_306 : i32
      %dma_wait3A_308 = arith.constant 0 : i32
      %dma_wait3A_309 = arith.constant 0 : i32
      %dma_wait3A_310 = tpu.memref_slice %arg10[%rem3A_307, %dma_wait3A_308, %dma_wait3A_309] : memref<8x8x768xf32, #tpu.memory_space<vmem>> -> memref<1x8x768xf32, #tpu.memory_space<vmem>>
      %dma_wait3A_311 = tpu.memref_squeeze %dma_wait3A_310 : memref<1x8x768xf32, #tpu.memory_space<vmem>> -> memref<8x768xf32, #tpu.memory_space<vmem>>
      %dma_wait3A_312 = arith.constant 0 : i32
      %dma_wait3A_313 = tpu.memref_slice %arg8[%scan3A_301, %dma_wait3A_312] : memref<32x8xi32, #tpu.memory_space<vmem>> -> memref<1x8xi32, #tpu.memory_space<vmem>>
      %dma_wait3A_314 = tpu.memref_squeeze %dma_wait3A_313 : memref<1x8xi32, #tpu.memory_space<vmem>> -> memref<8xi32, #tpu.memory_space<vmem>>
      %dma_wait3A_315 = arith.constant 0 : i32
      %dma_wait3A_316 = arith.constant 0 : i32
      %dma_wait3A_317 = tpu.memref_slice %arg4[%dma_wait3A_315, %dma_wait3A_316] : memref<30522x768xf32, #tpu.memory_space<hbm>> -> memref<30522x768xf32, #tpu.memory_space<hbm>>
      %dma_wait3A_318 = tpu.memref_slice %arg13[%rem3A_307] : memref<8x!tpu.dma_semaphore, #tpu.memory_space<semaphore_mem>> -> memref<1x!tpu.dma_semaphore, #tpu.memory_space<semaphore_mem>>
      %dma_wait3A_319 = tpu.memref_squeeze %dma_wait3A_318 : memref<1x!tpu.dma_semaphore, #tpu.memory_space<semaphore_mem>> -> memref<!tpu.dma_semaphore, #tpu.memory_space<semaphore_mem>>
      tpu.wait_indirect_dma semaphore(%dma_wait3A_319 : memref<!tpu.dma_semaphore, #tpu.memory_space<semaphore_mem>>) src(%dma_wait3A_317 : memref<30522x768xf32, #tpu.memory_space<hbm>>) dst(%dma_wait3A_311 : memref<8x768xf32, #tpu.memory_space<vmem>>)
      %rem3A_320 = arith.constant 8 : i32
      %rem3A_321 = arith.remsi %scan3A_301, %rem3A_320 : i32
      %dma_wait3A_322 = arith.constant 0 : i32
      %dma_wait3A_323 = arith.constant 0 : i32
      %dma_wait3A_324 = tpu.memref_slice %arg11[%rem3A_321, %dma_wait3A_322, %dma_wait3A_323] : memref<8x8x768xf32, #tpu.memory_space<vmem>> -> memref<1x8x768xf32, #tpu.memory_space<vmem>>
      %dma_wait3A_325 = tpu.memref_squeeze %dma_wait3A_324 : memref<1x8x768xf32, #tpu.memory_space<vmem>> -> memref<8x768xf32, #tpu.memory_space<vmem>>
      %dma_wait3A_326 = arith.constant 0 : i32
      %dma_wait3A_327 = tpu.memref_slice %arg9[%scan3A_301, %dma_wait3A_326] : memref<32x8xi32, #tpu.memory_space<vmem>> -> memref<1x8xi32, #tpu.memory_space<vmem>>
      %dma_wait3A_328 = tpu.memref_squeeze %dma_wait3A_327 : memref<1x8xi32, #tpu.memory_space<vmem>> -> memref<8xi32, #tpu.memory_space<vmem>>
      %dma_wait3A_329 = arith.constant 0 : i32
      %dma_wait3A_330 = arith.constant 0 : i32
      %dma_wait3A_331 = tpu.memref_slice %arg5[%dma_wait3A_329, %dma_wait3A_330] : memref<2048x768xf32, #tpu.memory_space<hbm>> -> memref<2048x768xf32, #tpu.memory_space<hbm>>
      %dma_wait3A_332 = tpu.memref_slice %arg14[%rem3A_321] : memref<8x!tpu.dma_semaphore, #tpu.memory_space<semaphore_mem>> -> memref<1x!tpu.dma_semaphore, #tpu.memory_space<semaphore_mem>>
      %dma_wait3A_333 = tpu.memref_squeeze %dma_wait3A_332 : memref<1x!tpu.dma_semaphore, #tpu.memory_space<semaphore_mem>> -> memref<!tpu.dma_semaphore, #tpu.memory_space<semaphore_mem>>
      tpu.wait_indirect_dma semaphore(%dma_wait3A_333 : memref<!tpu.dma_semaphore, #tpu.memory_space<semaphore_mem>>) src(%dma_wait3A_331 : memref<2048x768xf32, #tpu.memory_space<hbm>>) dst(%dma_wait3A_325 : memref<8x768xf32, #tpu.memory_space<vmem>>)
      %rem3A_334 = arith.constant 8 : i32
      %rem3A_335 = arith.remsi %scan3A_301, %rem3A_334 : i32
      %parallel_loop3A = arith.constant 0 : i32
      %parallel_loop3A_336 = arith.constant 8 : i32
      %parallel_loop3A_337 = arith.constant 1 : i32
      scf.for %parallel_loop3A_357 = %parallel_loop3A to %parallel_loop3A_336 step %parallel_loop3A_337  : i32 {
        %parallel_loop3A_358 = arith.constant 0.000000e+00 : f32
        %parallel_loop3A_359 = vector.broadcast %parallel_loop3A_358 : f32 to vector<16xf32>
        %parallel_loop3A_360 = arith.constant 0.000000e+00 : f32
        %parallel_loop3A_361 = vector.broadcast %parallel_loop3A_360 : f32 to vector<16xf32>
        %parallel_loop3A_362 = arith.constant 0.000000e+00 : f32
        %parallel_loop3A_363 = vector.broadcast %parallel_loop3A_362 : f32 to vector<16xf32>
        %parallel_loop3A_364 = arith.constant 0.000000e+00 : f32
        %parallel_loop3A_365 = vector.broadcast %parallel_loop3A_364 : f32 to vector<16xf32>
        %parallel_loop3A_366 = arith.index_cast %rem3A_335 : i32 to index
        %parallel_loop3A_367 = arith.index_cast %parallel_loop3A_357 : i32 to index
        %parallel_loop3A_368 = arith.constant 0 : index
        %parallel_loop3A_369 = tpu.vector_load %arg10[%parallel_loop3A_366, %parallel_loop3A_367, %parallel_loop3A_368] {strides = array<i32>} : memref<8x8x768xf32, #tpu.memory_space<vmem>>, vector<16xf32>,
        %parallel_loop3A_370 = arith.index_cast %rem3A_335 : i32 to index
        %parallel_loop3A_371 = arith.index_cast %parallel_loop3A_357 : i32 to index
        %parallel_loop3A_372 = arith.constant 0 : index
        %parallel_loop3A_373 = tpu.vector_load %arg11[%parallel_loop3A_370, %parallel_loop3A_371, %parallel_loop3A_372] {strides = array<i32>} : memref<8x8x768xf32, #tpu.memory_space<vmem>>, vector<16xf32>,
        %parallel_loop3A_374 = arith.addf %parallel_loop3A_369, %parallel_loop3A_373 : vector<16xf32>
        %parallel_loop3A_375 = arith.constant 0 : index
        %parallel_loop3A_376 = tpu.vector_load %arg12[%parallel_loop3A_375] {strides = array<i32>} : memref<768xf32, #tpu.memory_space<vmem>>, vector<16xf32>,
        %parallel_loop3A_377 = arith.mulf %parallel_loop3A_374, %parallel_loop3A_376 : vector<16xf32>
        %parallel_loop3A_378 = arith.index_cast %rem3A_335 : i32 to index
        %parallel_loop3A_379 = arith.index_cast %parallel_loop3A_357 : i32 to index
        %parallel_loop3A_380 = arith.constant 0 : index
        %parallel_loop3A_381 = tpu.vector_load %arg10[%parallel_loop3A_378, %parallel_loop3A_379, %parallel_loop3A_380] {strides = array<i32>} : memref<8x8x768xf32, #tpu.memory_space<vmem>>, vector<16xf32>,
        tpu.vector_store %arg10[%parallel_loop3A_378, %parallel_loop3A_379, %parallel_loop3A_380], %parallel_loop3A_377 {strides = array<i32>} : memref<8x8x768xf32, #tpu.memory_space<vmem>>, vector<16xf32>,
        %parallel_loop3A_382 = arith.mulf %parallel_loop3A_374, %parallel_loop3A_374 : vector<16xf32>
        %parallel_loop3A_383 = arith.addf %parallel_loop3A_359, %parallel_loop3A_382 : vector<16xf32>
        %parallel_loop3A_384 = arith.index_cast %rem3A_335 : i32 to index
        %parallel_loop3A_385 = arith.index_cast %parallel_loop3A_357 : i32 to index
        %parallel_loop3A_386 = arith.constant 16 : index
        %parallel_loop3A_387 = tpu.vector_load %arg10[%parallel_loop3A_384, %parallel_loop3A_385, %parallel_loop3A_386] {strides = array<i32>} : memref<8x8x768xf32, #tpu.memory_space<vmem>>, vector<16xf32>,
        %parallel_loop3A_388 = arith.index_cast %rem3A_335 : i32 to index
        %parallel_loop3A_389 = arith.index_cast %parallel_loop3A_357 : i32 to index
        %parallel_loop3A_390 = arith.constant 16 : index
        %parallel_loop3A_391 = tpu.vector_load %arg11[%parallel_loop3A_388, %parallel_loop3A_389, %parallel_loop3A_390] {strides = array<i32>} : memref<8x8x768xf32, #tpu.memory_space<vmem>>, vector<16xf32>,
        %parallel_loop3A_392 = arith.addf %parallel_loop3A_387, %parallel_loop3A_391 : vector<16xf32>
        %parallel_loop3A_393 = arith.constant 16 : index
        %parallel_loop3A_394 = tpu.vector_load %arg12[%parallel_loop3A_393] {strides = array<i32>} : memref<768xf32, #tpu.memory_space<vmem>>, vector<16xf32>,
        %parallel_loop3A_395 = arith.mulf %parallel_loop3A_392, %parallel_loop3A_394 : vector<16xf32>
        %parallel_loop3A_396 = arith.index_cast %rem3A_335 : i32 to index
        %parallel_loop3A_397 = arith.index_cast %parallel_loop3A_357 : i32 to index
        %parallel_loop3A_398 = arith.constant 16 : index
        %parallel_loop3A_399 = tpu.vector_load %arg10[%parallel_loop3A_396, %parallel_loop3A_397, %parallel_loop3A_398] {strides = array<i32>} : memref<8x8x768xf32, #tpu.memory_space<vmem>>, vector<16xf32>,
        tpu.vector_store %arg10[%parallel_loop3A_396, %parallel_loop3A_397, %parallel_loop3A_398], %parallel_loop3A_395 {strides = array<i32>} : memref<8x8x768xf32, #tpu.memory_space<vmem>>, vector<16xf32>,
        %parallel_loop3A_400 = arith.mulf %parallel_loop3A_392, %parallel_loop3A_392 : vector<16xf32>
        %parallel_loop3A_401 = arith.addf %parallel_loop3A_361, %parallel_loop3A_400 : vector<16xf32>
        %parallel_loop3A_402 = arith.index_cast %rem3A_335 : i32 to index
        %parallel_loop3A_403 = arith.index_cast %parallel_loop3A_357 : i32 to index
        %parallel_loop3A_404 = arith.constant 32 : index
        %parallel_loop3A_405 = tpu.vector_load %arg10[%parallel_loop3A_402, %parallel_loop3A_403, %parallel_loop3A_404] {strides = array<i32>} : memref<8x8x768xf32, #tpu.memory_space<vmem>>, vector<16xf32>,
        %parallel_loop3A_406 = arith.index_cast %rem3A_335 : i32 to index
        %parallel_loop3A_407 = arith.index_cast %parallel_loop3A_357 : i32 to index
        %parallel_loop3A_408 = arith.constant 32 : index
        %parallel_loop3A_409 = tpu.vector_load %arg11[%parallel_loop3A_406, %parallel_loop3A_407, %parallel_loop3A_408] {strides = array<i32>} : memref<8x8x768xf32, #tpu.memory_space<vmem>>, vector<16xf32>,
        %parallel_loop3A_410 = arith.addf %parallel_loop3A_405, %parallel_loop3A_409 : vector<16xf32>
        %parallel_loop3A_411 = arith.constant 32 : index
        %parallel_loop3A_412 = tpu.vector_load %arg12[%parallel_loop3A_411] {strides = array<i32>} : memref<768xf32, #tpu.memory_space<vmem>>, vector<16xf32>,
        %parallel_loop3A_413 = arith.mulf %parallel_loop3A_410, %parallel_loop3A_412 : vector<16xf32>
        %parallel_loop3A_414 = arith.index_cast %rem3A_335 : i32 to index
        %parallel_loop3A_415 = arith.index_cast %parallel_loop3A_357 : i32 to index
        %parallel_loop3A_416 = arith.constant 32 : index
        %parallel_loop3A_417 = tpu.vector_load %arg10[%parallel_loop3A_414, %parallel_loop3A_415, %parallel_loop3A_416] {strides = array<i32>} : memref<8x8x768xf32, #tpu.memory_space<vmem>>, vector<16xf32>,
        tpu.vector_store %arg10[%parallel_loop3A_414, %parallel_loop3A_415, %parallel_loop3A_416], %parallel_loop3A_413 {strides = array<i32>} : memref<8x8x768xf32, #tpu.memory_space<vmem>>, vector<16xf32>,
        %parallel_loop3A_418 = arith.mulf %parallel_loop3A_410, %parallel_loop3A_410 : vector<16xf32>
        %parallel_loop3A_419 = arith.addf %parallel_loop3A_363, %parallel_loop3A_418 : vector<16xf32>
        %parallel_loop3A_420 = arith.index_cast %rem3A_335 : i32 to index
        %parallel_loop3A_421 = arith.index_cast %parallel_loop3A_357 : i32 to index
        %parallel_loop3A_422 = arith.constant 48 : index
        %parallel_loop3A_423 = tpu.vector_load %arg10[%parallel_loop3A_420, %parallel_loop3A_421, %parallel_loop3A_422] {strides = array<i32>} : memref<8x8x768xf32, #tpu.memory_space<vmem>>, vector<16xf32>,
        %parallel_loop3A_424 = arith.index_cast %rem3A_335 : i32 to index
        %parallel_loop3A_425 = arith.index_cast %parallel_loop3A_357 : i32 to index
        %parallel_loop3A_426 = arith.constant 48 : index
        %parallel_loop3A_427 = tpu.vector_load %arg11[%parallel_loop3A_424, %parallel_loop3A_425, %parallel_loop3A_426] {strides = array<i32>} : memref<8x8x768xf32, #tpu.memory_space<vmem>>, vector<16xf32>,
        %parallel_loop3A_428 = arith.addf %parallel_loop3A_423, %parallel_loop3A_427 : vector<16xf32>
        %parallel_loop3A_429 = arith.constant 48 : index
        %parallel_loop3A_430 = tpu.vector_load %arg12[%parallel_loop3A_429] {strides = array<i32>} : memref<768xf32, #tpu.memory_space<vmem>>, vector<16xf32>,
        %parallel_loop3A_431 = arith.mulf %parallel_loop3A_428, %parallel_loop3A_430 : vector<16xf32>
        %parallel_loop3A_432 = arith.index_cast %rem3A_335 : i32 to index
        %parallel_loop3A_433 = arith.index_cast %parallel_loop3A_357 : i32 to index
        %parallel_loop3A_434 = arith.constant 48 : index
        %parallel_loop3A_435 = tpu.vector_load %arg10[%parallel_loop3A_432, %parallel_loop3A_433, %parallel_loop3A_434] {strides = array<i32>} : memref<8x8x768xf32, #tpu.memory_space<vmem>>, vector<16xf32>,
        tpu.vector_store %arg10[%parallel_loop3A_432, %parallel_loop3A_433, %parallel_loop3A_434], %parallel_loop3A_431 {strides = array<i32>} : memref<8x8x768xf32, #tpu.memory_space<vmem>>, vector<16xf32>,
        %parallel_loop3A_436 = arith.mulf %parallel_loop3A_428, %parallel_loop3A_428 : vector<16xf32>
        %parallel_loop3A_437 = arith.addf %parallel_loop3A_365, %parallel_loop3A_436 : vector<16xf32>
        %parallel_loop3A_438 = arith.index_cast %rem3A_335 : i32 to index
        %parallel_loop3A_439 = arith.index_cast %parallel_loop3A_357 : i32 to index
        %parallel_loop3A_440 = arith.constant 64 : index
        %parallel_loop3A_441 = tpu.vector_load %arg10[%parallel_loop3A_438, %parallel_loop3A_439, %parallel_loop3A_440] {strides = array<i32>} : memref<8x8x768xf32, #tpu.memory_space<vmem>>, vector<16xf32>,
        %parallel_loop3A_442 = arith.index_cast %rem3A_335 : i32 to index
        %parallel_loop3A_443 = arith.index_cast %parallel_loop3A_357 : i32 to index
        %parallel_loop3A_444 = arith.constant 64 : index
        %parallel_loop3A_445 = tpu.vector_load %arg11[%parallel_loop3A_442, %parallel_loop3A_443, %parallel_loop3A_444] {strides = array<i32>} : memref<8x8x768xf32, #tpu.memory_space<vmem>>, vector<16xf32>,
        %parallel_loop3A_446 = arith.addf %parallel_loop3A_441, %parallel_loop3A_445 : vector<16xf32>
        %parallel_loop3A_447 = arith.constant 64 : index
        %parallel_loop3A_448 = tpu.vector_load %arg12[%parallel_loop3A_447] {strides = array<i32>} : memref<768xf32, #tpu.memory_space<vmem>>, vector<16xf32>,
        %parallel_loop3A_449 = arith.mulf %parallel_loop3A_446, %parallel_loop3A_448 : vector<16xf32>
        %parallel_loop3A_450 = arith.index_cast %rem3A_335 : i32 to index
        %parallel_loop3A_451 = arith.index_cast %parallel_loop3A_357 : i32 to index
        %parallel_loop3A_452 = arith.constant 64 : index
        %parallel_loop3A_453 = tpu.vector_load %arg10[%parallel_loop3A_450, %parallel_loop3A_451, %parallel_loop3A_452] {strides = array<i32>} : memref<8x8x768xf32, #tpu.memory_space<vmem>>, vector<16xf32>,
        tpu.vector_store %arg10[%parallel_loop3A_450, %parallel_loop3A_451, %parallel_loop3A_452], %parallel_loop3A_449 {strides = array<i32>} : memref<8x8x768xf32, #tpu.memory_space<vmem>>, vector<16xf32>,
        %parallel_loop3A_454 = arith.mulf %parallel_loop3A_446, %parallel_loop3A_446 : vector<16xf32>
        %parallel_loop3A_455 = arith.addf %parallel_loop3A_383, %parallel_loop3A_454 : vector<16xf32>
        %parallel_loop3A_456 = arith.index_cast %rem3A_335 : i32 to index
        %parallel_loop3A_457 = arith.index_cast %parallel_loop3A_357 : i32 to index
        %parallel_loop3A_458 = arith.constant 80 : index
        %parallel_loop3A_459 = tpu.vector_load %arg10[%parallel_loop3A_456, %parallel_loop3A_457, %parallel_loop3A_458] {strides = array<i32>} : memref<8x8x768xf32, #tpu.memory_space<vmem>>, vector<16xf32>,
        %parallel_loop3A_460 = arith.index_cast %rem3A_335 : i32 to index
        %parallel_loop3A_461 = arith.index_cast %parallel_loop3A_357 : i32 to index
        %parallel_loop3A_462 = arith.constant 80 : index
        %parallel_loop3A_463 = tpu.vector_load %arg11[%parallel_loop3A_460, %parallel_loop3A_461, %parallel_loop3A_462] {strides = array<i32>} : memref<8x8x768xf32, #tpu.memory_space<vmem>>, vector<16xf32>,
        %parallel_loop3A_464 = arith.addf %parallel_loop3A_459, %parallel_loop3A_463 : vector<16xf32>
        %parallel_loop3A_465 = arith.constant 80 : index
        %parallel_loop3A_466 = tpu.vector_load %arg12[%parallel_loop3A_465] {strides = array<i32>} : memref<768xf32, #tpu.memory_space<vmem>>, vector<16xf32>,
        %parallel_loop3A_467 = arith.mulf %parallel_loop3A_464, %parallel_loop3A_466 : vector<16xf32>
        %parallel_loop3A_468 = arith.index_cast %rem3A_335 : i32 to index
        %parallel_loop3A_469 = arith.index_cast %parallel_loop3A_357 : i32 to index
        %parallel_loop3A_470 = arith.constant 80 : index
        %parallel_loop3A_471 = tpu.vector_load %arg10[%parallel_loop3A_468, %parallel_loop3A_469, %parallel_loop3A_470] {strides = array<i32>} : memref<8x8x768xf32, #tpu.memory_space<vmem>>, vector<16xf32>,
        tpu.vector_store %arg10[%parallel_loop3A_468, %parallel_loop3A_469, %parallel_loop3A_470], %parallel_loop3A_467 {strides = array<i32>} : memref<8x8x768xf32, #tpu.memory_space<vmem>>, vector<16xf32>,
        %parallel_loop3A_472 = arith.mulf %parallel_loop3A_464, %parallel_loop3A_464 : vector<16xf32>
        %parallel_loop3A_473 = arith.addf %parallel_loop3A_401, %parallel_loop3A_472 : vector<16xf32>
        %parallel_loop3A_474 = arith.index_cast %rem3A_335 : i32 to index
        %parallel_loop3A_475 = arith.index_cast %parallel_loop3A_357 : i32 to index
        %parallel_loop3A_476 = arith.constant 96 : index
        %parallel_loop3A_477 = tpu.vector_load %arg10[%parallel_loop3A_474, %parallel_loop3A_475, %parallel_loop3A_476] {strides = array<i32>} : memref<8x8x768xf32, #tpu.memory_space<vmem>>, vector<16xf32>,
        %parallel_loop3A_478 = arith.index_cast %rem3A_335 : i32 to index
        %parallel_loop3A_479 = arith.index_cast %parallel_loop3A_357 : i32 to index
        %parallel_loop3A_480 = arith.constant 96 : index
        %parallel_loop3A_481 = tpu.vector_load %arg11[%parallel_loop3A_478, %parallel_loop3A_479, %parallel_loop3A_480] {strides = array<i32>} : memref<8x8x768xf32, #tpu.memory_space<vmem>>, vector<16xf32>,
        %parallel_loop3A_482 = arith.addf %parallel_loop3A_477, %parallel_loop3A_481 : vector<16xf32>
        %parallel_loop3A_483 = arith.constant 96 : index
        %parallel_loop3A_484 = tpu.vector_load %arg12[%parallel_loop3A_483] {strides = array<i32>} : memref<768xf32, #tpu.memory_space<vmem>>, vector<16xf32>,
        %parallel_loop3A_485 = arith.mulf %parallel_loop3A_482, %parallel_loop3A_484 : vector<16xf32>
        %parallel_loop3A_486 = arith.index_cast %rem3A_335 : i32 to index
        %parallel_loop3A_487 = arith.index_cast %parallel_loop3A_357 : i32 to index
        %parallel_loop3A_488 = arith.constant 96 : index
        %parallel_loop3A_489 = tpu.vector_load %arg10[%parallel_loop3A_486, %parallel_loop3A_487, %parallel_loop3A_488] {strides = array<i32>} : memref<8x8x768xf32, #tpu.memory_space<vmem>>, vector<16xf32>,
        tpu.vector_store %arg10[%parallel_loop3A_486, %parallel_loop3A_487, %parallel_loop3A_488], %parallel_loop3A_485 {strides = array<i32>} : memref<8x8x768xf32, #tpu.memory_space<vmem>>, vector<16xf32>,
        %parallel_loop3A_490 = arith.mulf %parallel_loop3A_482, %parallel_loop3A_482 : vector<16xf32>
        %parallel_loop3A_491 = arith.addf %parallel_loop3A_419, %parallel_loop3A_490 : vector<16xf32>
        %parallel_loop3A_492 = arith.index_cast %rem3A_335 : i32 to index
        %parallel_loop3A_493 = arith.index_cast %parallel_loop3A_357 : i32 to index
        %parallel_loop3A_494 = arith.constant 112 : index
        %parallel_loop3A_495 = tpu.vector_load %arg10[%parallel_loop3A_492, %parallel_loop3A_493, %parallel_loop3A_494] {strides = array<i32>} : memref<8x8x768xf32, #tpu.memory_space<vmem>>, vector<16xf32>,
        %parallel_loop3A_496 = arith.index_cast %rem3A_335 : i32 to index
        %parallel_loop3A_497 = arith.index_cast %parallel_loop3A_357 : i32 to index
        %parallel_loop3A_498 = arith.constant 112 : index
        %parallel_loop3A_499 = tpu.vector_load %arg11[%parallel_loop3A_496, %parallel_loop3A_497, %parallel_loop3A_498] {strides = array<i32>} : memref<8x8x768xf32, #tpu.memory_space<vmem>>, vector<16xf32>,
        %parallel_loop3A_500 = arith.addf %parallel_loop3A_495, %parallel_loop3A_499 : vector<16xf32>
        %parallel_loop3A_501 = arith.constant 112 : index
        %parallel_loop3A_502 = tpu.vector_load %arg12[%parallel_loop3A_501] {strides = array<i32>} : memref<768xf32, #tpu.memory_space<vmem>>, vector<16xf32>,
        %parallel_loop3A_503 = arith.mulf %parallel_loop3A_500, %parallel_loop3A_502 : vector<16xf32>
        %parallel_loop3A_504 = arith.index_cast %rem3A_335 : i32 to index
        %parallel_loop3A_505 = arith.index_cast %parallel_loop3A_357 : i32 to index
        %parallel_loop3A_506 = arith.constant 112 : index
        %parallel_loop3A_507 = tpu.vector_load %arg10[%parallel_loop3A_504, %parallel_loop3A_505, %parallel_loop3A_506] {strides = array<i32>} : memref<8x8x768xf32, #tpu.memory_space<vmem>>, vector<16xf32>,
        tpu.vector_store %arg10[%parallel_loop3A_504, %parallel_loop3A_505, %parallel_loop3A_506], %parallel_loop3A_503 {strides = array<i32>} : memref<8x8x768xf32, #tpu.memory_space<vmem>>, vector<16xf32>,
        %parallel_loop3A_508 = arith.mulf %parallel_loop3A_500, %parallel_loop3A_500 : vector<16xf32>
        %parallel_loop3A_509 = arith.addf %parallel_loop3A_437, %parallel_loop3A_508 : vector<16xf32>
        %parallel_loop3A_510 = arith.index_cast %rem3A_335 : i32 to index
        %parallel_loop3A_511 = arith.index_cast %parallel_loop3A_357 : i32 to index
        %parallel_loop3A_512 = arith.constant 128 : index
        %parallel_loop3A_513 = tpu.vector_load %arg10[%parallel_loop3A_510, %parallel_loop3A_511, %parallel_loop3A_512] {strides = array<i32>} : memref<8x8x768xf32, #tpu.memory_space<vmem>>, vector<16xf32>,
        %parallel_loop3A_514 = arith.index_cast %rem3A_335 : i32 to index
        %parallel_loop3A_515 = arith.index_cast %parallel_loop3A_357 : i32 to index
        %parallel_loop3A_516 = arith.constant 128 : index
        %parallel_loop3A_517 = tpu.vector_load %arg11[%parallel_loop3A_514, %parallel_loop3A_515, %parallel_loop3A_516] {strides = array<i32>} : memref<8x8x768xf32, #tpu.memory_space<vmem>>, vector<16xf32>,
        %parallel_loop3A_518 = arith.addf %parallel_loop3A_513, %parallel_loop3A_517 : vector<16xf32>
        %parallel_loop3A_519 = arith.constant 128 : index
        %parallel_loop3A_520 = tpu.vector_load %arg12[%parallel_loop3A_519] {strides = array<i32>} : memref<768xf32, #tpu.memory_space<vmem>>, vector<16xf32>,
        %parallel_loop3A_521 = arith.mulf %parallel_loop3A_518, %parallel_loop3A_520 : vector<16xf32>
        %parallel_loop3A_522 = arith.index_cast %rem3A_335 : i32 to index
        %parallel_loop3A_523 = arith.index_cast %parallel_loop3A_357 : i32 to index
        %parallel_loop3A_524 = arith.constant 128 : index
        %parallel_loop3A_525 = tpu.vector_load %arg10[%parallel_loop3A_522, %parallel_loop3A_523, %parallel_loop3A_524] {strides = array<i32>} : memref<8x8x768xf32, #tpu.memory_space<vmem>>, vector<16xf32>,
        tpu.vector_store %arg10[%parallel_loop3A_522, %parallel_loop3A_523, %parallel_loop3A_524], %parallel_loop3A_521 {strides = array<i32>} : memref<8x8x768xf32, #tpu.memory_space<vmem>>, vector<16xf32>,
        %parallel_loop3A_526 = arith.mulf %parallel_loop3A_518, %parallel_loop3A_518 : vector<16xf32>
        %parallel_loop3A_527 = arith.addf %parallel_loop3A_455, %parallel_loop3A_526 : vector<16xf32>
        %parallel_loop3A_528 = arith.index_cast %rem3A_335 : i32 to index
        %parallel_loop3A_529 = arith.index_cast %parallel_loop3A_357 : i32 to index
        %parallel_loop3A_530 = arith.constant 144 : index
        %parallel_loop3A_531 = tpu.vector_load %arg10[%parallel_loop3A_528, %parallel_loop3A_529, %parallel_loop3A_530] {strides = array<i32>} : memref<8x8x768xf32, #tpu.memory_space<vmem>>, vector<16xf32>,
        %parallel_loop3A_532 = arith.index_cast %rem3A_335 : i32 to index
        %parallel_loop3A_533 = arith.index_cast %parallel_loop3A_357 : i32 to index
        %parallel_loop3A_534 = arith.constant 144 : index
        %parallel_loop3A_535 = tpu.vector_load %arg11[%parallel_loop3A_532, %parallel_loop3A_533, %parallel_loop3A_534] {strides = array<i32>} : memref<8x8x768xf32, #tpu.memory_space<vmem>>, vector<16xf32>,
        %parallel_loop3A_536 = arith.addf %parallel_loop3A_531, %parallel_loop3A_535 : vector<16xf32>
        %parallel_loop3A_537 = arith.constant 144 : index
        %parallel_loop3A_538 = tpu.vector_load %arg12[%parallel_loop3A_537] {strides = array<i32>} : memref<768xf32, #tpu.memory_space<vmem>>, vector<16xf32>,
        %parallel_loop3A_539 = arith.mulf %parallel_loop3A_536, %parallel_loop3A_538 : vector<16xf32>
        %parallel_loop3A_540 = arith.index_cast %rem3A_335 : i32 to index
        %parallel_loop3A_541 = arith.index_cast %parallel_loop3A_357 : i32 to index
        %parallel_loop3A_542 = arith.constant 144 : index
        %parallel_loop3A_543 = tpu.vector_load %arg10[%parallel_loop3A_540, %parallel_loop3A_541, %parallel_loop3A_542] {strides = array<i32>} : memref<8x8x768xf32, #tpu.memory_space<vmem>>, vector<16xf32>,
        tpu.vector_store %arg10[%parallel_loop3A_540, %parallel_loop3A_541, %parallel_loop3A_542], %parallel_loop3A_539 {strides = array<i32>} : memref<8x8x768xf32, #tpu.memory_space<vmem>>, vector<16xf32>,
        %parallel_loop3A_544 = arith.mulf %parallel_loop3A_536, %parallel_loop3A_536 : vector<16xf32>
        %parallel_loop3A_545 = arith.addf %parallel_loop3A_473, %parallel_loop3A_544 : vector<16xf32>
        %parallel_loop3A_546 = arith.index_cast %rem3A_335 : i32 to index
        %parallel_loop3A_547 = arith.index_cast %parallel_loop3A_357 : i32 to index
        %parallel_loop3A_548 = arith.constant 160 : index
        %parallel_loop3A_549 = tpu.vector_load %arg10[%parallel_loop3A_546, %parallel_loop3A_547, %parallel_loop3A_548] {strides = array<i32>} : memref<8x8x768xf32, #tpu.memory_space<vmem>>, vector<16xf32>,
        %parallel_loop3A_550 = arith.index_cast %rem3A_335 : i32 to index
        %parallel_loop3A_551 = arith.index_cast %parallel_loop3A_357 : i32 to index
        %parallel_loop3A_552 = arith.constant 160 : index
        %parallel_loop3A_553 = tpu.vector_load %arg11[%parallel_loop3A_550, %parallel_loop3A_551, %parallel_loop3A_552] {strides = array<i32>} : memref<8x8x768xf32, #tpu.memory_space<vmem>>, vector<16xf32>,
        %parallel_loop3A_554 = arith.addf %parallel_loop3A_549, %parallel_loop3A_553 : vector<16xf32>
        %parallel_loop3A_555 = arith.constant 160 : index
        %parallel_loop3A_556 = tpu.vector_load %arg12[%parallel_loop3A_555] {strides = array<i32>} : memref<768xf32, #tpu.memory_space<vmem>>, vector<16xf32>,
        %parallel_loop3A_557 = arith.mulf %parallel_loop3A_554, %parallel_loop3A_556 : vector<16xf32>
        %parallel_loop3A_558 = arith.index_cast %rem3A_335 : i32 to index
        %parallel_loop3A_559 = arith.index_cast %parallel_loop3A_357 : i32 to index
        %parallel_loop3A_560 = arith.constant 160 : index
        %parallel_loop3A_561 = tpu.vector_load %arg10[%parallel_loop3A_558, %parallel_loop3A_559, %parallel_loop3A_560] {strides = array<i32>} : memref<8x8x768xf32, #tpu.memory_space<vmem>>, vector<16xf32>,
        tpu.vector_store %arg10[%parallel_loop3A_558, %parallel_loop3A_559, %parallel_loop3A_560], %parallel_loop3A_557 {strides = array<i32>} : memref<8x8x768xf32, #tpu.memory_space<vmem>>, vector<16xf32>,
        %parallel_loop3A_562 = arith.mulf %parallel_loop3A_554, %parallel_loop3A_554 : vector<16xf32>
        %parallel_loop3A_563 = arith.addf %parallel_loop3A_491, %parallel_loop3A_562 : vector<16xf32>
        %parallel_loop3A_564 = arith.index_cast %rem3A_335 : i32 to index
        %parallel_loop3A_565 = arith.index_cast %parallel_loop3A_357 : i32 to index
        %parallel_loop3A_566 = arith.constant 176 : index
        %parallel_loop3A_567 = tpu.vector_load %arg10[%parallel_loop3A_564, %parallel_loop3A_565, %parallel_loop3A_566] {strides = array<i32>} : memref<8x8x768xf32, #tpu.memory_space<vmem>>, vector<16xf32>,
        %parallel_loop3A_568 = arith.index_cast %rem3A_335 : i32 to index
        %parallel_loop3A_569 = arith.index_cast %parallel_loop3A_357 : i32 to index
        %parallel_loop3A_570 = arith.constant 176 : index
        %parallel_loop3A_571 = tpu.vector_load %arg11[%parallel_loop3A_568, %parallel_loop3A_569, %parallel_loop3A_570] {strides = array<i32>} : memref<8x8x768xf32, #tpu.memory_space<vmem>>, vector<16xf32>,
        %parallel_loop3A_572 = arith.addf %parallel_loop3A_567, %parallel_loop3A_571 : vector<16xf32>
        %parallel_loop3A_573 = arith.constant 176 : index
        %parallel_loop3A_574 = tpu.vector_load %arg12[%parallel_loop3A_573] {strides = array<i32>} : memref<768xf32, #tpu.memory_space<vmem>>, vector<16xf32>,
        %parallel_loop3A_575 = arith.mulf %parallel_loop3A_572, %parallel_loop3A_574 : vector<16xf32>
        %parallel_loop3A_576 = arith.index_cast %rem3A_335 : i32 to index
        %parallel_loop3A_577 = arith.index_cast %parallel_loop3A_357 : i32 to index
        %parallel_loop3A_578 = arith.constant 176 : index
        %parallel_loop3A_579 = tpu.vector_load %arg10[%parallel_loop3A_576, %parallel_loop3A_577, %parallel_loop3A_578] {strides = array<i32>} : memref<8x8x768xf32, #tpu.memory_space<vmem>>, vector<16xf32>,
        tpu.vector_store %arg10[%parallel_loop3A_576, %parallel_loop3A_577, %parallel_loop3A_578], %parallel_loop3A_575 {strides = array<i32>} : memref<8x8x768xf32, #tpu.memory_space<vmem>>, vector<16xf32>,
        %parallel_loop3A_580 = arith.mulf %parallel_loop3A_572, %parallel_loop3A_572 : vector<16xf32>
        %parallel_loop3A_581 = arith.addf %parallel_loop3A_509, %parallel_loop3A_580 : vector<16xf32>
        %parallel_loop3A_582 = arith.index_cast %rem3A_335 : i32 to index
        %parallel_loop3A_583 = arith.index_cast %parallel_loop3A_357 : i32 to index
        %parallel_loop3A_584 = arith.constant 192 : index
        %parallel_loop3A_585 = tpu.vector_load %arg10[%parallel_loop3A_582, %parallel_loop3A_583, %parallel_loop3A_584] {strides = array<i32>} : memref<8x8x768xf32, #tpu.memory_space<vmem>>, vector<16xf32>,
        %parallel_loop3A_586 = arith.index_cast %rem3A_335 : i32 to index
        %parallel_loop3A_587 = arith.index_cast %parallel_loop3A_357 : i32 to index
        %parallel_loop3A_588 = arith.constant 192 : index
        %parallel_loop3A_589 = tpu.vector_load %arg11[%parallel_loop3A_586, %parallel_loop3A_587, %parallel_loop3A_588] {strides = array<i32>} : memref<8x8x768xf32, #tpu.memory_space<vmem>>, vector<16xf32>,
        %parallel_loop3A_590 = arith.addf %parallel_loop3A_585, %parallel_loop3A_589 : vector<16xf32>
        %parallel_loop3A_591 = arith.constant 192 : index
        %parallel_loop3A_592 = tpu.vector_load %arg12[%parallel_loop3A_591] {strides = array<i32>} : memref<768xf32, #tpu.memory_space<vmem>>, vector<16xf32>,
        %parallel_loop3A_593 = arith.mulf %parallel_loop3A_590, %parallel_loop3A_592 : vector<16xf32>
        %parallel_loop3A_594 = arith.index_cast %rem3A_335 : i32 to index
        %parallel_loop3A_595 = arith.index_cast %parallel_loop3A_357 : i32 to index
        %parallel_loop3A_596 = arith.constant 192 : index
        %parallel_loop3A_597 = tpu.vector_load %arg10[%parallel_loop3A_594, %parallel_loop3A_595, %parallel_loop3A_596] {strides = array<i32>} : memref<8x8x768xf32, #tpu.memory_space<vmem>>, vector<16xf32>,
        tpu.vector_store %arg10[%parallel_loop3A_594, %parallel_loop3A_595, %parallel_loop3A_596], %parallel_loop3A_593 {strides = array<i32>} : memref<8x8x768xf32, #tpu.memory_space<vmem>>, vector<16xf32>,
        %parallel_loop3A_598 = arith.mulf %parallel_loop3A_590, %parallel_loop3A_590 : vector<16xf32>
        %parallel_loop3A_599 = arith.addf %parallel_loop3A_527, %parallel_loop3A_598 : vector<16xf32>
        %parallel_loop3A_600 = arith.index_cast %rem3A_335 : i32 to index
        %parallel_loop3A_601 = arith.index_cast %parallel_loop3A_357 : i32 to index
        %parallel_loop3A_602 = arith.constant 208 : index
        %parallel_loop3A_603 = tpu.vector_load %arg10[%parallel_loop3A_600, %parallel_loop3A_601, %parallel_loop3A_602] {strides = array<i32>} : memref<8x8x768xf32, #tpu.memory_space<vmem>>, vector<16xf32>,
        %parallel_loop3A_604 = arith.index_cast %rem3A_335 : i32 to index
        %parallel_loop3A_605 = arith.index_cast %parallel_loop3A_357 : i32 to index
        %parallel_loop3A_606 = arith.constant 208 : index
        %parallel_loop3A_607 = tpu.vector_load %arg11[%parallel_loop3A_604, %parallel_loop3A_605, %parallel_loop3A_606] {strides = array<i32>} : memref<8x8x768xf32, #tpu.memory_space<vmem>>, vector<16xf32>,
        %parallel_loop3A_608 = arith.addf %parallel_loop3A_603, %parallel_loop3A_607 : vector<16xf32>
        %parallel_loop3A_609 = arith.constant 208 : index
        %parallel_loop3A_610 = tpu.vector_load %arg12[%parallel_loop3A_609] {strides = array<i32>} : memref<768xf32, #tpu.memory_space<vmem>>, vector<16xf32>,
        %parallel_loop3A_611 = arith.mulf %parallel_loop3A_608, %parallel_loop3A_610 : vector<16xf32>
        %parallel_loop3A_612 = arith.index_cast %rem3A_335 : i32 to index
        %parallel_loop3A_613 = arith.index_cast %parallel_loop3A_357 : i32 to index
        %parallel_loop3A_614 = arith.constant 208 : index
        %parallel_loop3A_615 = tpu.vector_load %arg10[%parallel_loop3A_612, %parallel_loop3A_613, %parallel_loop3A_614] {strides = array<i32>} : memref<8x8x768xf32, #tpu.memory_space<vmem>>, vector<16xf32>,
        tpu.vector_store %arg10[%parallel_loop3A_612, %parallel_loop3A_613, %parallel_loop3A_614], %parallel_loop3A_611 {strides = array<i32>} : memref<8x8x768xf32, #tpu.memory_space<vmem>>, vector<16xf32>,
        %parallel_loop3A_616 = arith.mulf %parallel_loop3A_608, %parallel_loop3A_608 : vector<16xf32>
        %parallel_loop3A_617 = arith.addf %parallel_loop3A_545, %parallel_loop3A_616 : vector<16xf32>
        %parallel_loop3A_618 = arith.index_cast %rem3A_335 : i32 to index
        %parallel_loop3A_619 = arith.index_cast %parallel_loop3A_357 : i32 to index
        %parallel_loop3A_620 = arith.constant 224 : index
        %parallel_loop3A_621 = tpu.vector_load %arg10[%parallel_loop3A_618, %parallel_loop3A_619, %parallel_loop3A_620] {strides = array<i32>} : memref<8x8x768xf32, #tpu.memory_space<vmem>>, vector<16xf32>,
        %parallel_loop3A_622 = arith.index_cast %rem3A_335 : i32 to index
        %parallel_loop3A_623 = arith.index_cast %parallel_loop3A_357 : i32 to index
        %parallel_loop3A_624 = arith.constant 224 : index
        %parallel_loop3A_625 = tpu.vector_load %arg11[%parallel_loop3A_622, %parallel_loop3A_623, %parallel_loop3A_624] {strides = array<i32>} : memref<8x8x768xf32, #tpu.memory_space<vmem>>, vector<16xf32>,
        %parallel_loop3A_626 = arith.addf %parallel_loop3A_621, %parallel_loop3A_625 : vector<16xf32>
        %parallel_loop3A_627 = arith.constant 224 : index
        %parallel_loop3A_628 = tpu.vector_load %arg12[%parallel_loop3A_627] {strides = array<i32>} : memref<768xf32, #tpu.memory_space<vmem>>, vector<16xf32>,
        %parallel_loop3A_629 = arith.mulf %parallel_loop3A_626, %parallel_loop3A_628 : vector<16xf32>
        %parallel_loop3A_630 = arith.index_cast %rem3A_335 : i32 to index
        %parallel_loop3A_631 = arith.index_cast %parallel_loop3A_357 : i32 to index
        %parallel_loop3A_632 = arith.constant 224 : index
        %parallel_loop3A_633 = tpu.vector_load %arg10[%parallel_loop3A_630, %parallel_loop3A_631, %parallel_loop3A_632] {strides = array<i32>} : memref<8x8x768xf32, #tpu.memory_space<vmem>>, vector<16xf32>,
        tpu.vector_store %arg10[%parallel_loop3A_630, %parallel_loop3A_631, %parallel_loop3A_632], %parallel_loop3A_629 {strides = array<i32>} : memref<8x8x768xf32, #tpu.memory_space<vmem>>, vector<16xf32>,
        %parallel_loop3A_634 = arith.mulf %parallel_loop3A_626, %parallel_loop3A_626 : vector<16xf32>
        %parallel_loop3A_635 = arith.addf %parallel_loop3A_563, %parallel_loop3A_634 : vector<16xf32>
        %parallel_loop3A_636 = arith.index_cast %rem3A_335 : i32 to index
        %parallel_loop3A_637 = arith.index_cast %parallel_loop3A_357 : i32 to index
        %parallel_loop3A_638 = arith.constant 240 : index
        %parallel_loop3A_639 = tpu.vector_load %arg10[%parallel_loop3A_636, %parallel_loop3A_637, %parallel_loop3A_638] {strides = array<i32>} : memref<8x8x768xf32, #tpu.memory_space<vmem>>, vector<16xf32>,
        %parallel_loop3A_640 = arith.index_cast %rem3A_335 : i32 to index
        %parallel_loop3A_641 = arith.index_cast %parallel_loop3A_357 : i32 to index
        %parallel_loop3A_642 = arith.constant 240 : index
        %parallel_loop3A_643 = tpu.vector_load %arg11[%parallel_loop3A_640, %parallel_loop3A_641, %parallel_loop3A_642] {strides = array<i32>} : memref<8x8x768xf32, #tpu.memory_space<vmem>>, vector<16xf32>,
        %parallel_loop3A_644 = arith.addf %parallel_loop3A_639, %parallel_loop3A_643 : vector<16xf32>
        %parallel_loop3A_645 = arith.constant 240 : index
        %parallel_loop3A_646 = tpu.vector_load %arg12[%parallel_loop3A_645] {strides = array<i32>} : memref<768xf32, #tpu.memory_space<vmem>>, vector<16xf32>,
        %parallel_loop3A_647 = arith.mulf %parallel_loop3A_644, %parallel_loop3A_646 : vector<16xf32>
        %parallel_loop3A_648 = arith.index_cast %rem3A_335 : i32 to index
        %parallel_loop3A_649 = arith.index_cast %parallel_loop3A_357 : i32 to index
        %parallel_loop3A_650 = arith.constant 240 : index
        %parallel_loop3A_651 = tpu.vector_load %arg10[%parallel_loop3A_648, %parallel_loop3A_649, %parallel_loop3A_650] {strides = array<i32>} : memref<8x8x768xf32, #tpu.memory_space<vmem>>, vector<16xf32>,
        tpu.vector_store %arg10[%parallel_loop3A_648, %parallel_loop3A_649, %parallel_loop3A_650], %parallel_loop3A_647 {strides = array<i32>} : memref<8x8x768xf32, #tpu.memory_space<vmem>>, vector<16xf32>,
        %parallel_loop3A_652 = arith.mulf %parallel_loop3A_644, %parallel_loop3A_644 : vector<16xf32>
        %parallel_loop3A_653 = arith.addf %parallel_loop3A_581, %parallel_loop3A_652 : vector<16xf32>
        %parallel_loop3A_654 = arith.index_cast %rem3A_335 : i32 to index
        %parallel_loop3A_655 = arith.index_cast %parallel_loop3A_357 : i32 to index
        %parallel_loop3A_656 = arith.constant 256 : index
        %parallel_loop3A_657 = tpu.vector_load %arg10[%parallel_loop3A_654, %parallel_loop3A_655, %parallel_loop3A_656] {strides = array<i32>} : memref<8x8x768xf32, #tpu.memory_space<vmem>>, vector<16xf32>,
        %parallel_loop3A_658 = arith.index_cast %rem3A_335 : i32 to index
        %parallel_loop3A_659 = arith.index_cast %parallel_loop3A_357 : i32 to index
        %parallel_loop3A_660 = arith.constant 256 : index
        %parallel_loop3A_661 = tpu.vector_load %arg11[%parallel_loop3A_658, %parallel_loop3A_659, %parallel_loop3A_660] {strides = array<i32>} : memref<8x8x768xf32, #tpu.memory_space<vmem>>, vector<16xf32>,
        %parallel_loop3A_662 = arith.addf %parallel_loop3A_657, %parallel_loop3A_661 : vector<16xf32>
        %parallel_loop3A_663 = arith.constant 256 : index
        %parallel_loop3A_664 = tpu.vector_load %arg12[%parallel_loop3A_663] {strides = array<i32>} : memref<768xf32, #tpu.memory_space<vmem>>, vector<16xf32>,
        %parallel_loop3A_665 = arith.mulf %parallel_loop3A_662, %parallel_loop3A_664 : vector<16xf32>
        %parallel_loop3A_666 = arith.index_cast %rem3A_335 : i32 to index
        %parallel_loop3A_667 = arith.index_cast %parallel_loop3A_357 : i32 to index
        %parallel_loop3A_668 = arith.constant 256 : index
        %parallel_loop3A_669 = tpu.vector_load %arg10[%parallel_loop3A_666, %parallel_loop3A_667, %parallel_loop3A_668] {strides = array<i32>} : memref<8x8x768xf32, #tpu.memory_space<vmem>>, vector<16xf32>,
        tpu.vector_store %arg10[%parallel_loop3A_666, %parallel_loop3A_667, %parallel_loop3A_668], %parallel_loop3A_665 {strides = array<i32>} : memref<8x8x768xf32, #tpu.memory_space<vmem>>, vector<16xf32>,
        %parallel_loop3A_670 = arith.mulf %parallel_loop3A_662, %parallel_loop3A_662 : vector<16xf32>
        %parallel_loop3A_671 = arith.addf %parallel_loop3A_599, %parallel_loop3A_670 : vector<16xf32>
        %parallel_loop3A_672 = arith.index_cast %rem3A_335 : i32 to index
        %parallel_loop3A_673 = arith.index_cast %parallel_loop3A_357 : i32 to index
        %parallel_loop3A_674 = arith.constant 272 : index
        %parallel_loop3A_675 = tpu.vector_load %arg10[%parallel_loop3A_672, %parallel_loop3A_673, %parallel_loop3A_674] {strides = array<i32>} : memref<8x8x768xf32, #tpu.memory_space<vmem>>, vector<16xf32>,
        %parallel_loop3A_676 = arith.index_cast %rem3A_335 : i32 to index
        %parallel_loop3A_677 = arith.index_cast %parallel_loop3A_357 : i32 to index
        %parallel_loop3A_678 = arith.constant 272 : index
        %parallel_loop3A_679 = tpu.vector_load %arg11[%parallel_loop3A_676, %parallel_loop3A_677, %parallel_loop3A_678] {strides = array<i32>} : memref<8x8x768xf32, #tpu.memory_space<vmem>>, vector<16xf32>,
        %parallel_loop3A_680 = arith.addf %parallel_loop3A_675, %parallel_loop3A_679 : vector<16xf32>
        %parallel_loop3A_681 = arith.constant 272 : index
        %parallel_loop3A_682 = tpu.vector_load %arg12[%parallel_loop3A_681] {strides = array<i32>} : memref<768xf32, #tpu.memory_space<vmem>>, vector<16xf32>,
        %parallel_loop3A_683 = arith.mulf %parallel_loop3A_680, %parallel_loop3A_682 : vector<16xf32>
        %parallel_loop3A_684 = arith.index_cast %rem3A_335 : i32 to index
        %parallel_loop3A_685 = arith.index_cast %parallel_loop3A_357 : i32 to index
        %parallel_loop3A_686 = arith.constant 272 : index
        %parallel_loop3A_687 = tpu.vector_load %arg10[%parallel_loop3A_684, %parallel_loop3A_685, %parallel_loop3A_686] {strides = array<i32>} : memref<8x8x768xf32, #tpu.memory_space<vmem>>, vector<16xf32>,
        tpu.vector_store %arg10[%parallel_loop3A_684, %parallel_loop3A_685, %parallel_loop3A_686], %parallel_loop3A_683 {strides = array<i32>} : memref<8x8x768xf32, #tpu.memory_space<vmem>>, vector<16xf32>,
        %parallel_loop3A_688 = arith.mulf %parallel_loop3A_680, %parallel_loop3A_680 : vector<16xf32>
        %parallel_loop3A_689 = arith.addf %parallel_loop3A_617, %parallel_loop3A_688 : vector<16xf32>
        %parallel_loop3A_690 = arith.index_cast %rem3A_335 : i32 to index
        %parallel_loop3A_691 = arith.index_cast %parallel_loop3A_357 : i32 to index
        %parallel_loop3A_692 = arith.constant 288 : index
        %parallel_loop3A_693 = tpu.vector_load %arg10[%parallel_loop3A_690, %parallel_loop3A_691, %parallel_loop3A_692] {strides = array<i32>} : memref<8x8x768xf32, #tpu.memory_space<vmem>>, vector<16xf32>,
        %parallel_loop3A_694 = arith.index_cast %rem3A_335 : i32 to index
        %parallel_loop3A_695 = arith.index_cast %parallel_loop3A_357 : i32 to index
        %parallel_loop3A_696 = arith.constant 288 : index
        %parallel_loop3A_697 = tpu.vector_load %arg11[%parallel_loop3A_694, %parallel_loop3A_695, %parallel_loop3A_696] {strides = array<i32>} : memref<8x8x768xf32, #tpu.memory_space<vmem>>, vector<16xf32>,
        %parallel_loop3A_698 = arith.addf %parallel_loop3A_693, %parallel_loop3A_697 : vector<16xf32>
        %parallel_loop3A_699 = arith.constant 288 : index
        %parallel_loop3A_700 = tpu.vector_load %arg12[%parallel_loop3A_699] {strides = array<i32>} : memref<768xf32, #tpu.memory_space<vmem>>, vector<16xf32>,
        %parallel_loop3A_701 = arith.mulf %parallel_loop3A_698, %parallel_loop3A_700 : vector<16xf32>
        %parallel_loop3A_702 = arith.index_cast %rem3A_335 : i32 to index
        %parallel_loop3A_703 = arith.index_cast %parallel_loop3A_357 : i32 to index
        %parallel_loop3A_704 = arith.constant 288 : index
        %parallel_loop3A_705 = tpu.vector_load %arg10[%parallel_loop3A_702, %parallel_loop3A_703, %parallel_loop3A_704] {strides = array<i32>} : memref<8x8x768xf32, #tpu.memory_space<vmem>>, vector<16xf32>,
        tpu.vector_store %arg10[%parallel_loop3A_702, %parallel_loop3A_703, %parallel_loop3A_704], %parallel_loop3A_701 {strides = array<i32>} : memref<8x8x768xf32, #tpu.memory_space<vmem>>, vector<16xf32>,
        %parallel_loop3A_706 = arith.mulf %parallel_loop3A_698, %parallel_loop3A_698 : vector<16xf32>
        %parallel_loop3A_707 = arith.addf %parallel_loop3A_635, %parallel_loop3A_706 : vector<16xf32>
        %parallel_loop3A_708 = arith.index_cast %rem3A_335 : i32 to index
        %parallel_loop3A_709 = arith.index_cast %parallel_loop3A_357 : i32 to index
        %parallel_loop3A_710 = arith.constant 304 : index
        %parallel_loop3A_711 = tpu.vector_load %arg10[%parallel_loop3A_708, %parallel_loop3A_709, %parallel_loop3A_710] {strides = array<i32>} : memref<8x8x768xf32, #tpu.memory_space<vmem>>, vector<16xf32>,
        %parallel_loop3A_712 = arith.index_cast %rem3A_335 : i32 to index
        %parallel_loop3A_713 = arith.index_cast %parallel_loop3A_357 : i32 to index
        %parallel_loop3A_714 = arith.constant 304 : index
        %parallel_loop3A_715 = tpu.vector_load %arg11[%parallel_loop3A_712, %parallel_loop3A_713, %parallel_loop3A_714] {strides = array<i32>} : memref<8x8x768xf32, #tpu.memory_space<vmem>>, vector<16xf32>,
        %parallel_loop3A_716 = arith.addf %parallel_loop3A_711, %parallel_loop3A_715 : vector<16xf32>
        %parallel_loop3A_717 = arith.constant 304 : index
        %parallel_loop3A_718 = tpu.vector_load %arg12[%parallel_loop3A_717] {strides = array<i32>} : memref<768xf32, #tpu.memory_space<vmem>>, vector<16xf32>,
        %parallel_loop3A_719 = arith.mulf %parallel_loop3A_716, %parallel_loop3A_718 : vector<16xf32>
        %parallel_loop3A_720 = arith.index_cast %rem3A_335 : i32 to index
        %parallel_loop3A_721 = arith.index_cast %parallel_loop3A_357 : i32 to index
        %parallel_loop3A_722 = arith.constant 304 : index
        %parallel_loop3A_723 = tpu.vector_load %arg10[%parallel_loop3A_720, %parallel_loop3A_721, %parallel_loop3A_722] {strides = array<i32>} : memref<8x8x768xf32, #tpu.memory_space<vmem>>, vector<16xf32>,
        tpu.vector_store %arg10[%parallel_loop3A_720, %parallel_loop3A_721, %parallel_loop3A_722], %parallel_loop3A_719 {strides = array<i32>} : memref<8x8x768xf32, #tpu.memory_space<vmem>>, vector<16xf32>,
        %parallel_loop3A_724 = arith.mulf %parallel_loop3A_716, %parallel_loop3A_716 : vector<16xf32>
        %parallel_loop3A_725 = arith.addf %parallel_loop3A_653, %parallel_loop3A_724 : vector<16xf32>
        %parallel_loop3A_726 = arith.index_cast %rem3A_335 : i32 to index
        %parallel_loop3A_727 = arith.index_cast %parallel_loop3A_357 : i32 to index
        %parallel_loop3A_728 = arith.constant 320 : index
        %parallel_loop3A_729 = tpu.vector_load %arg10[%parallel_loop3A_726, %parallel_loop3A_727, %parallel_loop3A_728] {strides = array<i32>} : memref<8x8x768xf32, #tpu.memory_space<vmem>>, vector<16xf32>,
        %parallel_loop3A_730 = arith.index_cast %rem3A_335 : i32 to index
        %parallel_loop3A_731 = arith.index_cast %parallel_loop3A_357 : i32 to index
        %parallel_loop3A_732 = arith.constant 320 : index
        %parallel_loop3A_733 = tpu.vector_load %arg11[%parallel_loop3A_730, %parallel_loop3A_731, %parallel_loop3A_732] {strides = array<i32>} : memref<8x8x768xf32, #tpu.memory_space<vmem>>, vector<16xf32>,
        %parallel_loop3A_734 = arith.addf %parallel_loop3A_729, %parallel_loop3A_733 : vector<16xf32>
        %parallel_loop3A_735 = arith.constant 320 : index
        %parallel_loop3A_736 = tpu.vector_load %arg12[%parallel_loop3A_735] {strides = array<i32>} : memref<768xf32, #tpu.memory_space<vmem>>, vector<16xf32>,
        %parallel_loop3A_737 = arith.mulf %parallel_loop3A_734, %parallel_loop3A_736 : vector<16xf32>
        %parallel_loop3A_738 = arith.index_cast %rem3A_335 : i32 to index
        %parallel_loop3A_739 = arith.index_cast %parallel_loop3A_357 : i32 to index
        %parallel_loop3A_740 = arith.constant 320 : index
        %parallel_loop3A_741 = tpu.vector_load %arg10[%parallel_loop3A_738, %parallel_loop3A_739, %parallel_loop3A_740] {strides = array<i32>} : memref<8x8x768xf32, #tpu.memory_space<vmem>>, vector<16xf32>,
        tpu.vector_store %arg10[%parallel_loop3A_738, %parallel_loop3A_739, %parallel_loop3A_740], %parallel_loop3A_737 {strides = array<i32>} : memref<8x8x768xf32, #tpu.memory_space<vmem>>, vector<16xf32>,
        %parallel_loop3A_742 = arith.mulf %parallel_loop3A_734, %parallel_loop3A_734 : vector<16xf32>
        %parallel_loop3A_743 = arith.addf %parallel_loop3A_671, %parallel_loop3A_742 : vector<16xf32>
        %parallel_loop3A_744 = arith.index_cast %rem3A_335 : i32 to index
        %parallel_loop3A_745 = arith.index_cast %parallel_loop3A_357 : i32 to index
        %parallel_loop3A_746 = arith.constant 336 : index
        %parallel_loop3A_747 = tpu.vector_load %arg10[%parallel_loop3A_744, %parallel_loop3A_745, %parallel_loop3A_746] {strides = array<i32>} : memref<8x8x768xf32, #tpu.memory_space<vmem>>, vector<16xf32>,
        %parallel_loop3A_748 = arith.index_cast %rem3A_335 : i32 to index
        %parallel_loop3A_749 = arith.index_cast %parallel_loop3A_357 : i32 to index
        %parallel_loop3A_750 = arith.constant 336 : index
        %parallel_loop3A_751 = tpu.vector_load %arg11[%parallel_loop3A_748, %parallel_loop3A_749, %parallel_loop3A_750] {strides = array<i32>} : memref<8x8x768xf32, #tpu.memory_space<vmem>>, vector<16xf32>,
        %parallel_loop3A_752 = arith.addf %parallel_loop3A_747, %parallel_loop3A_751 : vector<16xf32>
        %parallel_loop3A_753 = arith.constant 336 : index
        %parallel_loop3A_754 = tpu.vector_load %arg12[%parallel_loop3A_753] {strides = array<i32>} : memref<768xf32, #tpu.memory_space<vmem>>, vector<16xf32>,
        %parallel_loop3A_755 = arith.mulf %parallel_loop3A_752, %parallel_loop3A_754 : vector<16xf32>
        %parallel_loop3A_756 = arith.index_cast %rem3A_335 : i32 to index
        %parallel_loop3A_757 = arith.index_cast %parallel_loop3A_357 : i32 to index
        %parallel_loop3A_758 = arith.constant 336 : index
        %parallel_loop3A_759 = tpu.vector_load %arg10[%parallel_loop3A_756, %parallel_loop3A_757, %parallel_loop3A_758] {strides = array<i32>} : memref<8x8x768xf32, #tpu.memory_space<vmem>>, vector<16xf32>,
        tpu.vector_store %arg10[%parallel_loop3A_756, %parallel_loop3A_757, %parallel_loop3A_758], %parallel_loop3A_755 {strides = array<i32>} : memref<8x8x768xf32, #tpu.memory_space<vmem>>, vector<16xf32>,
        %parallel_loop3A_760 = arith.mulf %parallel_loop3A_752, %parallel_loop3A_752 : vector<16xf32>
        %parallel_loop3A_761 = arith.addf %parallel_loop3A_689, %parallel_loop3A_760 : vector<16xf32>
        %parallel_loop3A_762 = arith.index_cast %rem3A_335 : i32 to index
        %parallel_loop3A_763 = arith.index_cast %parallel_loop3A_357 : i32 to index
        %parallel_loop3A_764 = arith.constant 352 : index
        %parallel_loop3A_765 = tpu.vector_load %arg10[%parallel_loop3A_762, %parallel_loop3A_763, %parallel_loop3A_764] {strides = array<i32>} : memref<8x8x768xf32, #tpu.memory_space<vmem>>, vector<16xf32>,
        %parallel_loop3A_766 = arith.index_cast %rem3A_335 : i32 to index
        %parallel_loop3A_767 = arith.index_cast %parallel_loop3A_357 : i32 to index
        %parallel_loop3A_768 = arith.constant 352 : index
        %parallel_loop3A_769 = tpu.vector_load %arg11[%parallel_loop3A_766, %parallel_loop3A_767, %parallel_loop3A_768] {strides = array<i32>} : memref<8x8x768xf32, #tpu.memory_space<vmem>>, vector<16xf32>,
        %parallel_loop3A_770 = arith.addf %parallel_loop3A_765, %parallel_loop3A_769 : vector<16xf32>
        %parallel_loop3A_771 = arith.constant 352 : index
        %parallel_loop3A_772 = tpu.vector_load %arg12[%parallel_loop3A_771] {strides = array<i32>} : memref<768xf32, #tpu.memory_space<vmem>>, vector<16xf32>,
        %parallel_loop3A_773 = arith.mulf %parallel_loop3A_770, %parallel_loop3A_772 : vector<16xf32>
        %parallel_loop3A_774 = arith.index_cast %rem3A_335 : i32 to index
        %parallel_loop3A_775 = arith.index_cast %parallel_loop3A_357 : i32 to index
        %parallel_loop3A_776 = arith.constant 352 : index
        %parallel_loop3A_777 = tpu.vector_load %arg10[%parallel_loop3A_774, %parallel_loop3A_775, %parallel_loop3A_776] {strides = array<i32>} : memref<8x8x768xf32, #tpu.memory_space<vmem>>, vector<16xf32>,
        tpu.vector_store %arg10[%parallel_loop3A_774, %parallel_loop3A_775, %parallel_loop3A_776], %parallel_loop3A_773 {strides = array<i32>} : memref<8x8x768xf32, #tpu.memory_space<vmem>>, vector<16xf32>,
        %parallel_loop3A_778 = arith.mulf %parallel_loop3A_770, %parallel_loop3A_770 : vector<16xf32>
        %parallel_loop3A_779 = arith.addf %parallel_loop3A_707, %parallel_loop3A_778 : vector<16xf32>
        %parallel_loop3A_780 = arith.index_cast %rem3A_335 : i32 to index
        %parallel_loop3A_781 = arith.index_cast %parallel_loop3A_357 : i32 to index
        %parallel_loop3A_782 = arith.constant 368 : index
        %parallel_loop3A_783 = tpu.vector_load %arg10[%parallel_loop3A_780, %parallel_loop3A_781, %parallel_loop3A_782] {strides = array<i32>} : memref<8x8x768xf32, #tpu.memory_space<vmem>>, vector<16xf32>,
        %parallel_loop3A_784 = arith.index_cast %rem3A_335 : i32 to index
        %parallel_loop3A_785 = arith.index_cast %parallel_loop3A_357 : i32 to index
        %parallel_loop3A_786 = arith.constant 368 : index
        %parallel_loop3A_787 = tpu.vector_load %arg11[%parallel_loop3A_784, %parallel_loop3A_785, %parallel_loop3A_786] {strides = array<i32>} : memref<8x8x768xf32, #tpu.memory_space<vmem>>, vector<16xf32>,
        %parallel_loop3A_788 = arith.addf %parallel_loop3A_783, %parallel_loop3A_787 : vector<16xf32>
        %parallel_loop3A_789 = arith.constant 368 : index
        %parallel_loop3A_790 = tpu.vector_load %arg12[%parallel_loop3A_789] {strides = array<i32>} : memref<768xf32, #tpu.memory_space<vmem>>, vector<16xf32>,
        %parallel_loop3A_791 = arith.mulf %parallel_loop3A_788, %parallel_loop3A_790 : vector<16xf32>
        %parallel_loop3A_792 = arith.index_cast %rem3A_335 : i32 to index
        %parallel_loop3A_793 = arith.index_cast %parallel_loop3A_357 : i32 to index
        %parallel_loop3A_794 = arith.constant 368 : index
        %parallel_loop3A_795 = tpu.vector_load %arg10[%parallel_loop3A_792, %parallel_loop3A_793, %parallel_loop3A_794] {strides = array<i32>} : memref<8x8x768xf32, #tpu.memory_space<vmem>>, vector<16xf32>,
        tpu.vector_store %arg10[%parallel_loop3A_792, %parallel_loop3A_793, %parallel_loop3A_794], %parallel_loop3A_791 {strides = array<i32>} : memref<8x8x768xf32, #tpu.memory_space<vmem>>, vector<16xf32>,
        %parallel_loop3A_796 = arith.mulf %parallel_loop3A_788, %parallel_loop3A_788 : vector<16xf32>
        %parallel_loop3A_797 = arith.addf %parallel_loop3A_725, %parallel_loop3A_796 : vector<16xf32>
        %parallel_loop3A_798 = arith.index_cast %rem3A_335 : i32 to index
        %parallel_loop3A_799 = arith.index_cast %parallel_loop3A_357 : i32 to index
        %parallel_loop3A_800 = arith.constant 384 : index
        %parallel_loop3A_801 = tpu.vector_load %arg10[%parallel_loop3A_798, %parallel_loop3A_799, %parallel_loop3A_800] {strides = array<i32>} : memref<8x8x768xf32, #tpu.memory_space<vmem>>, vector<16xf32>,
        %parallel_loop3A_802 = arith.index_cast %rem3A_335 : i32 to index
        %parallel_loop3A_803 = arith.index_cast %parallel_loop3A_357 : i32 to index
        %parallel_loop3A_804 = arith.constant 384 : index
        %parallel_loop3A_805 = tpu.vector_load %arg11[%parallel_loop3A_802, %parallel_loop3A_803, %parallel_loop3A_804] {strides = array<i32>} : memref<8x8x768xf32, #tpu.memory_space<vmem>>, vector<16xf32>,
        %parallel_loop3A_806 = arith.addf %parallel_loop3A_801, %parallel_loop3A_805 : vector<16xf32>
        %parallel_loop3A_807 = arith.constant 384 : index
        %parallel_loop3A_808 = tpu.vector_load %arg12[%parallel_loop3A_807] {strides = array<i32>} : memref<768xf32, #tpu.memory_space<vmem>>, vector<16xf32>,
        %parallel_loop3A_809 = arith.mulf %parallel_loop3A_806, %parallel_loop3A_808 : vector<16xf32>
        %parallel_loop3A_810 = arith.index_cast %rem3A_335 : i32 to index
        %parallel_loop3A_811 = arith.index_cast %parallel_loop3A_357 : i32 to index
        %parallel_loop3A_812 = arith.constant 384 : index
        %parallel_loop3A_813 = tpu.vector_load %arg10[%parallel_loop3A_810, %parallel_loop3A_811, %parallel_loop3A_812] {strides = array<i32>} : memref<8x8x768xf32, #tpu.memory_space<vmem>>, vector<16xf32>,
        tpu.vector_store %arg10[%parallel_loop3A_810, %parallel_loop3A_811, %parallel_loop3A_812], %parallel_loop3A_809 {strides = array<i32>} : memref<8x8x768xf32, #tpu.memory_space<vmem>>, vector<16xf32>,
        %parallel_loop3A_814 = arith.mulf %parallel_loop3A_806, %parallel_loop3A_806 : vector<16xf32>
        %parallel_loop3A_815 = arith.addf %parallel_loop3A_743, %parallel_loop3A_814 : vector<16xf32>
        %parallel_loop3A_816 = arith.index_cast %rem3A_335 : i32 to index
        %parallel_loop3A_817 = arith.index_cast %parallel_loop3A_357 : i32 to index
        %parallel_loop3A_818 = arith.constant 400 : index
        %parallel_loop3A_819 = tpu.vector_load %arg10[%parallel_loop3A_816, %parallel_loop3A_817, %parallel_loop3A_818] {strides = array<i32>} : memref<8x8x768xf32, #tpu.memory_space<vmem>>, vector<16xf32>,
        %parallel_loop3A_820 = arith.index_cast %rem3A_335 : i32 to index
        %parallel_loop3A_821 = arith.index_cast %parallel_loop3A_357 : i32 to index
        %parallel_loop3A_822 = arith.constant 400 : index
        %parallel_loop3A_823 = tpu.vector_load %arg11[%parallel_loop3A_820, %parallel_loop3A_821, %parallel_loop3A_822] {strides = array<i32>} : memref<8x8x768xf32, #tpu.memory_space<vmem>>, vector<16xf32>,
        %parallel_loop3A_824 = arith.addf %parallel_loop3A_819, %parallel_loop3A_823 : vector<16xf32>
        %parallel_loop3A_825 = arith.constant 400 : index
        %parallel_loop3A_826 = tpu.vector_load %arg12[%parallel_loop3A_825] {strides = array<i32>} : memref<768xf32, #tpu.memory_space<vmem>>, vector<16xf32>,
        %parallel_loop3A_827 = arith.mulf %parallel_loop3A_824, %parallel_loop3A_826 : vector<16xf32>
        %parallel_loop3A_828 = arith.index_cast %rem3A_335 : i32 to index
        %parallel_loop3A_829 = arith.index_cast %parallel_loop3A_357 : i32 to index
        %parallel_loop3A_830 = arith.constant 400 : index
        %parallel_loop3A_831 = tpu.vector_load %arg10[%parallel_loop3A_828, %parallel_loop3A_829, %parallel_loop3A_830] {strides = array<i32>} : memref<8x8x768xf32, #tpu.memory_space<vmem>>, vector<16xf32>,
        tpu.vector_store %arg10[%parallel_loop3A_828, %parallel_loop3A_829, %parallel_loop3A_830], %parallel_loop3A_827 {strides = array<i32>} : memref<8x8x768xf32, #tpu.memory_space<vmem>>, vector<16xf32>,
        %parallel_loop3A_832 = arith.mulf %parallel_loop3A_824, %parallel_loop3A_824 : vector<16xf32>
        %parallel_loop3A_833 = arith.addf %parallel_loop3A_761, %parallel_loop3A_832 : vector<16xf32>
        %parallel_loop3A_834 = arith.index_cast %rem3A_335 : i32 to index
        %parallel_loop3A_835 = arith.index_cast %parallel_loop3A_357 : i32 to index
        %parallel_loop3A_836 = arith.constant 416 : index
        %parallel_loop3A_837 = tpu.vector_load %arg10[%parallel_loop3A_834, %parallel_loop3A_835, %parallel_loop3A_836] {strides = array<i32>} : memref<8x8x768xf32, #tpu.memory_space<vmem>>, vector<16xf32>,
        %parallel_loop3A_838 = arith.index_cast %rem3A_335 : i32 to index
        %parallel_loop3A_839 = arith.index_cast %parallel_loop3A_357 : i32 to index
        %parallel_loop3A_840 = arith.constant 416 : index
        %parallel_loop3A_841 = tpu.vector_load %arg11[%parallel_loop3A_838, %parallel_loop3A_839, %parallel_loop3A_840] {strides = array<i32>} : memref<8x8x768xf32, #tpu.memory_space<vmem>>, vector<16xf32>,
        %parallel_loop3A_842 = arith.addf %parallel_loop3A_837, %parallel_loop3A_841 : vector<16xf32>
        %parallel_loop3A_843 = arith.constant 416 : index
        %parallel_loop3A_844 = tpu.vector_load %arg12[%parallel_loop3A_843] {strides = array<i32>} : memref<768xf32, #tpu.memory_space<vmem>>, vector<16xf32>,
        %parallel_loop3A_845 = arith.mulf %parallel_loop3A_842, %parallel_loop3A_844 : vector<16xf32>
        %parallel_loop3A_846 = arith.index_cast %rem3A_335 : i32 to index
        %parallel_loop3A_847 = arith.index_cast %parallel_loop3A_357 : i32 to index
        %parallel_loop3A_848 = arith.constant 416 : index
        %parallel_loop3A_849 = tpu.vector_load %arg10[%parallel_loop3A_846, %parallel_loop3A_847, %parallel_loop3A_848] {strides = array<i32>} : memref<8x8x768xf32, #tpu.memory_space<vmem>>, vector<16xf32>,
        tpu.vector_store %arg10[%parallel_loop3A_846, %parallel_loop3A_847, %parallel_loop3A_848], %parallel_loop3A_845 {strides = array<i32>} : memref<8x8x768xf32, #tpu.memory_space<vmem>>, vector<16xf32>,
        %parallel_loop3A_850 = arith.mulf %parallel_loop3A_842, %parallel_loop3A_842 : vector<16xf32>
        %parallel_loop3A_851 = arith.addf %parallel_loop3A_779, %parallel_loop3A_850 : vector<16xf32>
        %parallel_loop3A_852 = arith.index_cast %rem3A_335 : i32 to index
        %parallel_loop3A_853 = arith.index_cast %parallel_loop3A_357 : i32 to index
        %parallel_loop3A_854 = arith.constant 432 : index
        %parallel_loop3A_855 = tpu.vector_load %arg10[%parallel_loop3A_852, %parallel_loop3A_853, %parallel_loop3A_854] {strides = array<i32>} : memref<8x8x768xf32, #tpu.memory_space<vmem>>, vector<16xf32>,
        %parallel_loop3A_856 = arith.index_cast %rem3A_335 : i32 to index
        %parallel_loop3A_857 = arith.index_cast %parallel_loop3A_357 : i32 to index
        %parallel_loop3A_858 = arith.constant 432 : index
        %parallel_loop3A_859 = tpu.vector_load %arg11[%parallel_loop3A_856, %parallel_loop3A_857, %parallel_loop3A_858] {strides = array<i32>} : memref<8x8x768xf32, #tpu.memory_space<vmem>>, vector<16xf32>,
        %parallel_loop3A_860 = arith.addf %parallel_loop3A_855, %parallel_loop3A_859 : vector<16xf32>
        %parallel_loop3A_861 = arith.constant 432 : index
        %parallel_loop3A_862 = tpu.vector_load %arg12[%parallel_loop3A_861] {strides = array<i32>} : memref<768xf32, #tpu.memory_space<vmem>>, vector<16xf32>,
        %parallel_loop3A_863 = arith.mulf %parallel_loop3A_860, %parallel_loop3A_862 : vector<16xf32>
        %parallel_loop3A_864 = arith.index_cast %rem3A_335 : i32 to index
        %parallel_loop3A_865 = arith.index_cast %parallel_loop3A_357 : i32 to index
        %parallel_loop3A_866 = arith.constant 432 : index
        %parallel_loop3A_867 = tpu.vector_load %arg10[%parallel_loop3A_864, %parallel_loop3A_865, %parallel_loop3A_866] {strides = array<i32>} : memref<8x8x768xf32, #tpu.memory_space<vmem>>, vector<16xf32>,
        tpu.vector_store %arg10[%parallel_loop3A_864, %parallel_loop3A_865, %parallel_loop3A_866], %parallel_loop3A_863 {strides = array<i32>} : memref<8x8x768xf32, #tpu.memory_space<vmem>>, vector<16xf32>,
        %parallel_loop3A_868 = arith.mulf %parallel_loop3A_860, %parallel_loop3A_860 : vector<16xf32>
        %parallel_loop3A_869 = arith.addf %parallel_loop3A_797, %parallel_loop3A_868 : vector<16xf32>
        %parallel_loop3A_870 = arith.index_cast %rem3A_335 : i32 to index
        %parallel_loop3A_871 = arith.index_cast %parallel_loop3A_357 : i32 to index
        %parallel_loop3A_872 = arith.constant 448 : index
        %parallel_loop3A_873 = tpu.vector_load %arg10[%parallel_loop3A_870, %parallel_loop3A_871, %parallel_loop3A_872] {strides = array<i32>} : memref<8x8x768xf32, #tpu.memory_space<vmem>>, vector<16xf32>,
        %parallel_loop3A_874 = arith.index_cast %rem3A_335 : i32 to index
        %parallel_loop3A_875 = arith.index_cast %parallel_loop3A_357 : i32 to index
        %parallel_loop3A_876 = arith.constant 448 : index
        %parallel_loop3A_877 = tpu.vector_load %arg11[%parallel_loop3A_874, %parallel_loop3A_875, %parallel_loop3A_876] {strides = array<i32>} : memref<8x8x768xf32, #tpu.memory_space<vmem>>, vector<16xf32>,
        %parallel_loop3A_878 = arith.addf %parallel_loop3A_873, %parallel_loop3A_877 : vector<16xf32>
        %parallel_loop3A_879 = arith.constant 448 : index
        %parallel_loop3A_880 = tpu.vector_load %arg12[%parallel_loop3A_879] {strides = array<i32>} : memref<768xf32, #tpu.memory_space<vmem>>, vector<16xf32>,
        %parallel_loop3A_881 = arith.mulf %parallel_loop3A_878, %parallel_loop3A_880 : vector<16xf32>
        %parallel_loop3A_882 = arith.index_cast %rem3A_335 : i32 to index
        %parallel_loop3A_883 = arith.index_cast %parallel_loop3A_357 : i32 to index
        %parallel_loop3A_884 = arith.constant 448 : index
        %parallel_loop3A_885 = tpu.vector_load %arg10[%parallel_loop3A_882, %parallel_loop3A_883, %parallel_loop3A_884] {strides = array<i32>} : memref<8x8x768xf32, #tpu.memory_space<vmem>>, vector<16xf32>,
        tpu.vector_store %arg10[%parallel_loop3A_882, %parallel_loop3A_883, %parallel_loop3A_884], %parallel_loop3A_881 {strides = array<i32>} : memref<8x8x768xf32, #tpu.memory_space<vmem>>, vector<16xf32>,
        %parallel_loop3A_886 = arith.mulf %parallel_loop3A_878, %parallel_loop3A_878 : vector<16xf32>
        %parallel_loop3A_887 = arith.addf %parallel_loop3A_815, %parallel_loop3A_886 : vector<16xf32>
        %parallel_loop3A_888 = arith.index_cast %rem3A_335 : i32 to index
        %parallel_loop3A_889 = arith.index_cast %parallel_loop3A_357 : i32 to index
        %parallel_loop3A_890 = arith.constant 464 : index
        %parallel_loop3A_891 = tpu.vector_load %arg10[%parallel_loop3A_888, %parallel_loop3A_889, %parallel_loop3A_890] {strides = array<i32>} : memref<8x8x768xf32, #tpu.memory_space<vmem>>, vector<16xf32>,
        %parallel_loop3A_892 = arith.index_cast %rem3A_335 : i32 to index
        %parallel_loop3A_893 = arith.index_cast %parallel_loop3A_357 : i32 to index
        %parallel_loop3A_894 = arith.constant 464 : index
        %parallel_loop3A_895 = tpu.vector_load %arg11[%parallel_loop3A_892, %parallel_loop3A_893, %parallel_loop3A_894] {strides = array<i32>} : memref<8x8x768xf32, #tpu.memory_space<vmem>>, vector<16xf32>,
        %parallel_loop3A_896 = arith.addf %parallel_loop3A_891, %parallel_loop3A_895 : vector<16xf32>
        %parallel_loop3A_897 = arith.constant 464 : index
        %parallel_loop3A_898 = tpu.vector_load %arg12[%parallel_loop3A_897] {strides = array<i32>} : memref<768xf32, #tpu.memory_space<vmem>>, vector<16xf32>,
        %parallel_loop3A_899 = arith.mulf %parallel_loop3A_896, %parallel_loop3A_898 : vector<16xf32>
        %parallel_loop3A_900 = arith.index_cast %rem3A_335 : i32 to index
        %parallel_loop3A_901 = arith.index_cast %parallel_loop3A_357 : i32 to index
        %parallel_loop3A_902 = arith.constant 464 : index
        %parallel_loop3A_903 = tpu.vector_load %arg10[%parallel_loop3A_900, %parallel_loop3A_901, %parallel_loop3A_902] {strides = array<i32>} : memref<8x8x768xf32, #tpu.memory_space<vmem>>, vector<16xf32>,
        tpu.vector_store %arg10[%parallel_loop3A_900, %parallel_loop3A_901, %parallel_loop3A_902], %parallel_loop3A_899 {strides = array<i32>} : memref<8x8x768xf32, #tpu.memory_space<vmem>>, vector<16xf32>,
        %parallel_loop3A_904 = arith.mulf %parallel_loop3A_896, %parallel_loop3A_896 : vector<16xf32>
        %parallel_loop3A_905 = arith.addf %parallel_loop3A_833, %parallel_loop3A_904 : vector<16xf32>
        %parallel_loop3A_906 = arith.index_cast %rem3A_335 : i32 to index
        %parallel_loop3A_907 = arith.index_cast %parallel_loop3A_357 : i32 to index
        %parallel_loop3A_908 = arith.constant 480 : index
        %parallel_loop3A_909 = tpu.vector_load %arg10[%parallel_loop3A_906, %parallel_loop3A_907, %parallel_loop3A_908] {strides = array<i32>} : memref<8x8x768xf32, #tpu.memory_space<vmem>>, vector<16xf32>,
        %parallel_loop3A_910 = arith.index_cast %rem3A_335 : i32 to index
        %parallel_loop3A_911 = arith.index_cast %parallel_loop3A_357 : i32 to index
        %parallel_loop3A_912 = arith.constant 480 : index
        %parallel_loop3A_913 = tpu.vector_load %arg11[%parallel_loop3A_910, %parallel_loop3A_911, %parallel_loop3A_912] {strides = array<i32>} : memref<8x8x768xf32, #tpu.memory_space<vmem>>, vector<16xf32>,
        %parallel_loop3A_914 = arith.addf %parallel_loop3A_909, %parallel_loop3A_913 : vector<16xf32>
        %parallel_loop3A_915 = arith.constant 480 : index
        %parallel_loop3A_916 = tpu.vector_load %arg12[%parallel_loop3A_915] {strides = array<i32>} : memref<768xf32, #tpu.memory_space<vmem>>, vector<16xf32>,
        %parallel_loop3A_917 = arith.mulf %parallel_loop3A_914, %parallel_loop3A_916 : vector<16xf32>
        %parallel_loop3A_918 = arith.index_cast %rem3A_335 : i32 to index
        %parallel_loop3A_919 = arith.index_cast %parallel_loop3A_357 : i32 to index
        %parallel_loop3A_920 = arith.constant 480 : index
        %parallel_loop3A_921 = tpu.vector_load %arg10[%parallel_loop3A_918, %parallel_loop3A_919, %parallel_loop3A_920] {strides = array<i32>} : memref<8x8x768xf32, #tpu.memory_space<vmem>>, vector<16xf32>,
        tpu.vector_store %arg10[%parallel_loop3A_918, %parallel_loop3A_919, %parallel_loop3A_920], %parallel_loop3A_917 {strides = array<i32>} : memref<8x8x768xf32, #tpu.memory_space<vmem>>, vector<16xf32>,
        %parallel_loop3A_922 = arith.mulf %parallel_loop3A_914, %parallel_loop3A_914 : vector<16xf32>
        %parallel_loop3A_923 = arith.addf %parallel_loop3A_851, %parallel_loop3A_922 : vector<16xf32>
        %parallel_loop3A_924 = arith.index_cast %rem3A_335 : i32 to index
        %parallel_loop3A_925 = arith.index_cast %parallel_loop3A_357 : i32 to index
        %parallel_loop3A_926 = arith.constant 496 : index
        %parallel_loop3A_927 = tpu.vector_load %arg10[%parallel_loop3A_924, %parallel_loop3A_925, %parallel_loop3A_926] {strides = array<i32>} : memref<8x8x768xf32, #tpu.memory_space<vmem>>, vector<16xf32>,
        %parallel_loop3A_928 = arith.index_cast %rem3A_335 : i32 to index
        %parallel_loop3A_929 = arith.index_cast %parallel_loop3A_357 : i32 to index
        %parallel_loop3A_930 = arith.constant 496 : index
        %parallel_loop3A_931 = tpu.vector_load %arg11[%parallel_loop3A_928, %parallel_loop3A_929, %parallel_loop3A_930] {strides = array<i32>} : memref<8x8x768xf32, #tpu.memory_space<vmem>>, vector<16xf32>,
        %parallel_loop3A_932 = arith.addf %parallel_loop3A_927, %parallel_loop3A_931 : vector<16xf32>
        %parallel_loop3A_933 = arith.constant 496 : index
        %parallel_loop3A_934 = tpu.vector_load %arg12[%parallel_loop3A_933] {strides = array<i32>} : memref<768xf32, #tpu.memory_space<vmem>>, vector<16xf32>,
        %parallel_loop3A_935 = arith.mulf %parallel_loop3A_932, %parallel_loop3A_934 : vector<16xf32>
        %parallel_loop3A_936 = arith.index_cast %rem3A_335 : i32 to index
        %parallel_loop3A_937 = arith.index_cast %parallel_loop3A_357 : i32 to index
        %parallel_loop3A_938 = arith.constant 496 : index
        %parallel_loop3A_939 = tpu.vector_load %arg10[%parallel_loop3A_936, %parallel_loop3A_937, %parallel_loop3A_938] {strides = array<i32>} : memref<8x8x768xf32, #tpu.memory_space<vmem>>, vector<16xf32>,
        tpu.vector_store %arg10[%parallel_loop3A_936, %parallel_loop3A_937, %parallel_loop3A_938], %parallel_loop3A_935 {strides = array<i32>} : memref<8x8x768xf32, #tpu.memory_space<vmem>>, vector<16xf32>,
        %parallel_loop3A_940 = arith.mulf %parallel_loop3A_932, %parallel_loop3A_932 : vector<16xf32>
        %parallel_loop3A_941 = arith.addf %parallel_loop3A_869, %parallel_loop3A_940 : vector<16xf32>
        %parallel_loop3A_942 = arith.index_cast %rem3A_335 : i32 to index
        %parallel_loop3A_943 = arith.index_cast %parallel_loop3A_357 : i32 to index
        %parallel_loop3A_944 = arith.constant 512 : index
        %parallel_loop3A_945 = tpu.vector_load %arg10[%parallel_loop3A_942, %parallel_loop3A_943, %parallel_loop3A_944] {strides = array<i32>} : memref<8x8x768xf32, #tpu.memory_space<vmem>>, vector<16xf32>,
        %parallel_loop3A_946 = arith.index_cast %rem3A_335 : i32 to index
        %parallel_loop3A_947 = arith.index_cast %parallel_loop3A_357 : i32 to index
        %parallel_loop3A_948 = arith.constant 512 : index
        %parallel_loop3A_949 = tpu.vector_load %arg11[%parallel_loop3A_946, %parallel_loop3A_947, %parallel_loop3A_948] {strides = array<i32>} : memref<8x8x768xf32, #tpu.memory_space<vmem>>, vector<16xf32>,
        %parallel_loop3A_950 = arith.addf %parallel_loop3A_945, %parallel_loop3A_949 : vector<16xf32>
        %parallel_loop3A_951 = arith.constant 512 : index
        %parallel_loop3A_952 = tpu.vector_load %arg12[%parallel_loop3A_951] {strides = array<i32>} : memref<768xf32, #tpu.memory_space<vmem>>, vector<16xf32>,
        %parallel_loop3A_953 = arith.mulf %parallel_loop3A_950, %parallel_loop3A_952 : vector<16xf32>
        %parallel_loop3A_954 = arith.index_cast %rem3A_335 : i32 to index
        %parallel_loop3A_955 = arith.index_cast %parallel_loop3A_357 : i32 to index
        %parallel_loop3A_956 = arith.constant 512 : index
        %parallel_loop3A_957 = tpu.vector_load %arg10[%parallel_loop3A_954, %parallel_loop3A_955, %parallel_loop3A_956] {strides = array<i32>} : memref<8x8x768xf32, #tpu.memory_space<vmem>>, vector<16xf32>,
        tpu.vector_store %arg10[%parallel_loop3A_954, %parallel_loop3A_955, %parallel_loop3A_956], %parallel_loop3A_953 {strides = array<i32>} : memref<8x8x768xf32, #tpu.memory_space<vmem>>, vector<16xf32>,
        %parallel_loop3A_958 = arith.mulf %parallel_loop3A_950, %parallel_loop3A_950 : vector<16xf32>
        %parallel_loop3A_959 = arith.addf %parallel_loop3A_887, %parallel_loop3A_958 : vector<16xf32>
        %parallel_loop3A_960 = arith.index_cast %rem3A_335 : i32 to index
        %parallel_loop3A_961 = arith.index_cast %parallel_loop3A_357 : i32 to index
        %parallel_loop3A_962 = arith.constant 528 : index
        %parallel_loop3A_963 = tpu.vector_load %arg10[%parallel_loop3A_960, %parallel_loop3A_961, %parallel_loop3A_962] {strides = array<i32>} : memref<8x8x768xf32, #tpu.memory_space<vmem>>, vector<16xf32>,
        %parallel_loop3A_964 = arith.index_cast %rem3A_335 : i32 to index
        %parallel_loop3A_965 = arith.index_cast %parallel_loop3A_357 : i32 to index
        %parallel_loop3A_966 = arith.constant 528 : index
        %parallel_loop3A_967 = tpu.vector_load %arg11[%parallel_loop3A_964, %parallel_loop3A_965, %parallel_loop3A_966] {strides = array<i32>} : memref<8x8x768xf32, #tpu.memory_space<vmem>>, vector<16xf32>,
        %parallel_loop3A_968 = arith.addf %parallel_loop3A_963, %parallel_loop3A_967 : vector<16xf32>
        %parallel_loop3A_969 = arith.constant 528 : index
        %parallel_loop3A_970 = tpu.vector_load %arg12[%parallel_loop3A_969] {strides = array<i32>} : memref<768xf32, #tpu.memory_space<vmem>>, vector<16xf32>,
        %parallel_loop3A_971 = arith.mulf %parallel_loop3A_968, %parallel_loop3A_970 : vector<16xf32>
        %parallel_loop3A_972 = arith.index_cast %rem3A_335 : i32 to index
        %parallel_loop3A_973 = arith.index_cast %parallel_loop3A_357 : i32 to index
        %parallel_loop3A_974 = arith.constant 528 : index
        %parallel_loop3A_975 = tpu.vector_load %arg10[%parallel_loop3A_972, %parallel_loop3A_973, %parallel_loop3A_974] {strides = array<i32>} : memref<8x8x768xf32, #tpu.memory_space<vmem>>, vector<16xf32>,
        tpu.vector_store %arg10[%parallel_loop3A_972, %parallel_loop3A_973, %parallel_loop3A_974], %parallel_loop3A_971 {strides = array<i32>} : memref<8x8x768xf32, #tpu.memory_space<vmem>>, vector<16xf32>,
        %parallel_loop3A_976 = arith.mulf %parallel_loop3A_968, %parallel_loop3A_968 : vector<16xf32>
        %parallel_loop3A_977 = arith.addf %parallel_loop3A_905, %parallel_loop3A_976 : vector<16xf32>
        %parallel_loop3A_978 = arith.index_cast %rem3A_335 : i32 to index
        %parallel_loop3A_979 = arith.index_cast %parallel_loop3A_357 : i32 to index
        %parallel_loop3A_980 = arith.constant 544 : index
        %parallel_loop3A_981 = tpu.vector_load %arg10[%parallel_loop3A_978, %parallel_loop3A_979, %parallel_loop3A_980] {strides = array<i32>} : memref<8x8x768xf32, #tpu.memory_space<vmem>>, vector<16xf32>,
        %parallel_loop3A_982 = arith.index_cast %rem3A_335 : i32 to index
        %parallel_loop3A_983 = arith.index_cast %parallel_loop3A_357 : i32 to index
        %parallel_loop3A_984 = arith.constant 544 : index
        %parallel_loop3A_985 = tpu.vector_load %arg11[%parallel_loop3A_982, %parallel_loop3A_983, %parallel_loop3A_984] {strides = array<i32>} : memref<8x8x768xf32, #tpu.memory_space<vmem>>, vector<16xf32>,
        %parallel_loop3A_986 = arith.addf %parallel_loop3A_981, %parallel_loop3A_985 : vector<16xf32>
        %parallel_loop3A_987 = arith.constant 544 : index
        %parallel_loop3A_988 = tpu.vector_load %arg12[%parallel_loop3A_987] {strides = array<i32>} : memref<768xf32, #tpu.memory_space<vmem>>, vector<16xf32>,
        %parallel_loop3A_989 = arith.mulf %parallel_loop3A_986, %parallel_loop3A_988 : vector<16xf32>
        %parallel_loop3A_990 = arith.index_cast %rem3A_335 : i32 to index
        %parallel_loop3A_991 = arith.index_cast %parallel_loop3A_357 : i32 to index
        %parallel_loop3A_992 = arith.constant 544 : index
        %parallel_loop3A_993 = tpu.vector_load %arg10[%parallel_loop3A_990, %parallel_loop3A_991, %parallel_loop3A_992] {strides = array<i32>} : memref<8x8x768xf32, #tpu.memory_space<vmem>>, vector<16xf32>,
        tpu.vector_store %arg10[%parallel_loop3A_990, %parallel_loop3A_991, %parallel_loop3A_992], %parallel_loop3A_989 {strides = array<i32>} : memref<8x8x768xf32, #tpu.memory_space<vmem>>, vector<16xf32>,
        %parallel_loop3A_994 = arith.mulf %parallel_loop3A_986, %parallel_loop3A_986 : vector<16xf32>
        %parallel_loop3A_995 = arith.addf %parallel_loop3A_923, %parallel_loop3A_994 : vector<16xf32>
        %parallel_loop3A_996 = arith.index_cast %rem3A_335 : i32 to index
        %parallel_loop3A_997 = arith.index_cast %parallel_loop3A_357 : i32 to index
        %parallel_loop3A_998 = arith.constant 560 : index
        %parallel_loop3A_999 = tpu.vector_load %arg10[%parallel_loop3A_996, %parallel_loop3A_997, %parallel_loop3A_998] {strides = array<i32>} : memref<8x8x768xf32, #tpu.memory_space<vmem>>, vector<16xf32>,
        %parallel_loop3A_1000 = arith.index_cast %rem3A_335 : i32 to index
        %parallel_loop3A_1001 = arith.index_cast %parallel_loop3A_357 : i32 to index
        %parallel_loop3A_1002 = arith.constant 560 : index
        %parallel_loop3A_1003 = tpu.vector_load %arg11[%parallel_loop3A_1000, %parallel_loop3A_1001, %parallel_loop3A_1002] {strides = array<i32>} : memref<8x8x768xf32, #tpu.memory_space<vmem>>, vector<16xf32>,
        %parallel_loop3A_1004 = arith.addf %parallel_loop3A_999, %parallel_loop3A_1003 : vector<16xf32>
        %parallel_loop3A_1005 = arith.constant 560 : index
        %parallel_loop3A_1006 = tpu.vector_load %arg12[%parallel_loop3A_1005] {strides = array<i32>} : memref<768xf32, #tpu.memory_space<vmem>>, vector<16xf32>,
        %parallel_loop3A_1007 = arith.mulf %parallel_loop3A_1004, %parallel_loop3A_1006 : vector<16xf32>
        %parallel_loop3A_1008 = arith.index_cast %rem3A_335 : i32 to index
        %parallel_loop3A_1009 = arith.index_cast %parallel_loop3A_357 : i32 to index
        %parallel_loop3A_1010 = arith.constant 560 : index
        %parallel_loop3A_1011 = tpu.vector_load %arg10[%parallel_loop3A_1008, %parallel_loop3A_1009, %parallel_loop3A_1010] {strides = array<i32>} : memref<8x8x768xf32, #tpu.memory_space<vmem>>, vector<16xf32>,
        tpu.vector_store %arg10[%parallel_loop3A_1008, %parallel_loop3A_1009, %parallel_loop3A_1010], %parallel_loop3A_1007 {strides = array<i32>} : memref<8x8x768xf32, #tpu.memory_space<vmem>>, vector<16xf32>,
        %parallel_loop3A_1012 = arith.mulf %parallel_loop3A_1004, %parallel_loop3A_1004 : vector<16xf32>
        %parallel_loop3A_1013 = arith.addf %parallel_loop3A_941, %parallel_loop3A_1012 : vector<16xf32>
        %parallel_loop3A_1014 = arith.index_cast %rem3A_335 : i32 to index
        %parallel_loop3A_1015 = arith.index_cast %parallel_loop3A_357 : i32 to index
        %parallel_loop3A_1016 = arith.constant 576 : index
        %parallel_loop3A_1017 = tpu.vector_load %arg10[%parallel_loop3A_1014, %parallel_loop3A_1015, %parallel_loop3A_1016] {strides = array<i32>} : memref<8x8x768xf32, #tpu.memory_space<vmem>>, vector<16xf32>,
        %parallel_loop3A_1018 = arith.index_cast %rem3A_335 : i32 to index
        %parallel_loop3A_1019 = arith.index_cast %parallel_loop3A_357 : i32 to index
        %parallel_loop3A_1020 = arith.constant 576 : index
        %parallel_loop3A_1021 = tpu.vector_load %arg11[%parallel_loop3A_1018, %parallel_loop3A_1019, %parallel_loop3A_1020] {strides = array<i32>} : memref<8x8x768xf32, #tpu.memory_space<vmem>>, vector<16xf32>,
        %parallel_loop3A_1022 = arith.addf %parallel_loop3A_1017, %parallel_loop3A_1021 : vector<16xf32>
        %parallel_loop3A_1023 = arith.constant 576 : index
        %parallel_loop3A_1024 = tpu.vector_load %arg12[%parallel_loop3A_1023] {strides = array<i32>} : memref<768xf32, #tpu.memory_space<vmem>>, vector<16xf32>,
        %parallel_loop3A_1025 = arith.mulf %parallel_loop3A_1022, %parallel_loop3A_1024 : vector<16xf32>
        %parallel_loop3A_1026 = arith.index_cast %rem3A_335 : i32 to index
        %parallel_loop3A_1027 = arith.index_cast %parallel_loop3A_357 : i32 to index
        %parallel_loop3A_1028 = arith.constant 576 : index
        %parallel_loop3A_1029 = tpu.vector_load %arg10[%parallel_loop3A_1026, %parallel_loop3A_1027, %parallel_loop3A_1028] {strides = array<i32>} : memref<8x8x768xf32, #tpu.memory_space<vmem>>, vector<16xf32>,
        tpu.vector_store %arg10[%parallel_loop3A_1026, %parallel_loop3A_1027, %parallel_loop3A_1028], %parallel_loop3A_1025 {strides = array<i32>} : memref<8x8x768xf32, #tpu.memory_space<vmem>>, vector<16xf32>,
        %parallel_loop3A_1030 = arith.mulf %parallel_loop3A_1022, %parallel_loop3A_1022 : vector<16xf32>
        %parallel_loop3A_1031 = arith.addf %parallel_loop3A_959, %parallel_loop3A_1030 : vector<16xf32>
        %parallel_loop3A_1032 = arith.index_cast %rem3A_335 : i32 to index
        %parallel_loop3A_1033 = arith.index_cast %parallel_loop3A_357 : i32 to index
        %parallel_loop3A_1034 = arith.constant 592 : index
        %parallel_loop3A_1035 = tpu.vector_load %arg10[%parallel_loop3A_1032, %parallel_loop3A_1033, %parallel_loop3A_1034] {strides = array<i32>} : memref<8x8x768xf32, #tpu.memory_space<vmem>>, vector<16xf32>,
        %parallel_loop3A_1036 = arith.index_cast %rem3A_335 : i32 to index
        %parallel_loop3A_1037 = arith.index_cast %parallel_loop3A_357 : i32 to index
        %parallel_loop3A_1038 = arith.constant 592 : index
        %parallel_loop3A_1039 = tpu.vector_load %arg11[%parallel_loop3A_1036, %parallel_loop3A_1037, %parallel_loop3A_1038] {strides = array<i32>} : memref<8x8x768xf32, #tpu.memory_space<vmem>>, vector<16xf32>,
        %parallel_loop3A_1040 = arith.addf %parallel_loop3A_1035, %parallel_loop3A_1039 : vector<16xf32>
        %parallel_loop3A_1041 = arith.constant 592 : index
        %parallel_loop3A_1042 = tpu.vector_load %arg12[%parallel_loop3A_1041] {strides = array<i32>} : memref<768xf32, #tpu.memory_space<vmem>>, vector<16xf32>,
        %parallel_loop3A_1043 = arith.mulf %parallel_loop3A_1040, %parallel_loop3A_1042 : vector<16xf32>
        %parallel_loop3A_1044 = arith.index_cast %rem3A_335 : i32 to index
        %parallel_loop3A_1045 = arith.index_cast %parallel_loop3A_357 : i32 to index
        %parallel_loop3A_1046 = arith.constant 592 : index
        %parallel_loop3A_1047 = tpu.vector_load %arg10[%parallel_loop3A_1044, %parallel_loop3A_1045, %parallel_loop3A_1046] {strides = array<i32>} : memref<8x8x768xf32, #tpu.memory_space<vmem>>, vector<16xf32>,
        tpu.vector_store %arg10[%parallel_loop3A_1044, %parallel_loop3A_1045, %parallel_loop3A_1046], %parallel_loop3A_1043 {strides = array<i32>} : memref<8x8x768xf32, #tpu.memory_space<vmem>>, vector<16xf32>,
        %parallel_loop3A_1048 = arith.mulf %parallel_loop3A_1040, %parallel_loop3A_1040 : vector<16xf32>
        %parallel_loop3A_1049 = arith.addf %parallel_loop3A_977, %parallel_loop3A_1048 : vector<16xf32>
        %parallel_loop3A_1050 = arith.index_cast %rem3A_335 : i32 to index
        %parallel_loop3A_1051 = arith.index_cast %parallel_loop3A_357 : i32 to index
        %parallel_loop3A_1052 = arith.constant 608 : index
        %parallel_loop3A_1053 = tpu.vector_load %arg10[%parallel_loop3A_1050, %parallel_loop3A_1051, %parallel_loop3A_1052] {strides = array<i32>} : memref<8x8x768xf32, #tpu.memory_space<vmem>>, vector<16xf32>,
        %parallel_loop3A_1054 = arith.index_cast %rem3A_335 : i32 to index
        %parallel_loop3A_1055 = arith.index_cast %parallel_loop3A_357 : i32 to index
        %parallel_loop3A_1056 = arith.constant 608 : index
        %parallel_loop3A_1057 = tpu.vector_load %arg11[%parallel_loop3A_1054, %parallel_loop3A_1055, %parallel_loop3A_1056] {strides = array<i32>} : memref<8x8x768xf32, #tpu.memory_space<vmem>>, vector<16xf32>,
        %parallel_loop3A_1058 = arith.addf %parallel_loop3A_1053, %parallel_loop3A_1057 : vector<16xf32>
        %parallel_loop3A_1059 = arith.constant 608 : index
        %parallel_loop3A_1060 = tpu.vector_load %arg12[%parallel_loop3A_1059] {strides = array<i32>} : memref<768xf32, #tpu.memory_space<vmem>>, vector<16xf32>,
        %parallel_loop3A_1061 = arith.mulf %parallel_loop3A_1058, %parallel_loop3A_1060 : vector<16xf32>
        %parallel_loop3A_1062 = arith.index_cast %rem3A_335 : i32 to index
        %parallel_loop3A_1063 = arith.index_cast %parallel_loop3A_357 : i32 to index
        %parallel_loop3A_1064 = arith.constant 608 : index
        %parallel_loop3A_1065 = tpu.vector_load %arg10[%parallel_loop3A_1062, %parallel_loop3A_1063, %parallel_loop3A_1064] {strides = array<i32>} : memref<8x8x768xf32, #tpu.memory_space<vmem>>, vector<16xf32>,
        tpu.vector_store %arg10[%parallel_loop3A_1062, %parallel_loop3A_1063, %parallel_loop3A_1064], %parallel_loop3A_1061 {strides = array<i32>} : memref<8x8x768xf32, #tpu.memory_space<vmem>>, vector<16xf32>,
        %parallel_loop3A_1066 = arith.mulf %parallel_loop3A_1058, %parallel_loop3A_1058 : vector<16xf32>
        %parallel_loop3A_1067 = arith.addf %parallel_loop3A_995, %parallel_loop3A_1066 : vector<16xf32>
        %parallel_loop3A_1068 = arith.index_cast %rem3A_335 : i32 to index
        %parallel_loop3A_1069 = arith.index_cast %parallel_loop3A_357 : i32 to index
        %parallel_loop3A_1070 = arith.constant 624 : index
        %parallel_loop3A_1071 = tpu.vector_load %arg10[%parallel_loop3A_1068, %parallel_loop3A_1069, %parallel_loop3A_1070] {strides = array<i32>} : memref<8x8x768xf32, #tpu.memory_space<vmem>>, vector<16xf32>,
        %parallel_loop3A_1072 = arith.index_cast %rem3A_335 : i32 to index
        %parallel_loop3A_1073 = arith.index_cast %parallel_loop3A_357 : i32 to index
        %parallel_loop3A_1074 = arith.constant 624 : index
        %parallel_loop3A_1075 = tpu.vector_load %arg11[%parallel_loop3A_1072, %parallel_loop3A_1073, %parallel_loop3A_1074] {strides = array<i32>} : memref<8x8x768xf32, #tpu.memory_space<vmem>>, vector<16xf32>,
        %parallel_loop3A_1076 = arith.addf %parallel_loop3A_1071, %parallel_loop3A_1075 : vector<16xf32>
        %parallel_loop3A_1077 = arith.constant 624 : index
        %parallel_loop3A_1078 = tpu.vector_load %arg12[%parallel_loop3A_1077] {strides = array<i32>} : memref<768xf32, #tpu.memory_space<vmem>>, vector<16xf32>,
        %parallel_loop3A_1079 = arith.mulf %parallel_loop3A_1076, %parallel_loop3A_1078 : vector<16xf32>
        %parallel_loop3A_1080 = arith.index_cast %rem3A_335 : i32 to index
        %parallel_loop3A_1081 = arith.index_cast %parallel_loop3A_357 : i32 to index
        %parallel_loop3A_1082 = arith.constant 624 : index
        %parallel_loop3A_1083 = tpu.vector_load %arg10[%parallel_loop3A_1080, %parallel_loop3A_1081, %parallel_loop3A_1082] {strides = array<i32>} : memref<8x8x768xf32, #tpu.memory_space<vmem>>, vector<16xf32>,
        tpu.vector_store %arg10[%parallel_loop3A_1080, %parallel_loop3A_1081, %parallel_loop3A_1082], %parallel_loop3A_1079 {strides = array<i32>} : memref<8x8x768xf32, #tpu.memory_space<vmem>>, vector<16xf32>,
        %parallel_loop3A_1084 = arith.mulf %parallel_loop3A_1076, %parallel_loop3A_1076 : vector<16xf32>
        %parallel_loop3A_1085 = arith.addf %parallel_loop3A_1013, %parallel_loop3A_1084 : vector<16xf32>
        %parallel_loop3A_1086 = arith.index_cast %rem3A_335 : i32 to index
        %parallel_loop3A_1087 = arith.index_cast %parallel_loop3A_357 : i32 to index
        %parallel_loop3A_1088 = arith.constant 640 : index
        %parallel_loop3A_1089 = tpu.vector_load %arg10[%parallel_loop3A_1086, %parallel_loop3A_1087, %parallel_loop3A_1088] {strides = array<i32>} : memref<8x8x768xf32, #tpu.memory_space<vmem>>, vector<16xf32>,
        %parallel_loop3A_1090 = arith.index_cast %rem3A_335 : i32 to index
        %parallel_loop3A_1091 = arith.index_cast %parallel_loop3A_357 : i32 to index
        %parallel_loop3A_1092 = arith.constant 640 : index
        %parallel_loop3A_1093 = tpu.vector_load %arg11[%parallel_loop3A_1090, %parallel_loop3A_1091, %parallel_loop3A_1092] {strides = array<i32>} : memref<8x8x768xf32, #tpu.memory_space<vmem>>, vector<16xf32>,
        %parallel_loop3A_1094 = arith.addf %parallel_loop3A_1089, %parallel_loop3A_1093 : vector<16xf32>
        %parallel_loop3A_1095 = arith.constant 640 : index
        %parallel_loop3A_1096 = tpu.vector_load %arg12[%parallel_loop3A_1095] {strides = array<i32>} : memref<768xf32, #tpu.memory_space<vmem>>, vector<16xf32>,
        %parallel_loop3A_1097 = arith.mulf %parallel_loop3A_1094, %parallel_loop3A_1096 : vector<16xf32>
        %parallel_loop3A_1098 = arith.index_cast %rem3A_335 : i32 to index
        %parallel_loop3A_1099 = arith.index_cast %parallel_loop3A_357 : i32 to index
        %parallel_loop3A_1100 = arith.constant 640 : index
        %parallel_loop3A_1101 = tpu.vector_load %arg10[%parallel_loop3A_1098, %parallel_loop3A_1099, %parallel_loop3A_1100] {strides = array<i32>} : memref<8x8x768xf32, #tpu.memory_space<vmem>>, vector<16xf32>,
        tpu.vector_store %arg10[%parallel_loop3A_1098, %parallel_loop3A_1099, %parallel_loop3A_1100], %parallel_loop3A_1097 {strides = array<i32>} : memref<8x8x768xf32, #tpu.memory_space<vmem>>, vector<16xf32>,
        %parallel_loop3A_1102 = arith.mulf %parallel_loop3A_1094, %parallel_loop3A_1094 : vector<16xf32>
        %parallel_loop3A_1103 = arith.addf %parallel_loop3A_1031, %parallel_loop3A_1102 : vector<16xf32>
        %parallel_loop3A_1104 = arith.index_cast %rem3A_335 : i32 to index
        %parallel_loop3A_1105 = arith.index_cast %parallel_loop3A_357 : i32 to index
        %parallel_loop3A_1106 = arith.constant 656 : index
        %parallel_loop3A_1107 = tpu.vector_load %arg10[%parallel_loop3A_1104, %parallel_loop3A_1105, %parallel_loop3A_1106] {strides = array<i32>} : memref<8x8x768xf32, #tpu.memory_space<vmem>>, vector<16xf32>,
        %parallel_loop3A_1108 = arith.index_cast %rem3A_335 : i32 to index
        %parallel_loop3A_1109 = arith.index_cast %parallel_loop3A_357 : i32 to index
        %parallel_loop3A_1110 = arith.constant 656 : index
        %parallel_loop3A_1111 = tpu.vector_load %arg11[%parallel_loop3A_1108, %parallel_loop3A_1109, %parallel_loop3A_1110] {strides = array<i32>} : memref<8x8x768xf32, #tpu.memory_space<vmem>>, vector<16xf32>,
        %parallel_loop3A_1112 = arith.addf %parallel_loop3A_1107, %parallel_loop3A_1111 : vector<16xf32>
        %parallel_loop3A_1113 = arith.constant 656 : index
        %parallel_loop3A_1114 = tpu.vector_load %arg12[%parallel_loop3A_1113] {strides = array<i32>} : memref<768xf32, #tpu.memory_space<vmem>>, vector<16xf32>,
        %parallel_loop3A_1115 = arith.mulf %parallel_loop3A_1112, %parallel_loop3A_1114 : vector<16xf32>
        %parallel_loop3A_1116 = arith.index_cast %rem3A_335 : i32 to index
        %parallel_loop3A_1117 = arith.index_cast %parallel_loop3A_357 : i32 to index
        %parallel_loop3A_1118 = arith.constant 656 : index
        %parallel_loop3A_1119 = tpu.vector_load %arg10[%parallel_loop3A_1116, %parallel_loop3A_1117, %parallel_loop3A_1118] {strides = array<i32>} : memref<8x8x768xf32, #tpu.memory_space<vmem>>, vector<16xf32>,
        tpu.vector_store %arg10[%parallel_loop3A_1116, %parallel_loop3A_1117, %parallel_loop3A_1118], %parallel_loop3A_1115 {strides = array<i32>} : memref<8x8x768xf32, #tpu.memory_space<vmem>>, vector<16xf32>,
        %parallel_loop3A_1120 = arith.mulf %parallel_loop3A_1112, %parallel_loop3A_1112 : vector<16xf32>
        %parallel_loop3A_1121 = arith.addf %parallel_loop3A_1049, %parallel_loop3A_1120 : vector<16xf32>
        %parallel_loop3A_1122 = arith.index_cast %rem3A_335 : i32 to index
        %parallel_loop3A_1123 = arith.index_cast %parallel_loop3A_357 : i32 to index
        %parallel_loop3A_1124 = arith.constant 672 : index
        %parallel_loop3A_1125 = tpu.vector_load %arg10[%parallel_loop3A_1122, %parallel_loop3A_1123, %parallel_loop3A_1124] {strides = array<i32>} : memref<8x8x768xf32, #tpu.memory_space<vmem>>, vector<16xf32>,
        %parallel_loop3A_1126 = arith.index_cast %rem3A_335 : i32 to index
        %parallel_loop3A_1127 = arith.index_cast %parallel_loop3A_357 : i32 to index
        %parallel_loop3A_1128 = arith.constant 672 : index
        %parallel_loop3A_1129 = tpu.vector_load %arg11[%parallel_loop3A_1126, %parallel_loop3A_1127, %parallel_loop3A_1128] {strides = array<i32>} : memref<8x8x768xf32, #tpu.memory_space<vmem>>, vector<16xf32>,
        %parallel_loop3A_1130 = arith.addf %parallel_loop3A_1125, %parallel_loop3A_1129 : vector<16xf32>
        %parallel_loop3A_1131 = arith.constant 672 : index
        %parallel_loop3A_1132 = tpu.vector_load %arg12[%parallel_loop3A_1131] {strides = array<i32>} : memref<768xf32, #tpu.memory_space<vmem>>, vector<16xf32>,
        %parallel_loop3A_1133 = arith.mulf %parallel_loop3A_1130, %parallel_loop3A_1132 : vector<16xf32>
        %parallel_loop3A_1134 = arith.index_cast %rem3A_335 : i32 to index
        %parallel_loop3A_1135 = arith.index_cast %parallel_loop3A_357 : i32 to index
        %parallel_loop3A_1136 = arith.constant 672 : index
        %parallel_loop3A_1137 = tpu.vector_load %arg10[%parallel_loop3A_1134, %parallel_loop3A_1135, %parallel_loop3A_1136] {strides = array<i32>} : memref<8x8x768xf32, #tpu.memory_space<vmem>>, vector<16xf32>,
        tpu.vector_store %arg10[%parallel_loop3A_1134, %parallel_loop3A_1135, %parallel_loop3A_1136], %parallel_loop3A_1133 {strides = array<i32>} : memref<8x8x768xf32, #tpu.memory_space<vmem>>, vector<16xf32>,
        %parallel_loop3A_1138 = arith.mulf %parallel_loop3A_1130, %parallel_loop3A_1130 : vector<16xf32>
        %parallel_loop3A_1139 = arith.addf %parallel_loop3A_1067, %parallel_loop3A_1138 : vector<16xf32>
        %parallel_loop3A_1140 = arith.index_cast %rem3A_335 : i32 to index
        %parallel_loop3A_1141 = arith.index_cast %parallel_loop3A_357 : i32 to index
        %parallel_loop3A_1142 = arith.constant 688 : index
        %parallel_loop3A_1143 = tpu.vector_load %arg10[%parallel_loop3A_1140, %parallel_loop3A_1141, %parallel_loop3A_1142] {strides = array<i32>} : memref<8x8x768xf32, #tpu.memory_space<vmem>>, vector<16xf32>,
        %parallel_loop3A_1144 = arith.index_cast %rem3A_335 : i32 to index
        %parallel_loop3A_1145 = arith.index_cast %parallel_loop3A_357 : i32 to index
        %parallel_loop3A_1146 = arith.constant 688 : index
        %parallel_loop3A_1147 = tpu.vector_load %arg11[%parallel_loop3A_1144, %parallel_loop3A_1145, %parallel_loop3A_1146] {strides = array<i32>} : memref<8x8x768xf32, #tpu.memory_space<vmem>>, vector<16xf32>,
        %parallel_loop3A_1148 = arith.addf %parallel_loop3A_1143, %parallel_loop3A_1147 : vector<16xf32>
        %parallel_loop3A_1149 = arith.constant 688 : index
        %parallel_loop3A_1150 = tpu.vector_load %arg12[%parallel_loop3A_1149] {strides = array<i32>} : memref<768xf32, #tpu.memory_space<vmem>>, vector<16xf32>,
        %parallel_loop3A_1151 = arith.mulf %parallel_loop3A_1148, %parallel_loop3A_1150 : vector<16xf32>
        %parallel_loop3A_1152 = arith.index_cast %rem3A_335 : i32 to index
        %parallel_loop3A_1153 = arith.index_cast %parallel_loop3A_357 : i32 to index
        %parallel_loop3A_1154 = arith.constant 688 : index
        %parallel_loop3A_1155 = tpu.vector_load %arg10[%parallel_loop3A_1152, %parallel_loop3A_1153, %parallel_loop3A_1154] {strides = array<i32>} : memref<8x8x768xf32, #tpu.memory_space<vmem>>, vector<16xf32>,
        tpu.vector_store %arg10[%parallel_loop3A_1152, %parallel_loop3A_1153, %parallel_loop3A_1154], %parallel_loop3A_1151 {strides = array<i32>} : memref<8x8x768xf32, #tpu.memory_space<vmem>>, vector<16xf32>,
        %parallel_loop3A_1156 = arith.mulf %parallel_loop3A_1148, %parallel_loop3A_1148 : vector<16xf32>
        %parallel_loop3A_1157 = arith.addf %parallel_loop3A_1085, %parallel_loop3A_1156 : vector<16xf32>
        %parallel_loop3A_1158 = arith.index_cast %rem3A_335 : i32 to index
        %parallel_loop3A_1159 = arith.index_cast %parallel_loop3A_357 : i32 to index
        %parallel_loop3A_1160 = arith.constant 704 : index
        %parallel_loop3A_1161 = tpu.vector_load %arg10[%parallel_loop3A_1158, %parallel_loop3A_1159, %parallel_loop3A_1160] {strides = array<i32>} : memref<8x8x768xf32, #tpu.memory_space<vmem>>, vector<16xf32>,
        %parallel_loop3A_1162 = arith.index_cast %rem3A_335 : i32 to index
        %parallel_loop3A_1163 = arith.index_cast %parallel_loop3A_357 : i32 to index
        %parallel_loop3A_1164 = arith.constant 704 : index
        %parallel_loop3A_1165 = tpu.vector_load %arg11[%parallel_loop3A_1162, %parallel_loop3A_1163, %parallel_loop3A_1164] {strides = array<i32>} : memref<8x8x768xf32, #tpu.memory_space<vmem>>, vector<16xf32>,
        %parallel_loop3A_1166 = arith.addf %parallel_loop3A_1161, %parallel_loop3A_1165 : vector<16xf32>
        %parallel_loop3A_1167 = arith.constant 704 : index
        %parallel_loop3A_1168 = tpu.vector_load %arg12[%parallel_loop3A_1167] {strides = array<i32>} : memref<768xf32, #tpu.memory_space<vmem>>, vector<16xf32>,
        %parallel_loop3A_1169 = arith.mulf %parallel_loop3A_1166, %parallel_loop3A_1168 : vector<16xf32>
        %parallel_loop3A_1170 = arith.index_cast %rem3A_335 : i32 to index
        %parallel_loop3A_1171 = arith.index_cast %parallel_loop3A_357 : i32 to index
        %parallel_loop3A_1172 = arith.constant 704 : index
        %parallel_loop3A_1173 = tpu.vector_load %arg10[%parallel_loop3A_1170, %parallel_loop3A_1171, %parallel_loop3A_1172] {strides = array<i32>} : memref<8x8x768xf32, #tpu.memory_space<vmem>>, vector<16xf32>,
        tpu.vector_store %arg10[%parallel_loop3A_1170, %parallel_loop3A_1171, %parallel_loop3A_1172], %parallel_loop3A_1169 {strides = array<i32>} : memref<8x8x768xf32, #tpu.memory_space<vmem>>, vector<16xf32>,
        %parallel_loop3A_1174 = arith.mulf %parallel_loop3A_1166, %parallel_loop3A_1166 : vector<16xf32>
        %parallel_loop3A_1175 = arith.addf %parallel_loop3A_1103, %parallel_loop3A_1174 : vector<16xf32>
        %parallel_loop3A_1176 = arith.index_cast %rem3A_335 : i32 to index
        %parallel_loop3A_1177 = arith.index_cast %parallel_loop3A_357 : i32 to index
        %parallel_loop3A_1178 = arith.constant 720 : index
        %parallel_loop3A_1179 = tpu.vector_load %arg10[%parallel_loop3A_1176, %parallel_loop3A_1177, %parallel_loop3A_1178] {strides = array<i32>} : memref<8x8x768xf32, #tpu.memory_space<vmem>>, vector<16xf32>,
        %parallel_loop3A_1180 = arith.index_cast %rem3A_335 : i32 to index
        %parallel_loop3A_1181 = arith.index_cast %parallel_loop3A_357 : i32 to index
        %parallel_loop3A_1182 = arith.constant 720 : index
        %parallel_loop3A_1183 = tpu.vector_load %arg11[%parallel_loop3A_1180, %parallel_loop3A_1181, %parallel_loop3A_1182] {strides = array<i32>} : memref<8x8x768xf32, #tpu.memory_space<vmem>>, vector<16xf32>,
        %parallel_loop3A_1184 = arith.addf %parallel_loop3A_1179, %parallel_loop3A_1183 : vector<16xf32>
        %parallel_loop3A_1185 = arith.constant 720 : index
        %parallel_loop3A_1186 = tpu.vector_load %arg12[%parallel_loop3A_1185] {strides = array<i32>} : memref<768xf32, #tpu.memory_space<vmem>>, vector<16xf32>,
        %parallel_loop3A_1187 = arith.mulf %parallel_loop3A_1184, %parallel_loop3A_1186 : vector<16xf32>
        %parallel_loop3A_1188 = arith.index_cast %rem3A_335 : i32 to index
        %parallel_loop3A_1189 = arith.index_cast %parallel_loop3A_357 : i32 to index
        %parallel_loop3A_1190 = arith.constant 720 : index
        %parallel_loop3A_1191 = tpu.vector_load %arg10[%parallel_loop3A_1188, %parallel_loop3A_1189, %parallel_loop3A_1190] {strides = array<i32>} : memref<8x8x768xf32, #tpu.memory_space<vmem>>, vector<16xf32>,
        tpu.vector_store %arg10[%parallel_loop3A_1188, %parallel_loop3A_1189, %parallel_loop3A_1190], %parallel_loop3A_1187 {strides = array<i32>} : memref<8x8x768xf32, #tpu.memory_space<vmem>>, vector<16xf32>,
        %parallel_loop3A_1192 = arith.mulf %parallel_loop3A_1184, %parallel_loop3A_1184 : vector<16xf32>
        %parallel_loop3A_1193 = arith.addf %parallel_loop3A_1121, %parallel_loop3A_1192 : vector<16xf32>
        %parallel_loop3A_1194 = arith.index_cast %rem3A_335 : i32 to index
        %parallel_loop3A_1195 = arith.index_cast %parallel_loop3A_357 : i32 to index
        %parallel_loop3A_1196 = arith.constant 736 : index
        %parallel_loop3A_1197 = tpu.vector_load %arg10[%parallel_loop3A_1194, %parallel_loop3A_1195, %parallel_loop3A_1196] {strides = array<i32>} : memref<8x8x768xf32, #tpu.memory_space<vmem>>, vector<16xf32>,
        %parallel_loop3A_1198 = arith.index_cast %rem3A_335 : i32 to index
        %parallel_loop3A_1199 = arith.index_cast %parallel_loop3A_357 : i32 to index
        %parallel_loop3A_1200 = arith.constant 736 : index
        %parallel_loop3A_1201 = tpu.vector_load %arg11[%parallel_loop3A_1198, %parallel_loop3A_1199, %parallel_loop3A_1200] {strides = array<i32>} : memref<8x8x768xf32, #tpu.memory_space<vmem>>, vector<16xf32>,
        %parallel_loop3A_1202 = arith.addf %parallel_loop3A_1197, %parallel_loop3A_1201 : vector<16xf32>
        %parallel_loop3A_1203 = arith.constant 736 : index
        %parallel_loop3A_1204 = tpu.vector_load %arg12[%parallel_loop3A_1203] {strides = array<i32>} : memref<768xf32, #tpu.memory_space<vmem>>, vector<16xf32>,
        %parallel_loop3A_1205 = arith.mulf %parallel_loop3A_1202, %parallel_loop3A_1204 : vector<16xf32>
        %parallel_loop3A_1206 = arith.index_cast %rem3A_335 : i32 to index
        %parallel_loop3A_1207 = arith.index_cast %parallel_loop3A_357 : i32 to index
        %parallel_loop3A_1208 = arith.constant 736 : index
        %parallel_loop3A_1209 = tpu.vector_load %arg10[%parallel_loop3A_1206, %parallel_loop3A_1207, %parallel_loop3A_1208] {strides = array<i32>} : memref<8x8x768xf32, #tpu.memory_space<vmem>>, vector<16xf32>,
        tpu.vector_store %arg10[%parallel_loop3A_1206, %parallel_loop3A_1207, %parallel_loop3A_1208], %parallel_loop3A_1205 {strides = array<i32>} : memref<8x8x768xf32, #tpu.memory_space<vmem>>, vector<16xf32>,
        %parallel_loop3A_1210 = arith.mulf %parallel_loop3A_1202, %parallel_loop3A_1202 : vector<16xf32>
        %parallel_loop3A_1211 = arith.addf %parallel_loop3A_1139, %parallel_loop3A_1210 : vector<16xf32>
        %parallel_loop3A_1212 = arith.index_cast %rem3A_335 : i32 to index
        %parallel_loop3A_1213 = arith.index_cast %parallel_loop3A_357 : i32 to index
        %parallel_loop3A_1214 = arith.constant 752 : index
        %parallel_loop3A_1215 = tpu.vector_load %arg10[%parallel_loop3A_1212, %parallel_loop3A_1213, %parallel_loop3A_1214] {strides = array<i32>} : memref<8x8x768xf32, #tpu.memory_space<vmem>>, vector<16xf32>,
        %parallel_loop3A_1216 = arith.index_cast %rem3A_335 : i32 to index
        %parallel_loop3A_1217 = arith.index_cast %parallel_loop3A_357 : i32 to index
        %parallel_loop3A_1218 = arith.constant 752 : index
        %parallel_loop3A_1219 = tpu.vector_load %arg11[%parallel_loop3A_1216, %parallel_loop3A_1217, %parallel_loop3A_1218] {strides = array<i32>} : memref<8x8x768xf32, #tpu.memory_space<vmem>>, vector<16xf32>,
        %parallel_loop3A_1220 = arith.addf %parallel_loop3A_1215, %parallel_loop3A_1219 : vector<16xf32>
        %parallel_loop3A_1221 = arith.constant 752 : index
        %parallel_loop3A_1222 = tpu.vector_load %arg12[%parallel_loop3A_1221] {strides = array<i32>} : memref<768xf32, #tpu.memory_space<vmem>>, vector<16xf32>,
        %parallel_loop3A_1223 = arith.mulf %parallel_loop3A_1220, %parallel_loop3A_1222 : vector<16xf32>
        %parallel_loop3A_1224 = arith.index_cast %rem3A_335 : i32 to index
        %parallel_loop3A_1225 = arith.index_cast %parallel_loop3A_357 : i32 to index
        %parallel_loop3A_1226 = arith.constant 752 : index
        %parallel_loop3A_1227 = tpu.vector_load %arg10[%parallel_loop3A_1224, %parallel_loop3A_1225, %parallel_loop3A_1226] {strides = array<i32>} : memref<8x8x768xf32, #tpu.memory_space<vmem>>, vector<16xf32>,
        tpu.vector_store %arg10[%parallel_loop3A_1224, %parallel_loop3A_1225, %parallel_loop3A_1226], %parallel_loop3A_1223 {strides = array<i32>} : memref<8x8x768xf32, #tpu.memory_space<vmem>>, vector<16xf32>,
        %parallel_loop3A_1228 = arith.mulf %parallel_loop3A_1220, %parallel_loop3A_1220 : vector<16xf32>
        %parallel_loop3A_1229 = arith.addf %parallel_loop3A_1157, %parallel_loop3A_1228 : vector<16xf32>
        %parallel_loop3A_1230 = arith.addf %parallel_loop3A_1175, %parallel_loop3A_1193 : vector<16xf32>
        %parallel_loop3A_1231 = arith.addf %parallel_loop3A_1211, %parallel_loop3A_1229 : vector<16xf32>
        %parallel_loop3A_1232 = arith.addf %parallel_loop3A_1230, %parallel_loop3A_1231 : vector<16xf32>
        %parallel_loop3A_1233 = arith.constant true
        %parallel_loop3A_1234 = vector.broadcast %parallel_loop3A_1233 : i1 to vector<16xi1>
        %parallel_loop3A_1235 = tpu.scan <sum>, %parallel_loop3A_1232 masked %parallel_loop3A_1234 : vector<16xf32>, vector<16xi1> -> vector<16xf32>
        %parallel_loop3A_1236 = vector.extract %parallel_loop3A_1235[15] : f32 from vector<16xf32>
        %parallel_loop3A_1237 = arith.constant 0.00130208337 : f32
        %parallel_loop3A_1238 = arith.mulf %parallel_loop3A_1236, %parallel_loop3A_1237 : f32
        %parallel_loop3A_1239 = arith.constant 9.99999996E-13 : f32
        %parallel_loop3A_1240 = arith.addf %parallel_loop3A_1238, %parallel_loop3A_1239 : f32
        %parallel_loop3A_1241 = vector.broadcast %parallel_loop3A_1240 : f32 to vector<16xf32>
        %parallel_loop3A_1242 = vector.bitcast %parallel_loop3A_1241 : vector<16xf32> to vector<16xi32>
        %parallel_loop3A_1243 = arith.constant 1597463007 : i32
        %parallel_loop3A_1244 = vector.broadcast %parallel_loop3A_1243 : i32 to vector<16xi32>
        %parallel_loop3A_1245 = arith.constant 1 : i32
        %parallel_loop3A_1246 = vector.broadcast %parallel_loop3A_1245 : i32 to vector<16xi32>
        %parallel_loop3A_1247 = arith.shrui %parallel_loop3A_1242, %parallel_loop3A_1246 : vector<16xi32>
        %parallel_loop3A_1248 = arith.subi %parallel_loop3A_1244, %parallel_loop3A_1247 : vector<16xi32>
        %parallel_loop3A_1249 = vector.bitcast %parallel_loop3A_1248 : vector<16xi32> to vector<16xf32>
        %parallel_loop3A_1250 = arith.constant 5.000000e-01 : f32
        %parallel_loop3A_1251 = vector.broadcast %parallel_loop3A_1250 : f32 to vector<16xf32>
        %parallel_loop3A_1252 = arith.mulf %parallel_loop3A_1251, %parallel_loop3A_1241 : vector<16xf32>
        %parallel_loop3A_1253 = arith.mulf %parallel_loop3A_1252, %parallel_loop3A_1249 : vector<16xf32>
        %parallel_loop3A_1254 = arith.mulf %parallel_loop3A_1253, %parallel_loop3A_1249 : vector<16xf32>
        %parallel_loop3A_1255 = arith.constant 1.500000e+00 : f32
        %parallel_loop3A_1256 = vector.broadcast %parallel_loop3A_1255 : f32 to vector<16xf32>
        %parallel_loop3A_1257 = arith.subf %parallel_loop3A_1256, %parallel_loop3A_1254 : vector<16xf32>
        %parallel_loop3A_1258 = arith.mulf %parallel_loop3A_1249, %parallel_loop3A_1257 : vector<16xf32>
        %parallel_loop3A_1259 = arith.constant 5.000000e-01 : f32
        %parallel_loop3A_1260 = vector.broadcast %parallel_loop3A_1259 : f32 to vector<16xf32>
        %parallel_loop3A_1261 = arith.mulf %parallel_loop3A_1260, %parallel_loop3A_1241 : vector<16xf32>
        %parallel_loop3A_1262 = arith.mulf %parallel_loop3A_1261, %parallel_loop3A_1258 : vector<16xf32>
        %parallel_loop3A_1263 = arith.mulf %parallel_loop3A_1262, %parallel_loop3A_1258 : vector<16xf32>
        %parallel_loop3A_1264 = arith.constant 1.500000e+00 : f32
        %parallel_loop3A_1265 = vector.broadcast %parallel_loop3A_1264 : f32 to vector<16xf32>
        %parallel_loop3A_1266 = arith.subf %parallel_loop3A_1265, %parallel_loop3A_1263 : vector<16xf32>
        %parallel_loop3A_1267 = arith.mulf %parallel_loop3A_1258, %parallel_loop3A_1266 : vector<16xf32>
        %parallel_loop3A_1268 = arith.index_cast %rem3A_335 : i32 to index
        %parallel_loop3A_1269 = arith.index_cast %parallel_loop3A_357 : i32 to index
        %parallel_loop3A_1270 = arith.constant 0 : index
        %parallel_loop3A_1271 = tpu.vector_load %arg10[%parallel_loop3A_1268, %parallel_loop3A_1269, %parallel_loop3A_1270] {strides = array<i32>} : memref<8x8x768xf32, #tpu.memory_space<vmem>>, vector<16xf32>,
        %parallel_loop3A_1272 = arith.mulf %parallel_loop3A_1271, %parallel_loop3A_1267 : vector<16xf32>
        %parallel_loop3A_1273 = arith.index_cast %rem3A_335 : i32 to index
        %parallel_loop3A_1274 = arith.index_cast %parallel_loop3A_357 : i32 to index
        %parallel_loop3A_1275 = arith.constant 0 : index
        %parallel_loop3A_1276 = tpu.vector_load %arg10[%parallel_loop3A_1273, %parallel_loop3A_1274, %parallel_loop3A_1275] {strides = array<i32>} : memref<8x8x768xf32, #tpu.memory_space<vmem>>, vector<16xf32>,
        tpu.vector_store %arg10[%parallel_loop3A_1273, %parallel_loop3A_1274, %parallel_loop3A_1275], %parallel_loop3A_1272 {strides = array<i32>} : memref<8x8x768xf32, #tpu.memory_space<vmem>>, vector<16xf32>,
        %parallel_loop3A_1277 = arith.index_cast %rem3A_335 : i32 to index
        %parallel_loop3A_1278 = arith.index_cast %parallel_loop3A_357 : i32 to index
        %parallel_loop3A_1279 = arith.constant 16 : index
        %parallel_loop3A_1280 = tpu.vector_load %arg10[%parallel_loop3A_1277, %parallel_loop3A_1278, %parallel_loop3A_1279] {strides = array<i32>} : memref<8x8x768xf32, #tpu.memory_space<vmem>>, vector<16xf32>,
        %parallel_loop3A_1281 = arith.mulf %parallel_loop3A_1280, %parallel_loop3A_1267 : vector<16xf32>
        %parallel_loop3A_1282 = arith.index_cast %rem3A_335 : i32 to index
        %parallel_loop3A_1283 = arith.index_cast %parallel_loop3A_357 : i32 to index
        %parallel_loop3A_1284 = arith.constant 16 : index
        %parallel_loop3A_1285 = tpu.vector_load %arg10[%parallel_loop3A_1282, %parallel_loop3A_1283, %parallel_loop3A_1284] {strides = array<i32>} : memref<8x8x768xf32, #tpu.memory_space<vmem>>, vector<16xf32>,
        tpu.vector_store %arg10[%parallel_loop3A_1282, %parallel_loop3A_1283, %parallel_loop3A_1284], %parallel_loop3A_1281 {strides = array<i32>} : memref<8x8x768xf32, #tpu.memory_space<vmem>>, vector<16xf32>,
        %parallel_loop3A_1286 = arith.index_cast %rem3A_335 : i32 to index
        %parallel_loop3A_1287 = arith.index_cast %parallel_loop3A_357 : i32 to index
        %parallel_loop3A_1288 = arith.constant 32 : index
        %parallel_loop3A_1289 = tpu.vector_load %arg10[%parallel_loop3A_1286, %parallel_loop3A_1287, %parallel_loop3A_1288] {strides = array<i32>} : memref<8x8x768xf32, #tpu.memory_space<vmem>>, vector<16xf32>,
        %parallel_loop3A_1290 = arith.mulf %parallel_loop3A_1289, %parallel_loop3A_1267 : vector<16xf32>
        %parallel_loop3A_1291 = arith.index_cast %rem3A_335 : i32 to index
        %parallel_loop3A_1292 = arith.index_cast %parallel_loop3A_357 : i32 to index
        %parallel_loop3A_1293 = arith.constant 32 : index
        %parallel_loop3A_1294 = tpu.vector_load %arg10[%parallel_loop3A_1291, %parallel_loop3A_1292, %parallel_loop3A_1293] {strides = array<i32>} : memref<8x8x768xf32, #tpu.memory_space<vmem>>, vector<16xf32>,
        tpu.vector_store %arg10[%parallel_loop3A_1291, %parallel_loop3A_1292, %parallel_loop3A_1293], %parallel_loop3A_1290 {strides = array<i32>} : memref<8x8x768xf32, #tpu.memory_space<vmem>>, vector<16xf32>,
        %parallel_loop3A_1295 = arith.index_cast %rem3A_335 : i32 to index
        %parallel_loop3A_1296 = arith.index_cast %parallel_loop3A_357 : i32 to index
        %parallel_loop3A_1297 = arith.constant 48 : index
        %parallel_loop3A_1298 = tpu.vector_load %arg10[%parallel_loop3A_1295, %parallel_loop3A_1296, %parallel_loop3A_1297] {strides = array<i32>} : memref<8x8x768xf32, #tpu.memory_space<vmem>>, vector<16xf32>,
        %parallel_loop3A_1299 = arith.mulf %parallel_loop3A_1298, %parallel_loop3A_1267 : vector<16xf32>
        %parallel_loop3A_1300 = arith.index_cast %rem3A_335 : i32 to index
        %parallel_loop3A_1301 = arith.index_cast %parallel_loop3A_357 : i32 to index
        %parallel_loop3A_1302 = arith.constant 48 : index
        %parallel_loop3A_1303 = tpu.vector_load %arg10[%parallel_loop3A_1300, %parallel_loop3A_1301, %parallel_loop3A_1302] {strides = array<i32>} : memref<8x8x768xf32, #tpu.memory_space<vmem>>, vector<16xf32>,
        tpu.vector_store %arg10[%parallel_loop3A_1300, %parallel_loop3A_1301, %parallel_loop3A_1302], %parallel_loop3A_1299 {strides = array<i32>} : memref<8x8x768xf32, #tpu.memory_space<vmem>>, vector<16xf32>,
        %parallel_loop3A_1304 = arith.index_cast %rem3A_335 : i32 to index
        %parallel_loop3A_1305 = arith.index_cast %parallel_loop3A_357 : i32 to index
        %parallel_loop3A_1306 = arith.constant 64 : index
        %parallel_loop3A_1307 = tpu.vector_load %arg10[%parallel_loop3A_1304, %parallel_loop3A_1305, %parallel_loop3A_1306] {strides = array<i32>} : memref<8x8x768xf32, #tpu.memory_space<vmem>>, vector<16xf32>,
        %parallel_loop3A_1308 = arith.mulf %parallel_loop3A_1307, %parallel_loop3A_1267 : vector<16xf32>
        %parallel_loop3A_1309 = arith.index_cast %rem3A_335 : i32 to index
        %parallel_loop3A_1310 = arith.index_cast %parallel_loop3A_357 : i32 to index
        %parallel_loop3A_1311 = arith.constant 64 : index
        %parallel_loop3A_1312 = tpu.vector_load %arg10[%parallel_loop3A_1309, %parallel_loop3A_1310, %parallel_loop3A_1311] {strides = array<i32>} : memref<8x8x768xf32, #tpu.memory_space<vmem>>, vector<16xf32>,
        tpu.vector_store %arg10[%parallel_loop3A_1309, %parallel_loop3A_1310, %parallel_loop3A_1311], %parallel_loop3A_1308 {strides = array<i32>} : memref<8x8x768xf32, #tpu.memory_space<vmem>>, vector<16xf32>,
        %parallel_loop3A_1313 = arith.index_cast %rem3A_335 : i32 to index
        %parallel_loop3A_1314 = arith.index_cast %parallel_loop3A_357 : i32 to index
        %parallel_loop3A_1315 = arith.constant 80 : index
        %parallel_loop3A_1316 = tpu.vector_load %arg10[%parallel_loop3A_1313, %parallel_loop3A_1314, %parallel_loop3A_1315] {strides = array<i32>} : memref<8x8x768xf32, #tpu.memory_space<vmem>>, vector<16xf32>,
        %parallel_loop3A_1317 = arith.mulf %parallel_loop3A_1316, %parallel_loop3A_1267 : vector<16xf32>
        %parallel_loop3A_1318 = arith.index_cast %rem3A_335 : i32 to index
        %parallel_loop3A_1319 = arith.index_cast %parallel_loop3A_357 : i32 to index
        %parallel_loop3A_1320 = arith.constant 80 : index
        %parallel_loop3A_1321 = tpu.vector_load %arg10[%parallel_loop3A_1318, %parallel_loop3A_1319, %parallel_loop3A_1320] {strides = array<i32>} : memref<8x8x768xf32, #tpu.memory_space<vmem>>, vector<16xf32>,
        tpu.vector_store %arg10[%parallel_loop3A_1318, %parallel_loop3A_1319, %parallel_loop3A_1320], %parallel_loop3A_1317 {strides = array<i32>} : memref<8x8x768xf32, #tpu.memory_space<vmem>>, vector<16xf32>,
        %parallel_loop3A_1322 = arith.index_cast %rem3A_335 : i32 to index
        %parallel_loop3A_1323 = arith.index_cast %parallel_loop3A_357 : i32 to index
        %parallel_loop3A_1324 = arith.constant 96 : index
        %parallel_loop3A_1325 = tpu.vector_load %arg10[%parallel_loop3A_1322, %parallel_loop3A_1323, %parallel_loop3A_1324] {strides = array<i32>} : memref<8x8x768xf32, #tpu.memory_space<vmem>>, vector<16xf32>,
        %parallel_loop3A_1326 = arith.mulf %parallel_loop3A_1325, %parallel_loop3A_1267 : vector<16xf32>
        %parallel_loop3A_1327 = arith.index_cast %rem3A_335 : i32 to index
        %parallel_loop3A_1328 = arith.index_cast %parallel_loop3A_357 : i32 to index
        %parallel_loop3A_1329 = arith.constant 96 : index
        %parallel_loop3A_1330 = tpu.vector_load %arg10[%parallel_loop3A_1327, %parallel_loop3A_1328, %parallel_loop3A_1329] {strides = array<i32>} : memref<8x8x768xf32, #tpu.memory_space<vmem>>, vector<16xf32>,
        tpu.vector_store %arg10[%parallel_loop3A_1327, %parallel_loop3A_1328, %parallel_loop3A_1329], %parallel_loop3A_1326 {strides = array<i32>} : memref<8x8x768xf32, #tpu.memory_space<vmem>>, vector<16xf32>,
        %parallel_loop3A_1331 = arith.index_cast %rem3A_335 : i32 to index
        %parallel_loop3A_1332 = arith.index_cast %parallel_loop3A_357 : i32 to index
        %parallel_loop3A_1333 = arith.constant 112 : index
        %parallel_loop3A_1334 = tpu.vector_load %arg10[%parallel_loop3A_1331, %parallel_loop3A_1332, %parallel_loop3A_1333] {strides = array<i32>} : memref<8x8x768xf32, #tpu.memory_space<vmem>>, vector<16xf32>,
        %parallel_loop3A_1335 = arith.mulf %parallel_loop3A_1334, %parallel_loop3A_1267 : vector<16xf32>
        %parallel_loop3A_1336 = arith.index_cast %rem3A_335 : i32 to index
        %parallel_loop3A_1337 = arith.index_cast %parallel_loop3A_357 : i32 to index
        %parallel_loop3A_1338 = arith.constant 112 : index
        %parallel_loop3A_1339 = tpu.vector_load %arg10[%parallel_loop3A_1336, %parallel_loop3A_1337, %parallel_loop3A_1338] {strides = array<i32>} : memref<8x8x768xf32, #tpu.memory_space<vmem>>, vector<16xf32>,
        tpu.vector_store %arg10[%parallel_loop3A_1336, %parallel_loop3A_1337, %parallel_loop3A_1338], %parallel_loop3A_1335 {strides = array<i32>} : memref<8x8x768xf32, #tpu.memory_space<vmem>>, vector<16xf32>,
        %parallel_loop3A_1340 = arith.index_cast %rem3A_335 : i32 to index
        %parallel_loop3A_1341 = arith.index_cast %parallel_loop3A_357 : i32 to index
        %parallel_loop3A_1342 = arith.constant 128 : index
        %parallel_loop3A_1343 = tpu.vector_load %arg10[%parallel_loop3A_1340, %parallel_loop3A_1341, %parallel_loop3A_1342] {strides = array<i32>} : memref<8x8x768xf32, #tpu.memory_space<vmem>>, vector<16xf32>,
        %parallel_loop3A_1344 = arith.mulf %parallel_loop3A_1343, %parallel_loop3A_1267 : vector<16xf32>
        %parallel_loop3A_1345 = arith.index_cast %rem3A_335 : i32 to index
        %parallel_loop3A_1346 = arith.index_cast %parallel_loop3A_357 : i32 to index
        %parallel_loop3A_1347 = arith.constant 128 : index
        %parallel_loop3A_1348 = tpu.vector_load %arg10[%parallel_loop3A_1345, %parallel_loop3A_1346, %parallel_loop3A_1347] {strides = array<i32>} : memref<8x8x768xf32, #tpu.memory_space<vmem>>, vector<16xf32>,
        tpu.vector_store %arg10[%parallel_loop3A_1345, %parallel_loop3A_1346, %parallel_loop3A_1347], %parallel_loop3A_1344 {strides = array<i32>} : memref<8x8x768xf32, #tpu.memory_space<vmem>>, vector<16xf32>,
        %parallel_loop3A_1349 = arith.index_cast %rem3A_335 : i32 to index
        %parallel_loop3A_1350 = arith.index_cast %parallel_loop3A_357 : i32 to index
        %parallel_loop3A_1351 = arith.constant 144 : index
        %parallel_loop3A_1352 = tpu.vector_load %arg10[%parallel_loop3A_1349, %parallel_loop3A_1350, %parallel_loop3A_1351] {strides = array<i32>} : memref<8x8x768xf32, #tpu.memory_space<vmem>>, vector<16xf32>,
        %parallel_loop3A_1353 = arith.mulf %parallel_loop3A_1352, %parallel_loop3A_1267 : vector<16xf32>
        %parallel_loop3A_1354 = arith.index_cast %rem3A_335 : i32 to index
        %parallel_loop3A_1355 = arith.index_cast %parallel_loop3A_357 : i32 to index
        %parallel_loop3A_1356 = arith.constant 144 : index
        %parallel_loop3A_1357 = tpu.vector_load %arg10[%parallel_loop3A_1354, %parallel_loop3A_1355, %parallel_loop3A_1356] {strides = array<i32>} : memref<8x8x768xf32, #tpu.memory_space<vmem>>, vector<16xf32>,
        tpu.vector_store %arg10[%parallel_loop3A_1354, %parallel_loop3A_1355, %parallel_loop3A_1356], %parallel_loop3A_1353 {strides = array<i32>} : memref<8x8x768xf32, #tpu.memory_space<vmem>>, vector<16xf32>,
        %parallel_loop3A_1358 = arith.index_cast %rem3A_335 : i32 to index
        %parallel_loop3A_1359 = arith.index_cast %parallel_loop3A_357 : i32 to index
        %parallel_loop3A_1360 = arith.constant 160 : index
        %parallel_loop3A_1361 = tpu.vector_load %arg10[%parallel_loop3A_1358, %parallel_loop3A_1359, %parallel_loop3A_1360] {strides = array<i32>} : memref<8x8x768xf32, #tpu.memory_space<vmem>>, vector<16xf32>,
        %parallel_loop3A_1362 = arith.mulf %parallel_loop3A_1361, %parallel_loop3A_1267 : vector<16xf32>
        %parallel_loop3A_1363 = arith.index_cast %rem3A_335 : i32 to index
        %parallel_loop3A_1364 = arith.index_cast %parallel_loop3A_357 : i32 to index
        %parallel_loop3A_1365 = arith.constant 160 : index
        %parallel_loop3A_1366 = tpu.vector_load %arg10[%parallel_loop3A_1363, %parallel_loop3A_1364, %parallel_loop3A_1365] {strides = array<i32>} : memref<8x8x768xf32, #tpu.memory_space<vmem>>, vector<16xf32>,
        tpu.vector_store %arg10[%parallel_loop3A_1363, %parallel_loop3A_1364, %parallel_loop3A_1365], %parallel_loop3A_1362 {strides = array<i32>} : memref<8x8x768xf32, #tpu.memory_space<vmem>>, vector<16xf32>,
        %parallel_loop3A_1367 = arith.index_cast %rem3A_335 : i32 to index
        %parallel_loop3A_1368 = arith.index_cast %parallel_loop3A_357 : i32 to index
        %parallel_loop3A_1369 = arith.constant 176 : index
        %parallel_loop3A_1370 = tpu.vector_load %arg10[%parallel_loop3A_1367, %parallel_loop3A_1368, %parallel_loop3A_1369] {strides = array<i32>} : memref<8x8x768xf32, #tpu.memory_space<vmem>>, vector<16xf32>,
        %parallel_loop3A_1371 = arith.mulf %parallel_loop3A_1370, %parallel_loop3A_1267 : vector<16xf32>
        %parallel_loop3A_1372 = arith.index_cast %rem3A_335 : i32 to index
        %parallel_loop3A_1373 = arith.index_cast %parallel_loop3A_357 : i32 to index
        %parallel_loop3A_1374 = arith.constant 176 : index
        %parallel_loop3A_1375 = tpu.vector_load %arg10[%parallel_loop3A_1372, %parallel_loop3A_1373, %parallel_loop3A_1374] {strides = array<i32>} : memref<8x8x768xf32, #tpu.memory_space<vmem>>, vector<16xf32>,
        tpu.vector_store %arg10[%parallel_loop3A_1372, %parallel_loop3A_1373, %parallel_loop3A_1374], %parallel_loop3A_1371 {strides = array<i32>} : memref<8x8x768xf32, #tpu.memory_space<vmem>>, vector<16xf32>,
        %parallel_loop3A_1376 = arith.index_cast %rem3A_335 : i32 to index
        %parallel_loop3A_1377 = arith.index_cast %parallel_loop3A_357 : i32 to index
        %parallel_loop3A_1378 = arith.constant 192 : index
        %parallel_loop3A_1379 = tpu.vector_load %arg10[%parallel_loop3A_1376, %parallel_loop3A_1377, %parallel_loop3A_1378] {strides = array<i32>} : memref<8x8x768xf32, #tpu.memory_space<vmem>>, vector<16xf32>,
        %parallel_loop3A_1380 = arith.mulf %parallel_loop3A_1379, %parallel_loop3A_1267 : vector<16xf32>
        %parallel_loop3A_1381 = arith.index_cast %rem3A_335 : i32 to index
        %parallel_loop3A_1382 = arith.index_cast %parallel_loop3A_357 : i32 to index
        %parallel_loop3A_1383 = arith.constant 192 : index
        %parallel_loop3A_1384 = tpu.vector_load %arg10[%parallel_loop3A_1381, %parallel_loop3A_1382, %parallel_loop3A_1383] {strides = array<i32>} : memref<8x8x768xf32, #tpu.memory_space<vmem>>, vector<16xf32>,
        tpu.vector_store %arg10[%parallel_loop3A_1381, %parallel_loop3A_1382, %parallel_loop3A_1383], %parallel_loop3A_1380 {strides = array<i32>} : memref<8x8x768xf32, #tpu.memory_space<vmem>>, vector<16xf32>,
        %parallel_loop3A_1385 = arith.index_cast %rem3A_335 : i32 to index
        %parallel_loop3A_1386 = arith.index_cast %parallel_loop3A_357 : i32 to index
        %parallel_loop3A_1387 = arith.constant 208 : index
        %parallel_loop3A_1388 = tpu.vector_load %arg10[%parallel_loop3A_1385, %parallel_loop3A_1386, %parallel_loop3A_1387] {strides = array<i32>} : memref<8x8x768xf32, #tpu.memory_space<vmem>>, vector<16xf32>,
        %parallel_loop3A_1389 = arith.mulf %parallel_loop3A_1388, %parallel_loop3A_1267 : vector<16xf32>
        %parallel_loop3A_1390 = arith.index_cast %rem3A_335 : i32 to index
        %parallel_loop3A_1391 = arith.index_cast %parallel_loop3A_357 : i32 to index
        %parallel_loop3A_1392 = arith.constant 208 : index
        %parallel_loop3A_1393 = tpu.vector_load %arg10[%parallel_loop3A_1390, %parallel_loop3A_1391, %parallel_loop3A_1392] {strides = array<i32>} : memref<8x8x768xf32, #tpu.memory_space<vmem>>, vector<16xf32>,
        tpu.vector_store %arg10[%parallel_loop3A_1390, %parallel_loop3A_1391, %parallel_loop3A_1392], %parallel_loop3A_1389 {strides = array<i32>} : memref<8x8x768xf32, #tpu.memory_space<vmem>>, vector<16xf32>,
        %parallel_loop3A_1394 = arith.index_cast %rem3A_335 : i32 to index
        %parallel_loop3A_1395 = arith.index_cast %parallel_loop3A_357 : i32 to index
        %parallel_loop3A_1396 = arith.constant 224 : index
        %parallel_loop3A_1397 = tpu.vector_load %arg10[%parallel_loop3A_1394, %parallel_loop3A_1395, %parallel_loop3A_1396] {strides = array<i32>} : memref<8x8x768xf32, #tpu.memory_space<vmem>>, vector<16xf32>,
        %parallel_loop3A_1398 = arith.mulf %parallel_loop3A_1397, %parallel_loop3A_1267 : vector<16xf32>
        %parallel_loop3A_1399 = arith.index_cast %rem3A_335 : i32 to index
        %parallel_loop3A_1400 = arith.index_cast %parallel_loop3A_357 : i32 to index
        %parallel_loop3A_1401 = arith.constant 224 : index
        %parallel_loop3A_1402 = tpu.vector_load %arg10[%parallel_loop3A_1399, %parallel_loop3A_1400, %parallel_loop3A_1401] {strides = array<i32>} : memref<8x8x768xf32, #tpu.memory_space<vmem>>, vector<16xf32>,
        tpu.vector_store %arg10[%parallel_loop3A_1399, %parallel_loop3A_1400, %parallel_loop3A_1401], %parallel_loop3A_1398 {strides = array<i32>} : memref<8x8x768xf32, #tpu.memory_space<vmem>>, vector<16xf32>,
        %parallel_loop3A_1403 = arith.index_cast %rem3A_335 : i32 to index
        %parallel_loop3A_1404 = arith.index_cast %parallel_loop3A_357 : i32 to index
        %parallel_loop3A_1405 = arith.constant 240 : index
        %parallel_loop3A_1406 = tpu.vector_load %arg10[%parallel_loop3A_1403, %parallel_loop3A_1404, %parallel_loop3A_1405] {strides = array<i32>} : memref<8x8x768xf32, #tpu.memory_space<vmem>>, vector<16xf32>,
        %parallel_loop3A_1407 = arith.mulf %parallel_loop3A_1406, %parallel_loop3A_1267 : vector<16xf32>
        %parallel_loop3A_1408 = arith.index_cast %rem3A_335 : i32 to index
        %parallel_loop3A_1409 = arith.index_cast %parallel_loop3A_357 : i32 to index
        %parallel_loop3A_1410 = arith.constant 240 : index
        %parallel_loop3A_1411 = tpu.vector_load %arg10[%parallel_loop3A_1408, %parallel_loop3A_1409, %parallel_loop3A_1410] {strides = array<i32>} : memref<8x8x768xf32, #tpu.memory_space<vmem>>, vector<16xf32>,
        tpu.vector_store %arg10[%parallel_loop3A_1408, %parallel_loop3A_1409, %parallel_loop3A_1410], %parallel_loop3A_1407 {strides = array<i32>} : memref<8x8x768xf32, #tpu.memory_space<vmem>>, vector<16xf32>,
        %parallel_loop3A_1412 = arith.index_cast %rem3A_335 : i32 to index
        %parallel_loop3A_1413 = arith.index_cast %parallel_loop3A_357 : i32 to index
        %parallel_loop3A_1414 = arith.constant 256 : index
        %parallel_loop3A_1415 = tpu.vector_load %arg10[%parallel_loop3A_1412, %parallel_loop3A_1413, %parallel_loop3A_1414] {strides = array<i32>} : memref<8x8x768xf32, #tpu.memory_space<vmem>>, vector<16xf32>,
        %parallel_loop3A_1416 = arith.mulf %parallel_loop3A_1415, %parallel_loop3A_1267 : vector<16xf32>
        %parallel_loop3A_1417 = arith.index_cast %rem3A_335 : i32 to index
        %parallel_loop3A_1418 = arith.index_cast %parallel_loop3A_357 : i32 to index
        %parallel_loop3A_1419 = arith.constant 256 : index
        %parallel_loop3A_1420 = tpu.vector_load %arg10[%parallel_loop3A_1417, %parallel_loop3A_1418, %parallel_loop3A_1419] {strides = array<i32>} : memref<8x8x768xf32, #tpu.memory_space<vmem>>, vector<16xf32>,
        tpu.vector_store %arg10[%parallel_loop3A_1417, %parallel_loop3A_1418, %parallel_loop3A_1419], %parallel_loop3A_1416 {strides = array<i32>} : memref<8x8x768xf32, #tpu.memory_space<vmem>>, vector<16xf32>,
        %parallel_loop3A_1421 = arith.index_cast %rem3A_335 : i32 to index
        %parallel_loop3A_1422 = arith.index_cast %parallel_loop3A_357 : i32 to index
        %parallel_loop3A_1423 = arith.constant 272 : index
        %parallel_loop3A_1424 = tpu.vector_load %arg10[%parallel_loop3A_1421, %parallel_loop3A_1422, %parallel_loop3A_1423] {strides = array<i32>} : memref<8x8x768xf32, #tpu.memory_space<vmem>>, vector<16xf32>,
        %parallel_loop3A_1425 = arith.mulf %parallel_loop3A_1424, %parallel_loop3A_1267 : vector<16xf32>
        %parallel_loop3A_1426 = arith.index_cast %rem3A_335 : i32 to index
        %parallel_loop3A_1427 = arith.index_cast %parallel_loop3A_357 : i32 to index
        %parallel_loop3A_1428 = arith.constant 272 : index
        %parallel_loop3A_1429 = tpu.vector_load %arg10[%parallel_loop3A_1426, %parallel_loop3A_1427, %parallel_loop3A_1428] {strides = array<i32>} : memref<8x8x768xf32, #tpu.memory_space<vmem>>, vector<16xf32>,
        tpu.vector_store %arg10[%parallel_loop3A_1426, %parallel_loop3A_1427, %parallel_loop3A_1428], %parallel_loop3A_1425 {strides = array<i32>} : memref<8x8x768xf32, #tpu.memory_space<vmem>>, vector<16xf32>,
        %parallel_loop3A_1430 = arith.index_cast %rem3A_335 : i32 to index
        %parallel_loop3A_1431 = arith.index_cast %parallel_loop3A_357 : i32 to index
        %parallel_loop3A_1432 = arith.constant 288 : index
        %parallel_loop3A_1433 = tpu.vector_load %arg10[%parallel_loop3A_1430, %parallel_loop3A_1431, %parallel_loop3A_1432] {strides = array<i32>} : memref<8x8x768xf32, #tpu.memory_space<vmem>>, vector<16xf32>,
        %parallel_loop3A_1434 = arith.mulf %parallel_loop3A_1433, %parallel_loop3A_1267 : vector<16xf32>
        %parallel_loop3A_1435 = arith.index_cast %rem3A_335 : i32 to index
        %parallel_loop3A_1436 = arith.index_cast %parallel_loop3A_357 : i32 to index
        %parallel_loop3A_1437 = arith.constant 288 : index
        %parallel_loop3A_1438 = tpu.vector_load %arg10[%parallel_loop3A_1435, %parallel_loop3A_1436, %parallel_loop3A_1437] {strides = array<i32>} : memref<8x8x768xf32, #tpu.memory_space<vmem>>, vector<16xf32>,
        tpu.vector_store %arg10[%parallel_loop3A_1435, %parallel_loop3A_1436, %parallel_loop3A_1437], %parallel_loop3A_1434 {strides = array<i32>} : memref<8x8x768xf32, #tpu.memory_space<vmem>>, vector<16xf32>,
        %parallel_loop3A_1439 = arith.index_cast %rem3A_335 : i32 to index
        %parallel_loop3A_1440 = arith.index_cast %parallel_loop3A_357 : i32 to index
        %parallel_loop3A_1441 = arith.constant 304 : index
        %parallel_loop3A_1442 = tpu.vector_load %arg10[%parallel_loop3A_1439, %parallel_loop3A_1440, %parallel_loop3A_1441] {strides = array<i32>} : memref<8x8x768xf32, #tpu.memory_space<vmem>>, vector<16xf32>,
        %parallel_loop3A_1443 = arith.mulf %parallel_loop3A_1442, %parallel_loop3A_1267 : vector<16xf32>
        %parallel_loop3A_1444 = arith.index_cast %rem3A_335 : i32 to index
        %parallel_loop3A_1445 = arith.index_cast %parallel_loop3A_357 : i32 to index
        %parallel_loop3A_1446 = arith.constant 304 : index
        %parallel_loop3A_1447 = tpu.vector_load %arg10[%parallel_loop3A_1444, %parallel_loop3A_1445, %parallel_loop3A_1446] {strides = array<i32>} : memref<8x8x768xf32, #tpu.memory_space<vmem>>, vector<16xf32>,
        tpu.vector_store %arg10[%parallel_loop3A_1444, %parallel_loop3A_1445, %parallel_loop3A_1446], %parallel_loop3A_1443 {strides = array<i32>} : memref<8x8x768xf32, #tpu.memory_space<vmem>>, vector<16xf32>,
        %parallel_loop3A_1448 = arith.index_cast %rem3A_335 : i32 to index
        %parallel_loop3A_1449 = arith.index_cast %parallel_loop3A_357 : i32 to index
        %parallel_loop3A_1450 = arith.constant 320 : index
        %parallel_loop3A_1451 = tpu.vector_load %arg10[%parallel_loop3A_1448, %parallel_loop3A_1449, %parallel_loop3A_1450] {strides = array<i32>} : memref<8x8x768xf32, #tpu.memory_space<vmem>>, vector<16xf32>,
        %parallel_loop3A_1452 = arith.mulf %parallel_loop3A_1451, %parallel_loop3A_1267 : vector<16xf32>
        %parallel_loop3A_1453 = arith.index_cast %rem3A_335 : i32 to index
        %parallel_loop3A_1454 = arith.index_cast %parallel_loop3A_357 : i32 to index
        %parallel_loop3A_1455 = arith.constant 320 : index
        %parallel_loop3A_1456 = tpu.vector_load %arg10[%parallel_loop3A_1453, %parallel_loop3A_1454, %parallel_loop3A_1455] {strides = array<i32>} : memref<8x8x768xf32, #tpu.memory_space<vmem>>, vector<16xf32>,
        tpu.vector_store %arg10[%parallel_loop3A_1453, %parallel_loop3A_1454, %parallel_loop3A_1455], %parallel_loop3A_1452 {strides = array<i32>} : memref<8x8x768xf32, #tpu.memory_space<vmem>>, vector<16xf32>,
        %parallel_loop3A_1457 = arith.index_cast %rem3A_335 : i32 to index
        %parallel_loop3A_1458 = arith.index_cast %parallel_loop3A_357 : i32 to index
        %parallel_loop3A_1459 = arith.constant 336 : index
        %parallel_loop3A_1460 = tpu.vector_load %arg10[%parallel_loop3A_1457, %parallel_loop3A_1458, %parallel_loop3A_1459] {strides = array<i32>} : memref<8x8x768xf32, #tpu.memory_space<vmem>>, vector<16xf32>,
        %parallel_loop3A_1461 = arith.mulf %parallel_loop3A_1460, %parallel_loop3A_1267 : vector<16xf32>
        %parallel_loop3A_1462 = arith.index_cast %rem3A_335 : i32 to index
        %parallel_loop3A_1463 = arith.index_cast %parallel_loop3A_357 : i32 to index
        %parallel_loop3A_1464 = arith.constant 336 : index
        %parallel_loop3A_1465 = tpu.vector_load %arg10[%parallel_loop3A_1462, %parallel_loop3A_1463, %parallel_loop3A_1464] {strides = array<i32>} : memref<8x8x768xf32, #tpu.memory_space<vmem>>, vector<16xf32>,
        tpu.vector_store %arg10[%parallel_loop3A_1462, %parallel_loop3A_1463, %parallel_loop3A_1464], %parallel_loop3A_1461 {strides = array<i32>} : memref<8x8x768xf32, #tpu.memory_space<vmem>>, vector<16xf32>,
        %parallel_loop3A_1466 = arith.index_cast %rem3A_335 : i32 to index
        %parallel_loop3A_1467 = arith.index_cast %parallel_loop3A_357 : i32 to index
        %parallel_loop3A_1468 = arith.constant 352 : index
        %parallel_loop3A_1469 = tpu.vector_load %arg10[%parallel_loop3A_1466, %parallel_loop3A_1467, %parallel_loop3A_1468] {strides = array<i32>} : memref<8x8x768xf32, #tpu.memory_space<vmem>>, vector<16xf32>,
        %parallel_loop3A_1470 = arith.mulf %parallel_loop3A_1469, %parallel_loop3A_1267 : vector<16xf32>
        %parallel_loop3A_1471 = arith.index_cast %rem3A_335 : i32 to index
        %parallel_loop3A_1472 = arith.index_cast %parallel_loop3A_357 : i32 to index
        %parallel_loop3A_1473 = arith.constant 352 : index
        %parallel_loop3A_1474 = tpu.vector_load %arg10[%parallel_loop3A_1471, %parallel_loop3A_1472, %parallel_loop3A_1473] {strides = array<i32>} : memref<8x8x768xf32, #tpu.memory_space<vmem>>, vector<16xf32>,
        tpu.vector_store %arg10[%parallel_loop3A_1471, %parallel_loop3A_1472, %parallel_loop3A_1473], %parallel_loop3A_1470 {strides = array<i32>} : memref<8x8x768xf32, #tpu.memory_space<vmem>>, vector<16xf32>,
        %parallel_loop3A_1475 = arith.index_cast %rem3A_335 : i32 to index
        %parallel_loop3A_1476 = arith.index_cast %parallel_loop3A_357 : i32 to index
        %parallel_loop3A_1477 = arith.constant 368 : index
        %parallel_loop3A_1478 = tpu.vector_load %arg10[%parallel_loop3A_1475, %parallel_loop3A_1476, %parallel_loop3A_1477] {strides = array<i32>} : memref<8x8x768xf32, #tpu.memory_space<vmem>>, vector<16xf32>,
        %parallel_loop3A_1479 = arith.mulf %parallel_loop3A_1478, %parallel_loop3A_1267 : vector<16xf32>
        %parallel_loop3A_1480 = arith.index_cast %rem3A_335 : i32 to index
        %parallel_loop3A_1481 = arith.index_cast %parallel_loop3A_357 : i32 to index
        %parallel_loop3A_1482 = arith.constant 368 : index
        %parallel_loop3A_1483 = tpu.vector_load %arg10[%parallel_loop3A_1480, %parallel_loop3A_1481, %parallel_loop3A_1482] {strides = array<i32>} : memref<8x8x768xf32, #tpu.memory_space<vmem>>, vector<16xf32>,
        tpu.vector_store %arg10[%parallel_loop3A_1480, %parallel_loop3A_1481, %parallel_loop3A_1482], %parallel_loop3A_1479 {strides = array<i32>} : memref<8x8x768xf32, #tpu.memory_space<vmem>>, vector<16xf32>,
        %parallel_loop3A_1484 = arith.index_cast %rem3A_335 : i32 to index
        %parallel_loop3A_1485 = arith.index_cast %parallel_loop3A_357 : i32 to index
        %parallel_loop3A_1486 = arith.constant 384 : index
        %parallel_loop3A_1487 = tpu.vector_load %arg10[%parallel_loop3A_1484, %parallel_loop3A_1485, %parallel_loop3A_1486] {strides = array<i32>} : memref<8x8x768xf32, #tpu.memory_space<vmem>>, vector<16xf32>,
        %parallel_loop3A_1488 = arith.mulf %parallel_loop3A_1487, %parallel_loop3A_1267 : vector<16xf32>
        %parallel_loop3A_1489 = arith.index_cast %rem3A_335 : i32 to index
        %parallel_loop3A_1490 = arith.index_cast %parallel_loop3A_357 : i32 to index
        %parallel_loop3A_1491 = arith.constant 384 : index
        %parallel_loop3A_1492 = tpu.vector_load %arg10[%parallel_loop3A_1489, %parallel_loop3A_1490, %parallel_loop3A_1491] {strides = array<i32>} : memref<8x8x768xf32, #tpu.memory_space<vmem>>, vector<16xf32>,
        tpu.vector_store %arg10[%parallel_loop3A_1489, %parallel_loop3A_1490, %parallel_loop3A_1491], %parallel_loop3A_1488 {strides = array<i32>} : memref<8x8x768xf32, #tpu.memory_space<vmem>>, vector<16xf32>,
        %parallel_loop3A_1493 = arith.index_cast %rem3A_335 : i32 to index
        %parallel_loop3A_1494 = arith.index_cast %parallel_loop3A_357 : i32 to index
        %parallel_loop3A_1495 = arith.constant 400 : index
        %parallel_loop3A_1496 = tpu.vector_load %arg10[%parallel_loop3A_1493, %parallel_loop3A_1494, %parallel_loop3A_1495] {strides = array<i32>} : memref<8x8x768xf32, #tpu.memory_space<vmem>>, vector<16xf32>,
        %parallel_loop3A_1497 = arith.mulf %parallel_loop3A_1496, %parallel_loop3A_1267 : vector<16xf32>
        %parallel_loop3A_1498 = arith.index_cast %rem3A_335 : i32 to index
        %parallel_loop3A_1499 = arith.index_cast %parallel_loop3A_357 : i32 to index
        %parallel_loop3A_1500 = arith.constant 400 : index
        %parallel_loop3A_1501 = tpu.vector_load %arg10[%parallel_loop3A_1498, %parallel_loop3A_1499, %parallel_loop3A_1500] {strides = array<i32>} : memref<8x8x768xf32, #tpu.memory_space<vmem>>, vector<16xf32>,
        tpu.vector_store %arg10[%parallel_loop3A_1498, %parallel_loop3A_1499, %parallel_loop3A_1500], %parallel_loop3A_1497 {strides = array<i32>} : memref<8x8x768xf32, #tpu.memory_space<vmem>>, vector<16xf32>,
        %parallel_loop3A_1502 = arith.index_cast %rem3A_335 : i32 to index
        %parallel_loop3A_1503 = arith.index_cast %parallel_loop3A_357 : i32 to index
        %parallel_loop3A_1504 = arith.constant 416 : index
        %parallel_loop3A_1505 = tpu.vector_load %arg10[%parallel_loop3A_1502, %parallel_loop3A_1503, %parallel_loop3A_1504] {strides = array<i32>} : memref<8x8x768xf32, #tpu.memory_space<vmem>>, vector<16xf32>,
        %parallel_loop3A_1506 = arith.mulf %parallel_loop3A_1505, %parallel_loop3A_1267 : vector<16xf32>
        %parallel_loop3A_1507 = arith.index_cast %rem3A_335 : i32 to index
        %parallel_loop3A_1508 = arith.index_cast %parallel_loop3A_357 : i32 to index
        %parallel_loop3A_1509 = arith.constant 416 : index
        %parallel_loop3A_1510 = tpu.vector_load %arg10[%parallel_loop3A_1507, %parallel_loop3A_1508, %parallel_loop3A_1509] {strides = array<i32>} : memref<8x8x768xf32, #tpu.memory_space<vmem>>, vector<16xf32>,
        tpu.vector_store %arg10[%parallel_loop3A_1507, %parallel_loop3A_1508, %parallel_loop3A_1509], %parallel_loop3A_1506 {strides = array<i32>} : memref<8x8x768xf32, #tpu.memory_space<vmem>>, vector<16xf32>,
        %parallel_loop3A_1511 = arith.index_cast %rem3A_335 : i32 to index
        %parallel_loop3A_1512 = arith.index_cast %parallel_loop3A_357 : i32 to index
        %parallel_loop3A_1513 = arith.constant 432 : index
        %parallel_loop3A_1514 = tpu.vector_load %arg10[%parallel_loop3A_1511, %parallel_loop3A_1512, %parallel_loop3A_1513] {strides = array<i32>} : memref<8x8x768xf32, #tpu.memory_space<vmem>>, vector<16xf32>,
        %parallel_loop3A_1515 = arith.mulf %parallel_loop3A_1514, %parallel_loop3A_1267 : vector<16xf32>
        %parallel_loop3A_1516 = arith.index_cast %rem3A_335 : i32 to index
        %parallel_loop3A_1517 = arith.index_cast %parallel_loop3A_357 : i32 to index
        %parallel_loop3A_1518 = arith.constant 432 : index
        %parallel_loop3A_1519 = tpu.vector_load %arg10[%parallel_loop3A_1516, %parallel_loop3A_1517, %parallel_loop3A_1518] {strides = array<i32>} : memref<8x8x768xf32, #tpu.memory_space<vmem>>, vector<16xf32>,
        tpu.vector_store %arg10[%parallel_loop3A_1516, %parallel_loop3A_1517, %parallel_loop3A_1518], %parallel_loop3A_1515 {strides = array<i32>} : memref<8x8x768xf32, #tpu.memory_space<vmem>>, vector<16xf32>,
        %parallel_loop3A_1520 = arith.index_cast %rem3A_335 : i32 to index
        %parallel_loop3A_1521 = arith.index_cast %parallel_loop3A_357 : i32 to index
        %parallel_loop3A_1522 = arith.constant 448 : index
        %parallel_loop3A_1523 = tpu.vector_load %arg10[%parallel_loop3A_1520, %parallel_loop3A_1521, %parallel_loop3A_1522] {strides = array<i32>} : memref<8x8x768xf32, #tpu.memory_space<vmem>>, vector<16xf32>,
        %parallel_loop3A_1524 = arith.mulf %parallel_loop3A_1523, %parallel_loop3A_1267 : vector<16xf32>
        %parallel_loop3A_1525 = arith.index_cast %rem3A_335 : i32 to index
        %parallel_loop3A_1526 = arith.index_cast %parallel_loop3A_357 : i32 to index
        %parallel_loop3A_1527 = arith.constant 448 : index
        %parallel_loop3A_1528 = tpu.vector_load %arg10[%parallel_loop3A_1525, %parallel_loop3A_1526, %parallel_loop3A_1527] {strides = array<i32>} : memref<8x8x768xf32, #tpu.memory_space<vmem>>, vector<16xf32>,
        tpu.vector_store %arg10[%parallel_loop3A_1525, %parallel_loop3A_1526, %parallel_loop3A_1527], %parallel_loop3A_1524 {strides = array<i32>} : memref<8x8x768xf32, #tpu.memory_space<vmem>>, vector<16xf32>,
        %parallel_loop3A_1529 = arith.index_cast %rem3A_335 : i32 to index
        %parallel_loop3A_1530 = arith.index_cast %parallel_loop3A_357 : i32 to index
        %parallel_loop3A_1531 = arith.constant 464 : index
        %parallel_loop3A_1532 = tpu.vector_load %arg10[%parallel_loop3A_1529, %parallel_loop3A_1530, %parallel_loop3A_1531] {strides = array<i32>} : memref<8x8x768xf32, #tpu.memory_space<vmem>>, vector<16xf32>,
        %parallel_loop3A_1533 = arith.mulf %parallel_loop3A_1532, %parallel_loop3A_1267 : vector<16xf32>
        %parallel_loop3A_1534 = arith.index_cast %rem3A_335 : i32 to index
        %parallel_loop3A_1535 = arith.index_cast %parallel_loop3A_357 : i32 to index
        %parallel_loop3A_1536 = arith.constant 464 : index
        %parallel_loop3A_1537 = tpu.vector_load %arg10[%parallel_loop3A_1534, %parallel_loop3A_1535, %parallel_loop3A_1536] {strides = array<i32>} : memref<8x8x768xf32, #tpu.memory_space<vmem>>, vector<16xf32>,
        tpu.vector_store %arg10[%parallel_loop3A_1534, %parallel_loop3A_1535, %parallel_loop3A_1536], %parallel_loop3A_1533 {strides = array<i32>} : memref<8x8x768xf32, #tpu.memory_space<vmem>>, vector<16xf32>,
        %parallel_loop3A_1538 = arith.index_cast %rem3A_335 : i32 to index
        %parallel_loop3A_1539 = arith.index_cast %parallel_loop3A_357 : i32 to index
        %parallel_loop3A_1540 = arith.constant 480 : index
        %parallel_loop3A_1541 = tpu.vector_load %arg10[%parallel_loop3A_1538, %parallel_loop3A_1539, %parallel_loop3A_1540] {strides = array<i32>} : memref<8x8x768xf32, #tpu.memory_space<vmem>>, vector<16xf32>,
        %parallel_loop3A_1542 = arith.mulf %parallel_loop3A_1541, %parallel_loop3A_1267 : vector<16xf32>
        %parallel_loop3A_1543 = arith.index_cast %rem3A_335 : i32 to index
        %parallel_loop3A_1544 = arith.index_cast %parallel_loop3A_357 : i32 to index
        %parallel_loop3A_1545 = arith.constant 480 : index
        %parallel_loop3A_1546 = tpu.vector_load %arg10[%parallel_loop3A_1543, %parallel_loop3A_1544, %parallel_loop3A_1545] {strides = array<i32>} : memref<8x8x768xf32, #tpu.memory_space<vmem>>, vector<16xf32>,
        tpu.vector_store %arg10[%parallel_loop3A_1543, %parallel_loop3A_1544, %parallel_loop3A_1545], %parallel_loop3A_1542 {strides = array<i32>} : memref<8x8x768xf32, #tpu.memory_space<vmem>>, vector<16xf32>,
        %parallel_loop3A_1547 = arith.index_cast %rem3A_335 : i32 to index
        %parallel_loop3A_1548 = arith.index_cast %parallel_loop3A_357 : i32 to index
        %parallel_loop3A_1549 = arith.constant 496 : index
        %parallel_loop3A_1550 = tpu.vector_load %arg10[%parallel_loop3A_1547, %parallel_loop3A_1548, %parallel_loop3A_1549] {strides = array<i32>} : memref<8x8x768xf32, #tpu.memory_space<vmem>>, vector<16xf32>,
        %parallel_loop3A_1551 = arith.mulf %parallel_loop3A_1550, %parallel_loop3A_1267 : vector<16xf32>
        %parallel_loop3A_1552 = arith.index_cast %rem3A_335 : i32 to index
        %parallel_loop3A_1553 = arith.index_cast %parallel_loop3A_357 : i32 to index
        %parallel_loop3A_1554 = arith.constant 496 : index
        %parallel_loop3A_1555 = tpu.vector_load %arg10[%parallel_loop3A_1552, %parallel_loop3A_1553, %parallel_loop3A_1554] {strides = array<i32>} : memref<8x8x768xf32, #tpu.memory_space<vmem>>, vector<16xf32>,
        tpu.vector_store %arg10[%parallel_loop3A_1552, %parallel_loop3A_1553, %parallel_loop3A_1554], %parallel_loop3A_1551 {strides = array<i32>} : memref<8x8x768xf32, #tpu.memory_space<vmem>>, vector<16xf32>,
        %parallel_loop3A_1556 = arith.index_cast %rem3A_335 : i32 to index
        %parallel_loop3A_1557 = arith.index_cast %parallel_loop3A_357 : i32 to index
        %parallel_loop3A_1558 = arith.constant 512 : index
        %parallel_loop3A_1559 = tpu.vector_load %arg10[%parallel_loop3A_1556, %parallel_loop3A_1557, %parallel_loop3A_1558] {strides = array<i32>} : memref<8x8x768xf32, #tpu.memory_space<vmem>>, vector<16xf32>,
        %parallel_loop3A_1560 = arith.mulf %parallel_loop3A_1559, %parallel_loop3A_1267 : vector<16xf32>
        %parallel_loop3A_1561 = arith.index_cast %rem3A_335 : i32 to index
        %parallel_loop3A_1562 = arith.index_cast %parallel_loop3A_357 : i32 to index
        %parallel_loop3A_1563 = arith.constant 512 : index
        %parallel_loop3A_1564 = tpu.vector_load %arg10[%parallel_loop3A_1561, %parallel_loop3A_1562, %parallel_loop3A_1563] {strides = array<i32>} : memref<8x8x768xf32, #tpu.memory_space<vmem>>, vector<16xf32>,
        tpu.vector_store %arg10[%parallel_loop3A_1561, %parallel_loop3A_1562, %parallel_loop3A_1563], %parallel_loop3A_1560 {strides = array<i32>} : memref<8x8x768xf32, #tpu.memory_space<vmem>>, vector<16xf32>,
        %parallel_loop3A_1565 = arith.index_cast %rem3A_335 : i32 to index
        %parallel_loop3A_1566 = arith.index_cast %parallel_loop3A_357 : i32 to index
        %parallel_loop3A_1567 = arith.constant 528 : index
        %parallel_loop3A_1568 = tpu.vector_load %arg10[%parallel_loop3A_1565, %parallel_loop3A_1566, %parallel_loop3A_1567] {strides = array<i32>} : memref<8x8x768xf32, #tpu.memory_space<vmem>>, vector<16xf32>,
        %parallel_loop3A_1569 = arith.mulf %parallel_loop3A_1568, %parallel_loop3A_1267 : vector<16xf32>
        %parallel_loop3A_1570 = arith.index_cast %rem3A_335 : i32 to index
        %parallel_loop3A_1571 = arith.index_cast %parallel_loop3A_357 : i32 to index
        %parallel_loop3A_1572 = arith.constant 528 : index
        %parallel_loop3A_1573 = tpu.vector_load %arg10[%parallel_loop3A_1570, %parallel_loop3A_1571, %parallel_loop3A_1572] {strides = array<i32>} : memref<8x8x768xf32, #tpu.memory_space<vmem>>, vector<16xf32>,
        tpu.vector_store %arg10[%parallel_loop3A_1570, %parallel_loop3A_1571, %parallel_loop3A_1572], %parallel_loop3A_1569 {strides = array<i32>} : memref<8x8x768xf32, #tpu.memory_space<vmem>>, vector<16xf32>,
        %parallel_loop3A_1574 = arith.index_cast %rem3A_335 : i32 to index
        %parallel_loop3A_1575 = arith.index_cast %parallel_loop3A_357 : i32 to index
        %parallel_loop3A_1576 = arith.constant 544 : index
        %parallel_loop3A_1577 = tpu.vector_load %arg10[%parallel_loop3A_1574, %parallel_loop3A_1575, %parallel_loop3A_1576] {strides = array<i32>} : memref<8x8x768xf32, #tpu.memory_space<vmem>>, vector<16xf32>,
        %parallel_loop3A_1578 = arith.mulf %parallel_loop3A_1577, %parallel_loop3A_1267 : vector<16xf32>
        %parallel_loop3A_1579 = arith.index_cast %rem3A_335 : i32 to index
        %parallel_loop3A_1580 = arith.index_cast %parallel_loop3A_357 : i32 to index
        %parallel_loop3A_1581 = arith.constant 544 : index
        %parallel_loop3A_1582 = tpu.vector_load %arg10[%parallel_loop3A_1579, %parallel_loop3A_1580, %parallel_loop3A_1581] {strides = array<i32>} : memref<8x8x768xf32, #tpu.memory_space<vmem>>, vector<16xf32>,
        tpu.vector_store %arg10[%parallel_loop3A_1579, %parallel_loop3A_1580, %parallel_loop3A_1581], %parallel_loop3A_1578 {strides = array<i32>} : memref<8x8x768xf32, #tpu.memory_space<vmem>>, vector<16xf32>,
        %parallel_loop3A_1583 = arith.index_cast %rem3A_335 : i32 to index
        %parallel_loop3A_1584 = arith.index_cast %parallel_loop3A_357 : i32 to index
        %parallel_loop3A_1585 = arith.constant 560 : index
        %parallel_loop3A_1586 = tpu.vector_load %arg10[%parallel_loop3A_1583, %parallel_loop3A_1584, %parallel_loop3A_1585] {strides = array<i32>} : memref<8x8x768xf32, #tpu.memory_space<vmem>>, vector<16xf32>,
        %parallel_loop3A_1587 = arith.mulf %parallel_loop3A_1586, %parallel_loop3A_1267 : vector<16xf32>
        %parallel_loop3A_1588 = arith.index_cast %rem3A_335 : i32 to index
        %parallel_loop3A_1589 = arith.index_cast %parallel_loop3A_357 : i32 to index
        %parallel_loop3A_1590 = arith.constant 560 : index
        %parallel_loop3A_1591 = tpu.vector_load %arg10[%parallel_loop3A_1588, %parallel_loop3A_1589, %parallel_loop3A_1590] {strides = array<i32>} : memref<8x8x768xf32, #tpu.memory_space<vmem>>, vector<16xf32>,
        tpu.vector_store %arg10[%parallel_loop3A_1588, %parallel_loop3A_1589, %parallel_loop3A_1590], %parallel_loop3A_1587 {strides = array<i32>} : memref<8x8x768xf32, #tpu.memory_space<vmem>>, vector<16xf32>,
        %parallel_loop3A_1592 = arith.index_cast %rem3A_335 : i32 to index
        %parallel_loop3A_1593 = arith.index_cast %parallel_loop3A_357 : i32 to index
        %parallel_loop3A_1594 = arith.constant 576 : index
        %parallel_loop3A_1595 = tpu.vector_load %arg10[%parallel_loop3A_1592, %parallel_loop3A_1593, %parallel_loop3A_1594] {strides = array<i32>} : memref<8x8x768xf32, #tpu.memory_space<vmem>>, vector<16xf32>,
        %parallel_loop3A_1596 = arith.mulf %parallel_loop3A_1595, %parallel_loop3A_1267 : vector<16xf32>
        %parallel_loop3A_1597 = arith.index_cast %rem3A_335 : i32 to index
        %parallel_loop3A_1598 = arith.index_cast %parallel_loop3A_357 : i32 to index
        %parallel_loop3A_1599 = arith.constant 576 : index
        %parallel_loop3A_1600 = tpu.vector_load %arg10[%parallel_loop3A_1597, %parallel_loop3A_1598, %parallel_loop3A_1599] {strides = array<i32>} : memref<8x8x768xf32, #tpu.memory_space<vmem>>, vector<16xf32>,
        tpu.vector_store %arg10[%parallel_loop3A_1597, %parallel_loop3A_1598, %parallel_loop3A_1599], %parallel_loop3A_1596 {strides = array<i32>} : memref<8x8x768xf32, #tpu.memory_space<vmem>>, vector<16xf32>,
        %parallel_loop3A_1601 = arith.index_cast %rem3A_335 : i32 to index
        %parallel_loop3A_1602 = arith.index_cast %parallel_loop3A_357 : i32 to index
        %parallel_loop3A_1603 = arith.constant 592 : index
        %parallel_loop3A_1604 = tpu.vector_load %arg10[%parallel_loop3A_1601, %parallel_loop3A_1602, %parallel_loop3A_1603] {strides = array<i32>} : memref<8x8x768xf32, #tpu.memory_space<vmem>>, vector<16xf32>,
        %parallel_loop3A_1605 = arith.mulf %parallel_loop3A_1604, %parallel_loop3A_1267 : vector<16xf32>
        %parallel_loop3A_1606 = arith.index_cast %rem3A_335 : i32 to index
        %parallel_loop3A_1607 = arith.index_cast %parallel_loop3A_357 : i32 to index
        %parallel_loop3A_1608 = arith.constant 592 : index
        %parallel_loop3A_1609 = tpu.vector_load %arg10[%parallel_loop3A_1606, %parallel_loop3A_1607, %parallel_loop3A_1608] {strides = array<i32>} : memref<8x8x768xf32, #tpu.memory_space<vmem>>, vector<16xf32>,
        tpu.vector_store %arg10[%parallel_loop3A_1606, %parallel_loop3A_1607, %parallel_loop3A_1608], %parallel_loop3A_1605 {strides = array<i32>} : memref<8x8x768xf32, #tpu.memory_space<vmem>>, vector<16xf32>,
        %parallel_loop3A_1610 = arith.index_cast %rem3A_335 : i32 to index
        %parallel_loop3A_1611 = arith.index_cast %parallel_loop3A_357 : i32 to index
        %parallel_loop3A_1612 = arith.constant 608 : index
        %parallel_loop3A_1613 = tpu.vector_load %arg10[%parallel_loop3A_1610, %parallel_loop3A_1611, %parallel_loop3A_1612] {strides = array<i32>} : memref<8x8x768xf32, #tpu.memory_space<vmem>>, vector<16xf32>,
        %parallel_loop3A_1614 = arith.mulf %parallel_loop3A_1613, %parallel_loop3A_1267 : vector<16xf32>
        %parallel_loop3A_1615 = arith.index_cast %rem3A_335 : i32 to index
        %parallel_loop3A_1616 = arith.index_cast %parallel_loop3A_357 : i32 to index
        %parallel_loop3A_1617 = arith.constant 608 : index
        %parallel_loop3A_1618 = tpu.vector_load %arg10[%parallel_loop3A_1615, %parallel_loop3A_1616, %parallel_loop3A_1617] {strides = array<i32>} : memref<8x8x768xf32, #tpu.memory_space<vmem>>, vector<16xf32>,
        tpu.vector_store %arg10[%parallel_loop3A_1615, %parallel_loop3A_1616, %parallel_loop3A_1617], %parallel_loop3A_1614 {strides = array<i32>} : memref<8x8x768xf32, #tpu.memory_space<vmem>>, vector<16xf32>,
        %parallel_loop3A_1619 = arith.index_cast %rem3A_335 : i32 to index
        %parallel_loop3A_1620 = arith.index_cast %parallel_loop3A_357 : i32 to index
        %parallel_loop3A_1621 = arith.constant 624 : index
        %parallel_loop3A_1622 = tpu.vector_load %arg10[%parallel_loop3A_1619, %parallel_loop3A_1620, %parallel_loop3A_1621] {strides = array<i32>} : memref<8x8x768xf32, #tpu.memory_space<vmem>>, vector<16xf32>,
        %parallel_loop3A_1623 = arith.mulf %parallel_loop3A_1622, %parallel_loop3A_1267 : vector<16xf32>
        %parallel_loop3A_1624 = arith.index_cast %rem3A_335 : i32 to index
        %parallel_loop3A_1625 = arith.index_cast %parallel_loop3A_357 : i32 to index
        %parallel_loop3A_1626 = arith.constant 624 : index
        %parallel_loop3A_1627 = tpu.vector_load %arg10[%parallel_loop3A_1624, %parallel_loop3A_1625, %parallel_loop3A_1626] {strides = array<i32>} : memref<8x8x768xf32, #tpu.memory_space<vmem>>, vector<16xf32>,
        tpu.vector_store %arg10[%parallel_loop3A_1624, %parallel_loop3A_1625, %parallel_loop3A_1626], %parallel_loop3A_1623 {strides = array<i32>} : memref<8x8x768xf32, #tpu.memory_space<vmem>>, vector<16xf32>,
        %parallel_loop3A_1628 = arith.index_cast %rem3A_335 : i32 to index
        %parallel_loop3A_1629 = arith.index_cast %parallel_loop3A_357 : i32 to index
        %parallel_loop3A_1630 = arith.constant 640 : index
        %parallel_loop3A_1631 = tpu.vector_load %arg10[%parallel_loop3A_1628, %parallel_loop3A_1629, %parallel_loop3A_1630] {strides = array<i32>} : memref<8x8x768xf32, #tpu.memory_space<vmem>>, vector<16xf32>,
        %parallel_loop3A_1632 = arith.mulf %parallel_loop3A_1631, %parallel_loop3A_1267 : vector<16xf32>
        %parallel_loop3A_1633 = arith.index_cast %rem3A_335 : i32 to index
        %parallel_loop3A_1634 = arith.index_cast %parallel_loop3A_357 : i32 to index
        %parallel_loop3A_1635 = arith.constant 640 : index
        %parallel_loop3A_1636 = tpu.vector_load %arg10[%parallel_loop3A_1633, %parallel_loop3A_1634, %parallel_loop3A_1635] {strides = array<i32>} : memref<8x8x768xf32, #tpu.memory_space<vmem>>, vector<16xf32>,
        tpu.vector_store %arg10[%parallel_loop3A_1633, %parallel_loop3A_1634, %parallel_loop3A_1635], %parallel_loop3A_1632 {strides = array<i32>} : memref<8x8x768xf32, #tpu.memory_space<vmem>>, vector<16xf32>,
        %parallel_loop3A_1637 = arith.index_cast %rem3A_335 : i32 to index
        %parallel_loop3A_1638 = arith.index_cast %parallel_loop3A_357 : i32 to index
        %parallel_loop3A_1639 = arith.constant 656 : index
        %parallel_loop3A_1640 = tpu.vector_load %arg10[%parallel_loop3A_1637, %parallel_loop3A_1638, %parallel_loop3A_1639] {strides = array<i32>} : memref<8x8x768xf32, #tpu.memory_space<vmem>>, vector<16xf32>,
        %parallel_loop3A_1641 = arith.mulf %parallel_loop3A_1640, %parallel_loop3A_1267 : vector<16xf32>
        %parallel_loop3A_1642 = arith.index_cast %rem3A_335 : i32 to index
        %parallel_loop3A_1643 = arith.index_cast %parallel_loop3A_357 : i32 to index
        %parallel_loop3A_1644 = arith.constant 656 : index
        %parallel_loop3A_1645 = tpu.vector_load %arg10[%parallel_loop3A_1642, %parallel_loop3A_1643, %parallel_loop3A_1644] {strides = array<i32>} : memref<8x8x768xf32, #tpu.memory_space<vmem>>, vector<16xf32>,
        tpu.vector_store %arg10[%parallel_loop3A_1642, %parallel_loop3A_1643, %parallel_loop3A_1644], %parallel_loop3A_1641 {strides = array<i32>} : memref<8x8x768xf32, #tpu.memory_space<vmem>>, vector<16xf32>,
        %parallel_loop3A_1646 = arith.index_cast %rem3A_335 : i32 to index
        %parallel_loop3A_1647 = arith.index_cast %parallel_loop3A_357 : i32 to index
        %parallel_loop3A_1648 = arith.constant 672 : index
        %parallel_loop3A_1649 = tpu.vector_load %arg10[%parallel_loop3A_1646, %parallel_loop3A_1647, %parallel_loop3A_1648] {strides = array<i32>} : memref<8x8x768xf32, #tpu.memory_space<vmem>>, vector<16xf32>,
        %parallel_loop3A_1650 = arith.mulf %parallel_loop3A_1649, %parallel_loop3A_1267 : vector<16xf32>
        %parallel_loop3A_1651 = arith.index_cast %rem3A_335 : i32 to index
        %parallel_loop3A_1652 = arith.index_cast %parallel_loop3A_357 : i32 to index
        %parallel_loop3A_1653 = arith.constant 672 : index
        %parallel_loop3A_1654 = tpu.vector_load %arg10[%parallel_loop3A_1651, %parallel_loop3A_1652, %parallel_loop3A_1653] {strides = array<i32>} : memref<8x8x768xf32, #tpu.memory_space<vmem>>, vector<16xf32>,
        tpu.vector_store %arg10[%parallel_loop3A_1651, %parallel_loop3A_1652, %parallel_loop3A_1653], %parallel_loop3A_1650 {strides = array<i32>} : memref<8x8x768xf32, #tpu.memory_space<vmem>>, vector<16xf32>,
        %parallel_loop3A_1655 = arith.index_cast %rem3A_335 : i32 to index
        %parallel_loop3A_1656 = arith.index_cast %parallel_loop3A_357 : i32 to index
        %parallel_loop3A_1657 = arith.constant 688 : index
        %parallel_loop3A_1658 = tpu.vector_load %arg10[%parallel_loop3A_1655, %parallel_loop3A_1656, %parallel_loop3A_1657] {strides = array<i32>} : memref<8x8x768xf32, #tpu.memory_space<vmem>>, vector<16xf32>,
        %parallel_loop3A_1659 = arith.mulf %parallel_loop3A_1658, %parallel_loop3A_1267 : vector<16xf32>
        %parallel_loop3A_1660 = arith.index_cast %rem3A_335 : i32 to index
        %parallel_loop3A_1661 = arith.index_cast %parallel_loop3A_357 : i32 to index
        %parallel_loop3A_1662 = arith.constant 688 : index
        %parallel_loop3A_1663 = tpu.vector_load %arg10[%parallel_loop3A_1660, %parallel_loop3A_1661, %parallel_loop3A_1662] {strides = array<i32>} : memref<8x8x768xf32, #tpu.memory_space<vmem>>, vector<16xf32>,
        tpu.vector_store %arg10[%parallel_loop3A_1660, %parallel_loop3A_1661, %parallel_loop3A_1662], %parallel_loop3A_1659 {strides = array<i32>} : memref<8x8x768xf32, #tpu.memory_space<vmem>>, vector<16xf32>,
        %parallel_loop3A_1664 = arith.index_cast %rem3A_335 : i32 to index
        %parallel_loop3A_1665 = arith.index_cast %parallel_loop3A_357 : i32 to index
        %parallel_loop3A_1666 = arith.constant 704 : index
        %parallel_loop3A_1667 = tpu.vector_load %arg10[%parallel_loop3A_1664, %parallel_loop3A_1665, %parallel_loop3A_1666] {strides = array<i32>} : memref<8x8x768xf32, #tpu.memory_space<vmem>>, vector<16xf32>,
        %parallel_loop3A_1668 = arith.mulf %parallel_loop3A_1667, %parallel_loop3A_1267 : vector<16xf32>
        %parallel_loop3A_1669 = arith.index_cast %rem3A_335 : i32 to index
        %parallel_loop3A_1670 = arith.index_cast %parallel_loop3A_357 : i32 to index
        %parallel_loop3A_1671 = arith.constant 704 : index
        %parallel_loop3A_1672 = tpu.vector_load %arg10[%parallel_loop3A_1669, %parallel_loop3A_1670, %parallel_loop3A_1671] {strides = array<i32>} : memref<8x8x768xf32, #tpu.memory_space<vmem>>, vector<16xf32>,
        tpu.vector_store %arg10[%parallel_loop3A_1669, %parallel_loop3A_1670, %parallel_loop3A_1671], %parallel_loop3A_1668 {strides = array<i32>} : memref<8x8x768xf32, #tpu.memory_space<vmem>>, vector<16xf32>,
        %parallel_loop3A_1673 = arith.index_cast %rem3A_335 : i32 to index
        %parallel_loop3A_1674 = arith.index_cast %parallel_loop3A_357 : i32 to index
        %parallel_loop3A_1675 = arith.constant 720 : index
        %parallel_loop3A_1676 = tpu.vector_load %arg10[%parallel_loop3A_1673, %parallel_loop3A_1674, %parallel_loop3A_1675] {strides = array<i32>} : memref<8x8x768xf32, #tpu.memory_space<vmem>>, vector<16xf32>,
        %parallel_loop3A_1677 = arith.mulf %parallel_loop3A_1676, %parallel_loop3A_1267 : vector<16xf32>
        %parallel_loop3A_1678 = arith.index_cast %rem3A_335 : i32 to index
        %parallel_loop3A_1679 = arith.index_cast %parallel_loop3A_357 : i32 to index
        %parallel_loop3A_1680 = arith.constant 720 : index
        %parallel_loop3A_1681 = tpu.vector_load %arg10[%parallel_loop3A_1678, %parallel_loop3A_1679, %parallel_loop3A_1680] {strides = array<i32>} : memref<8x8x768xf32, #tpu.memory_space<vmem>>, vector<16xf32>,
        tpu.vector_store %arg10[%parallel_loop3A_1678, %parallel_loop3A_1679, %parallel_loop3A_1680], %parallel_loop3A_1677 {strides = array<i32>} : memref<8x8x768xf32, #tpu.memory_space<vmem>>, vector<16xf32>,
        %parallel_loop3A_1682 = arith.index_cast %rem3A_335 : i32 to index
        %parallel_loop3A_1683 = arith.index_cast %parallel_loop3A_357 : i32 to index
        %parallel_loop3A_1684 = arith.constant 736 : index
        %parallel_loop3A_1685 = tpu.vector_load %arg10[%parallel_loop3A_1682, %parallel_loop3A_1683, %parallel_loop3A_1684] {strides = array<i32>} : memref<8x8x768xf32, #tpu.memory_space<vmem>>, vector<16xf32>,
        %parallel_loop3A_1686 = arith.mulf %parallel_loop3A_1685, %parallel_loop3A_1267 : vector<16xf32>
        %parallel_loop3A_1687 = arith.index_cast %rem3A_335 : i32 to index
        %parallel_loop3A_1688 = arith.index_cast %parallel_loop3A_357 : i32 to index
        %parallel_loop3A_1689 = arith.constant 736 : index
        %parallel_loop3A_1690 = tpu.vector_load %arg10[%parallel_loop3A_1687, %parallel_loop3A_1688, %parallel_loop3A_1689] {strides = array<i32>} : memref<8x8x768xf32, #tpu.memory_space<vmem>>, vector<16xf32>,
        tpu.vector_store %arg10[%parallel_loop3A_1687, %parallel_loop3A_1688, %parallel_loop3A_1689], %parallel_loop3A_1686 {strides = array<i32>} : memref<8x8x768xf32, #tpu.memory_space<vmem>>, vector<16xf32>,
        %parallel_loop3A_1691 = arith.index_cast %rem3A_335 : i32 to index
        %parallel_loop3A_1692 = arith.index_cast %parallel_loop3A_357 : i32 to index
        %parallel_loop3A_1693 = arith.constant 752 : index
        %parallel_loop3A_1694 = tpu.vector_load %arg10[%parallel_loop3A_1691, %parallel_loop3A_1692, %parallel_loop3A_1693] {strides = array<i32>} : memref<8x8x768xf32, #tpu.memory_space<vmem>>, vector<16xf32>,
        %parallel_loop3A_1695 = arith.mulf %parallel_loop3A_1694, %parallel_loop3A_1267 : vector<16xf32>
        %parallel_loop3A_1696 = arith.index_cast %rem3A_335 : i32 to index
        %parallel_loop3A_1697 = arith.index_cast %parallel_loop3A_357 : i32 to index
        %parallel_loop3A_1698 = arith.constant 752 : index
        %parallel_loop3A_1699 = tpu.vector_load %arg10[%parallel_loop3A_1696, %parallel_loop3A_1697, %parallel_loop3A_1698] {strides = array<i32>} : memref<8x8x768xf32, #tpu.memory_space<vmem>>, vector<16xf32>,
        tpu.vector_store %arg10[%parallel_loop3A_1696, %parallel_loop3A_1697, %parallel_loop3A_1698], %parallel_loop3A_1695 {strides = array<i32>} : memref<8x8x768xf32, #tpu.memory_space<vmem>>, vector<16xf32>,
      } {sc.loop_unroll_factor = 2 : i64, sc.parallel_access}
      %rem3A_338 = arith.constant 8 : i32
      %rem3A_339 = arith.remsi %scan3A_301, %rem3A_338 : i32
      %mul3A_340 = arith.constant 8 : i32
      %mul3A_341 = arith.muli %scan3A_301, %mul3A_340 : i32
      %add3A_342 = arith.addi %mul3A_2, %mul3A_341 : i32
      %dma_start3A_343 = arith.constant 0 : i32
      %dma_start3A_344 = arith.constant 0 : i32
      %dma_start3A_345 = tpu.memref_slice %arg10[%rem3A_339, %dma_start3A_343, %dma_start3A_344] : memref<8x8x768xf32, #tpu.memory_space<vmem>> -> memref<1x8x768xf32, #tpu.memory_space<vmem>>
      %dma_start3A_346 = tpu.memref_squeeze %dma_start3A_345 : memref<1x8x768xf32, #tpu.memory_space<vmem>> -> memref<8x768xf32, #tpu.memory_space<vmem>>
      %dma_start3A_347 = arith.constant 0 : i32
      %dma_start3A_348 = tpu.memref_slice %arg7[%add3A_342, %dma_start3A_347] : memref<8192x768xf32, #tpu.memory_space<hbm>> -> memref<8x768xf32, #tpu.memory_space<hbm>>
      %dma_start3A_349 = tpu.memref_slice %arg15[%rem3A_339] : memref<8x!tpu.dma_semaphore, #tpu.memory_space<semaphore_mem>> -> memref<1x!tpu.dma_semaphore, #tpu.memory_space<semaphore_mem>>
      %dma_start3A_350 = tpu.memref_squeeze %dma_start3A_349 : memref<1x!tpu.dma_semaphore, #tpu.memory_space<semaphore_mem>> -> memref<!tpu.dma_semaphore, #tpu.memory_space<semaphore_mem>>
      %dma_start3A_351 = arith.constant 0 : i32
      %dma_start3A_352 = tpu.memref_slice %arg7[%add3A_342, %dma_start3A_351] : memref<8192x768xf32, #tpu.memory_space<hbm>> -> memref<8x768xf32, #tpu.memory_space<hbm>>
      %dma_start3A_353 = arith.constant 0 : i32
      %dma_start3A_354 = arith.constant 0 : i32
      %dma_start3A_355 = tpu.memref_slice %arg10[%rem3A_339, %dma_start3A_353, %dma_start3A_354] : memref<8x8x768xf32, #tpu.memory_space<vmem>> -> memref<1x8x768xf32, #tpu.memory_space<vmem>>
      %dma_start3A_356 = tpu.memref_squeeze %dma_start3A_355 : memref<1x8x768xf32, #tpu.memory_space<vmem>> -> memref<8x768xf32, #tpu.memory_space<vmem>>
      tpu.enqueue_dma source(%dma_start3A_356 : memref<8x768xf32, #tpu.memory_space<vmem>>) target(%dma_start3A_352 : memref<8x768xf32, #tpu.memory_space<hbm>>) target_semaphore(%dma_start3A_350 : memref<!tpu.dma_semaphore, #tpu.memory_space<semaphore_mem>>)
    }
    %scan3A_133 = arith.constant 32 : i32
    %rem3A_134 = arith.constant 24 : i32
    %rem3A_135 = arith.constant 8 : i32
    %rem3A_136 = arith.remsi %rem3A_134, %rem3A_135 : i32
    %mul3A_137 = arith.constant 24 : i32
    %mul3A_138 = arith.constant 8 : i32
    %mul3A_139 = arith.muli %mul3A_137, %mul3A_138 : i32
    %add3A_140 = arith.addi %mul3A_2, %mul3A_139 : i32
    %dma_wait3A = arith.constant 0 : i32
    %dma_wait3A_141 = arith.constant 0 : i32
    %dma_wait3A_142 = tpu.memref_slice %arg10[%rem3A_136, %dma_wait3A, %dma_wait3A_141] : memref<8x8x768xf32, #tpu.memory_space<vmem>> -> memref<1x8x768xf32, #tpu.memory_space<vmem>>
    %dma_wait3A_143 = tpu.memref_squeeze %dma_wait3A_142 : memref<1x8x768xf32, #tpu.memory_space<vmem>> -> memref<8x768xf32, #tpu.memory_space<vmem>>
    %dma_wait3A_144 = arith.constant 0 : i32
    %dma_wait3A_145 = tpu.memref_slice %arg7[%add3A_140, %dma_wait3A_144] : memref<8192x768xf32, #tpu.memory_space<hbm>> -> memref<8x768xf32, #tpu.memory_space<hbm>>
    %dma_wait3A_146 = tpu.memref_slice %arg15[%rem3A_136] : memref<8x!tpu.dma_semaphore, #tpu.memory_space<semaphore_mem>> -> memref<1x!tpu.dma_semaphore, #tpu.memory_space<semaphore_mem>>
    %dma_wait3A_147 = tpu.memref_squeeze %dma_wait3A_146 : memref<1x!tpu.dma_semaphore, #tpu.memory_space<semaphore_mem>> -> memref<!tpu.dma_semaphore, #tpu.memory_space<semaphore_mem>>
    %dma_wait3A_148 = arith.constant 0 : i32
    %dma_wait3A_149 = tpu.memref_slice %arg7[%add3A_140, %dma_wait3A_148] : memref<8192x768xf32, #tpu.memory_space<hbm>> -> memref<8x768xf32, #tpu.memory_space<hbm>>
    %dma_wait3A_150 = arith.constant 0 : i32
    %dma_wait3A_151 = arith.constant 0 : i32
    %dma_wait3A_152 = tpu.memref_slice %arg10[%rem3A_136, %dma_wait3A_150, %dma_wait3A_151] : memref<8x8x768xf32, #tpu.memory_space<vmem>> -> memref<1x8x768xf32, #tpu.memory_space<vmem>>
    %dma_wait3A_153 = tpu.memref_squeeze %dma_wait3A_152 : memref<1x8x768xf32, #tpu.memory_space<vmem>> -> memref<8x768xf32, #tpu.memory_space<vmem>>
    tpu.wait_dma2 semaphore(%dma_wait3A_147 : memref<!tpu.dma_semaphore, #tpu.memory_space<semaphore_mem>>) src(%dma_wait3A_153 : memref<8x768xf32, #tpu.memory_space<vmem>>) dst(%dma_wait3A_149 : memref<8x768xf32, #tpu.memory_space<hbm>>)
    %rem3A_154 = arith.constant 25 : i32
    %rem3A_155 = arith.constant 8 : i32
    %rem3A_156 = arith.remsi %rem3A_154, %rem3A_155 : i32
    %mul3A_157 = arith.constant 25 : i32
    %mul3A_158 = arith.constant 8 : i32
    %mul3A_159 = arith.muli %mul3A_157, %mul3A_158 : i32
    %add3A_160 = arith.addi %mul3A_2, %mul3A_159 : i32
    %dma_wait3A_161 = arith.constant 0 : i32
    %dma_wait3A_162 = arith.constant 0 : i32
    %dma_wait3A_163 = tpu.memref_slice %arg10[%rem3A_156, %dma_wait3A_161, %dma_wait3A_162] : memref<8x8x768xf32, #tpu.memory_space<vmem>> -> memref<1x8x768xf32, #tpu.memory_space<vmem>>
    %dma_wait3A_164 = tpu.memref_squeeze %dma_wait3A_163 : memref<1x8x768xf32, #tpu.memory_space<vmem>> -> memref<8x768xf32, #tpu.memory_space<vmem>>
    %dma_wait3A_165 = arith.constant 0 : i32
    %dma_wait3A_166 = tpu.memref_slice %arg7[%add3A_160, %dma_wait3A_165] : memref<8192x768xf32, #tpu.memory_space<hbm>> -> memref<8x768xf32, #tpu.memory_space<hbm>>
    %dma_wait3A_167 = tpu.memref_slice %arg15[%rem3A_156] : memref<8x!tpu.dma_semaphore, #tpu.memory_space<semaphore_mem>> -> memref<1x!tpu.dma_semaphore, #tpu.memory_space<semaphore_mem>>
    %dma_wait3A_168 = tpu.memref_squeeze %dma_wait3A_167 : memref<1x!tpu.dma_semaphore, #tpu.memory_space<semaphore_mem>> -> memref<!tpu.dma_semaphore, #tpu.memory_space<semaphore_mem>>
    %dma_wait3A_169 = arith.constant 0 : i32
    %dma_wait3A_170 = tpu.memref_slice %arg7[%add3A_160, %dma_wait3A_169] : memref<8192x768xf32, #tpu.memory_space<hbm>> -> memref<8x768xf32, #tpu.memory_space<hbm>>
    %dma_wait3A_171 = arith.constant 0 : i32
    %dma_wait3A_172 = arith.constant 0 : i32
    %dma_wait3A_173 = tpu.memref_slice %arg10[%rem3A_156, %dma_wait3A_171, %dma_wait3A_172] : memref<8x8x768xf32, #tpu.memory_space<vmem>> -> memref<1x8x768xf32, #tpu.memory_space<vmem>>
    %dma_wait3A_174 = tpu.memref_squeeze %dma_wait3A_173 : memref<1x8x768xf32, #tpu.memory_space<vmem>> -> memref<8x768xf32, #tpu.memory_space<vmem>>
    tpu.wait_dma2 semaphore(%dma_wait3A_168 : memref<!tpu.dma_semaphore, #tpu.memory_space<semaphore_mem>>) src(%dma_wait3A_174 : memref<8x768xf32, #tpu.memory_space<vmem>>) dst(%dma_wait3A_170 : memref<8x768xf32, #tpu.memory_space<hbm>>)
    %rem3A_175 = arith.constant 26 : i32
    %rem3A_176 = arith.constant 8 : i32
    %rem3A_177 = arith.remsi %rem3A_175, %rem3A_176 : i32
    %mul3A_178 = arith.constant 26 : i32
    %mul3A_179 = arith.constant 8 : i32
    %mul3A_180 = arith.muli %mul3A_178, %mul3A_179 : i32
    %add3A_181 = arith.addi %mul3A_2, %mul3A_180 : i32
    %dma_wait3A_182 = arith.constant 0 : i32
    %dma_wait3A_183 = arith.constant 0 : i32
    %dma_wait3A_184 = tpu.memref_slice %arg10[%rem3A_177, %dma_wait3A_182, %dma_wait3A_183] : memref<8x8x768xf32, #tpu.memory_space<vmem>> -> memref<1x8x768xf32, #tpu.memory_space<vmem>>
    %dma_wait3A_185 = tpu.memref_squeeze %dma_wait3A_184 : memref<1x8x768xf32, #tpu.memory_space<vmem>> -> memref<8x768xf32, #tpu.memory_space<vmem>>
    %dma_wait3A_186 = arith.constant 0 : i32
    %dma_wait3A_187 = tpu.memref_slice %arg7[%add3A_181, %dma_wait3A_186] : memref<8192x768xf32, #tpu.memory_space<hbm>> -> memref<8x768xf32, #tpu.memory_space<hbm>>
    %dma_wait3A_188 = tpu.memref_slice %arg15[%rem3A_177] : memref<8x!tpu.dma_semaphore, #tpu.memory_space<semaphore_mem>> -> memref<1x!tpu.dma_semaphore, #tpu.memory_space<semaphore_mem>>
    %dma_wait3A_189 = tpu.memref_squeeze %dma_wait3A_188 : memref<1x!tpu.dma_semaphore, #tpu.memory_space<semaphore_mem>> -> memref<!tpu.dma_semaphore, #tpu.memory_space<semaphore_mem>>
    %dma_wait3A_190 = arith.constant 0 : i32
    %dma_wait3A_191 = tpu.memref_slice %arg7[%add3A_181, %dma_wait3A_190] : memref<8192x768xf32, #tpu.memory_space<hbm>> -> memref<8x768xf32, #tpu.memory_space<hbm>>
    %dma_wait3A_192 = arith.constant 0 : i32
    %dma_wait3A_193 = arith.constant 0 : i32
    %dma_wait3A_194 = tpu.memref_slice %arg10[%rem3A_177, %dma_wait3A_192, %dma_wait3A_193] : memref<8x8x768xf32, #tpu.memory_space<vmem>> -> memref<1x8x768xf32, #tpu.memory_space<vmem>>
    %dma_wait3A_195 = tpu.memref_squeeze %dma_wait3A_194 : memref<1x8x768xf32, #tpu.memory_space<vmem>> -> memref<8x768xf32, #tpu.memory_space<vmem>>
    tpu.wait_dma2 semaphore(%dma_wait3A_189 : memref<!tpu.dma_semaphore, #tpu.memory_space<semaphore_mem>>) src(%dma_wait3A_195 : memref<8x768xf32, #tpu.memory_space<vmem>>) dst(%dma_wait3A_191 : memref<8x768xf32, #tpu.memory_space<hbm>>)
    %rem3A_196 = arith.constant 27 : i32
    %rem3A_197 = arith.constant 8 : i32
    %rem3A_198 = arith.remsi %rem3A_196, %rem3A_197 : i32
    %mul3A_199 = arith.constant 27 : i32
    %mul3A_200 = arith.constant 8 : i32
    %mul3A_201 = arith.muli %mul3A_199, %mul3A_200 : i32
    %add3A_202 = arith.addi %mul3A_2, %mul3A_201 : i32
    %dma_wait3A_203 = arith.constant 0 : i32
    %dma_wait3A_204 = arith.constant 0 : i32
    %dma_wait3A_205 = tpu.memref_slice %arg10[%rem3A_198, %dma_wait3A_203, %dma_wait3A_204] : memref<8x8x768xf32, #tpu.memory_space<vmem>> -> memref<1x8x768xf32, #tpu.memory_space<vmem>>
    %dma_wait3A_206 = tpu.memref_squeeze %dma_wait3A_205 : memref<1x8x768xf32, #tpu.memory_space<vmem>> -> memref<8x768xf32, #tpu.memory_space<vmem>>
    %dma_wait3A_207 = arith.constant 0 : i32
    %dma_wait3A_208 = tpu.memref_slice %arg7[%add3A_202, %dma_wait3A_207] : memref<8192x768xf32, #tpu.memory_space<hbm>> -> memref<8x768xf32, #tpu.memory_space<hbm>>
    %dma_wait3A_209 = tpu.memref_slice %arg15[%rem3A_198] : memref<8x!tpu.dma_semaphore, #tpu.memory_space<semaphore_mem>> -> memref<1x!tpu.dma_semaphore, #tpu.memory_space<semaphore_mem>>
    %dma_wait3A_210 = tpu.memref_squeeze %dma_wait3A_209 : memref<1x!tpu.dma_semaphore, #tpu.memory_space<semaphore_mem>> -> memref<!tpu.dma_semaphore, #tpu.memory_space<semaphore_mem>>
    %dma_wait3A_211 = arith.constant 0 : i32
    %dma_wait3A_212 = tpu.memref_slice %arg7[%add3A_202, %dma_wait3A_211] : memref<8192x768xf32, #tpu.memory_space<hbm>> -> memref<8x768xf32, #tpu.memory_space<hbm>>
    %dma_wait3A_213 = arith.constant 0 : i32
    %dma_wait3A_214 = arith.constant 0 : i32
    %dma_wait3A_215 = tpu.memref_slice %arg10[%rem3A_198, %dma_wait3A_213, %dma_wait3A_214] : memref<8x8x768xf32, #tpu.memory_space<vmem>> -> memref<1x8x768xf32, #tpu.memory_space<vmem>>
    %dma_wait3A_216 = tpu.memref_squeeze %dma_wait3A_215 : memref<1x8x768xf32, #tpu.memory_space<vmem>> -> memref<8x768xf32, #tpu.memory_space<vmem>>
    tpu.wait_dma2 semaphore(%dma_wait3A_210 : memref<!tpu.dma_semaphore, #tpu.memory_space<semaphore_mem>>) src(%dma_wait3A_216 : memref<8x768xf32, #tpu.memory_space<vmem>>) dst(%dma_wait3A_212 : memref<8x768xf32, #tpu.memory_space<hbm>>)
    %rem3A_217 = arith.constant 28 : i32
    %rem3A_218 = arith.constant 8 : i32
    %rem3A_219 = arith.remsi %rem3A_217, %rem3A_218 : i32
    %mul3A_220 = arith.constant 28 : i32
    %mul3A_221 = arith.constant 8 : i32
    %mul3A_222 = arith.muli %mul3A_220, %mul3A_221 : i32
    %add3A_223 = arith.addi %mul3A_2, %mul3A_222 : i32
    %dma_wait3A_224 = arith.constant 0 : i32
    %dma_wait3A_225 = arith.constant 0 : i32
    %dma_wait3A_226 = tpu.memref_slice %arg10[%rem3A_219, %dma_wait3A_224, %dma_wait3A_225] : memref<8x8x768xf32, #tpu.memory_space<vmem>> -> memref<1x8x768xf32, #tpu.memory_space<vmem>>
    %dma_wait3A_227 = tpu.memref_squeeze %dma_wait3A_226 : memref<1x8x768xf32, #tpu.memory_space<vmem>> -> memref<8x768xf32, #tpu.memory_space<vmem>>
    %dma_wait3A_228 = arith.constant 0 : i32
    %dma_wait3A_229 = tpu.memref_slice %arg7[%add3A_223, %dma_wait3A_228] : memref<8192x768xf32, #tpu.memory_space<hbm>> -> memref<8x768xf32, #tpu.memory_space<hbm>>
    %dma_wait3A_230 = tpu.memref_slice %arg15[%rem3A_219] : memref<8x!tpu.dma_semaphore, #tpu.memory_space<semaphore_mem>> -> memref<1x!tpu.dma_semaphore, #tpu.memory_space<semaphore_mem>>
    %dma_wait3A_231 = tpu.memref_squeeze %dma_wait3A_230 : memref<1x!tpu.dma_semaphore, #tpu.memory_space<semaphore_mem>> -> memref<!tpu.dma_semaphore, #tpu.memory_space<semaphore_mem>>
    %dma_wait3A_232 = arith.constant 0 : i32
    %dma_wait3A_233 = tpu.memref_slice %arg7[%add3A_223, %dma_wait3A_232] : memref<8192x768xf32, #tpu.memory_space<hbm>> -> memref<8x768xf32, #tpu.memory_space<hbm>>
    %dma_wait3A_234 = arith.constant 0 : i32
    %dma_wait3A_235 = arith.constant 0 : i32
    %dma_wait3A_236 = tpu.memref_slice %arg10[%rem3A_219, %dma_wait3A_234, %dma_wait3A_235] : memref<8x8x768xf32, #tpu.memory_space<vmem>> -> memref<1x8x768xf32, #tpu.memory_space<vmem>>
    %dma_wait3A_237 = tpu.memref_squeeze %dma_wait3A_236 : memref<1x8x768xf32, #tpu.memory_space<vmem>> -> memref<8x768xf32, #tpu.memory_space<vmem>>
    tpu.wait_dma2 semaphore(%dma_wait3A_231 : memref<!tpu.dma_semaphore, #tpu.memory_space<semaphore_mem>>) src(%dma_wait3A_237 : memref<8x768xf32, #tpu.memory_space<vmem>>) dst(%dma_wait3A_233 : memref<8x768xf32, #tpu.memory_space<hbm>>)
    %rem3A_238 = arith.constant 29 : i32
    %rem3A_239 = arith.constant 8 : i32
    %rem3A_240 = arith.remsi %rem3A_238, %rem3A_239 : i32
    %mul3A_241 = arith.constant 29 : i32
    %mul3A_242 = arith.constant 8 : i32
    %mul3A_243 = arith.muli %mul3A_241, %mul3A_242 : i32
    %add3A_244 = arith.addi %mul3A_2, %mul3A_243 : i32
    %dma_wait3A_245 = arith.constant 0 : i32
    %dma_wait3A_246 = arith.constant 0 : i32
    %dma_wait3A_247 = tpu.memref_slice %arg10[%rem3A_240, %dma_wait3A_245, %dma_wait3A_246] : memref<8x8x768xf32, #tpu.memory_space<vmem>> -> memref<1x8x768xf32, #tpu.memory_space<vmem>>
    %dma_wait3A_248 = tpu.memref_squeeze %dma_wait3A_247 : memref<1x8x768xf32, #tpu.memory_space<vmem>> -> memref<8x768xf32, #tpu.memory_space<vmem>>
    %dma_wait3A_249 = arith.constant 0 : i32
    %dma_wait3A_250 = tpu.memref_slice %arg7[%add3A_244, %dma_wait3A_249] : memref<8192x768xf32, #tpu.memory_space<hbm>> -> memref<8x768xf32, #tpu.memory_space<hbm>>
    %dma_wait3A_251 = tpu.memref_slice %arg15[%rem3A_240] : memref<8x!tpu.dma_semaphore, #tpu.memory_space<semaphore_mem>> -> memref<1x!tpu.dma_semaphore, #tpu.memory_space<semaphore_mem>>
    %dma_wait3A_252 = tpu.memref_squeeze %dma_wait3A_251 : memref<1x!tpu.dma_semaphore, #tpu.memory_space<semaphore_mem>> -> memref<!tpu.dma_semaphore, #tpu.memory_space<semaphore_mem>>
    %dma_wait3A_253 = arith.constant 0 : i32
    %dma_wait3A_254 = tpu.memref_slice %arg7[%add3A_244, %dma_wait3A_253] : memref<8192x768xf32, #tpu.memory_space<hbm>> -> memref<8x768xf32, #tpu.memory_space<hbm>>
    %dma_wait3A_255 = arith.constant 0 : i32
    %dma_wait3A_256 = arith.constant 0 : i32
    %dma_wait3A_257 = tpu.memref_slice %arg10[%rem3A_240, %dma_wait3A_255, %dma_wait3A_256] : memref<8x8x768xf32, #tpu.memory_space<vmem>> -> memref<1x8x768xf32, #tpu.memory_space<vmem>>
    %dma_wait3A_258 = tpu.memref_squeeze %dma_wait3A_257 : memref<1x8x768xf32, #tpu.memory_space<vmem>> -> memref<8x768xf32, #tpu.memory_space<vmem>>
    tpu.wait_dma2 semaphore(%dma_wait3A_252 : memref<!tpu.dma_semaphore, #tpu.memory_space<semaphore_mem>>) src(%dma_wait3A_258 : memref<8x768xf32, #tpu.memory_space<vmem>>) dst(%dma_wait3A_254 : memref<8x768xf32, #tpu.memory_space<hbm>>)
    %rem3A_259 = arith.constant 30 : i32
    %rem3A_260 = arith.constant 8 : i32
    %rem3A_261 = arith.remsi %rem3A_259, %rem3A_260 : i32
    %mul3A_262 = arith.constant 30 : i32
    %mul3A_263 = arith.constant 8 : i32
    %mul3A_264 = arith.muli %mul3A_262, %mul3A_263 : i32
    %add3A_265 = arith.addi %mul3A_2, %mul3A_264 : i32
    %dma_wait3A_266 = arith.constant 0 : i32
    %dma_wait3A_267 = arith.constant 0 : i32
    %dma_wait3A_268 = tpu.memref_slice %arg10[%rem3A_261, %dma_wait3A_266, %dma_wait3A_267] : memref<8x8x768xf32, #tpu.memory_space<vmem>> -> memref<1x8x768xf32, #tpu.memory_space<vmem>>
    %dma_wait3A_269 = tpu.memref_squeeze %dma_wait3A_268 : memref<1x8x768xf32, #tpu.memory_space<vmem>> -> memref<8x768xf32, #tpu.memory_space<vmem>>
    %dma_wait3A_270 = arith.constant 0 : i32
    %dma_wait3A_271 = tpu.memref_slice %arg7[%add3A_265, %dma_wait3A_270] : memref<8192x768xf32, #tpu.memory_space<hbm>> -> memref<8x768xf32, #tpu.memory_space<hbm>>
    %dma_wait3A_272 = tpu.memref_slice %arg15[%rem3A_261] : memref<8x!tpu.dma_semaphore, #tpu.memory_space<semaphore_mem>> -> memref<1x!tpu.dma_semaphore, #tpu.memory_space<semaphore_mem>>
    %dma_wait3A_273 = tpu.memref_squeeze %dma_wait3A_272 : memref<1x!tpu.dma_semaphore, #tpu.memory_space<semaphore_mem>> -> memref<!tpu.dma_semaphore, #tpu.memory_space<semaphore_mem>>
    %dma_wait3A_274 = arith.constant 0 : i32
    %dma_wait3A_275 = tpu.memref_slice %arg7[%add3A_265, %dma_wait3A_274] : memref<8192x768xf32, #tpu.memory_space<hbm>> -> memref<8x768xf32, #tpu.memory_space<hbm>>
    %dma_wait3A_276 = arith.constant 0 : i32
    %dma_wait3A_277 = arith.constant 0 : i32
    %dma_wait3A_278 = tpu.memref_slice %arg10[%rem3A_261, %dma_wait3A_276, %dma_wait3A_277] : memref<8x8x768xf32, #tpu.memory_space<vmem>> -> memref<1x8x768xf32, #tpu.memory_space<vmem>>
    %dma_wait3A_279 = tpu.memref_squeeze %dma_wait3A_278 : memref<1x8x768xf32, #tpu.memory_space<vmem>> -> memref<8x768xf32, #tpu.memory_space<vmem>>
    tpu.wait_dma2 semaphore(%dma_wait3A_273 : memref<!tpu.dma_semaphore, #tpu.memory_space<semaphore_mem>>) src(%dma_wait3A_279 : memref<8x768xf32, #tpu.memory_space<vmem>>) dst(%dma_wait3A_275 : memref<8x768xf32, #tpu.memory_space<hbm>>)
    %rem3A_280 = arith.constant 31 : i32
    %rem3A_281 = arith.constant 8 : i32
    %rem3A_282 = arith.remsi %rem3A_280, %rem3A_281 : i32
    %mul3A_283 = arith.constant 31 : i32
    %mul3A_284 = arith.constant 8 : i32
    %mul3A_285 = arith.muli %mul3A_283, %mul3A_284 : i32
    %add3A_286 = arith.addi %mul3A_2, %mul3A_285 : i32
    %dma_wait3A_287 = arith.constant 0 : i32
    %dma_wait3A_288 = arith.constant 0 : i32
    %dma_wait3A_289 = tpu.memref_slice %arg10[%rem3A_282, %dma_wait3A_287, %dma_wait3A_288] : memref<8x8x768xf32, #tpu.memory_space<vmem>> -> memref<1x8x768xf32, #tpu.memory_space<vmem>>
    %dma_wait3A_290 = tpu.memref_squeeze %dma_wait3A_289 : memref<1x8x768xf32, #tpu.memory_space<vmem>> -> memref<8x768xf32, #tpu.memory_space<vmem>>
    %dma_wait3A_291 = arith.constant 0 : i32
    %dma_wait3A_292 = tpu.memref_slice %arg7[%add3A_286, %dma_wait3A_291] : memref<8192x768xf32, #tpu.memory_space<hbm>> -> memref<8x768xf32, #tpu.memory_space<hbm>>
    %dma_wait3A_293 = tpu.memref_slice %arg15[%rem3A_282] : memref<8x!tpu.dma_semaphore, #tpu.memory_space<semaphore_mem>> -> memref<1x!tpu.dma_semaphore, #tpu.memory_space<semaphore_mem>>
    %dma_wait3A_294 = tpu.memref_squeeze %dma_wait3A_293 : memref<1x!tpu.dma_semaphore, #tpu.memory_space<semaphore_mem>> -> memref<!tpu.dma_semaphore, #tpu.memory_space<semaphore_mem>>
    %dma_wait3A_295 = arith.constant 0 : i32
    %dma_wait3A_296 = tpu.memref_slice %arg7[%add3A_286, %dma_wait3A_295] : memref<8192x768xf32, #tpu.memory_space<hbm>> -> memref<8x768xf32, #tpu.memory_space<hbm>>
    %dma_wait3A_297 = arith.constant 0 : i32
    %dma_wait3A_298 = arith.constant 0 : i32
    %dma_wait3A_299 = tpu.memref_slice %arg10[%rem3A_282, %dma_wait3A_297, %dma_wait3A_298] : memref<8x8x768xf32, #tpu.memory_space<vmem>> -> memref<1x8x768xf32, #tpu.memory_space<vmem>>
    %dma_wait3A_300 = tpu.memref_squeeze %dma_wait3A_299 : memref<1x8x768xf32, #tpu.memory_space<vmem>> -> memref<8x768xf32, #tpu.memory_space<vmem>>
    tpu.wait_dma2 semaphore(%dma_wait3A_294 : memref<!tpu.dma_semaphore, #tpu.memory_space<semaphore_mem>>) src(%dma_wait3A_300 : memref<8x768xf32, #tpu.memory_space<vmem>>) dst(%dma_wait3A_296 : memref<8x768xf32, #tpu.memory_space<hbm>>)
    return
  }
}

</mosaic_0001>

<sc_bundles>
// kernel: kernel.3.cloned.1.call-start
scs
__scs_entry_jumppad:
0x0: {  	(pc) =	sbr.rel $0x88, $3  }
0x1: {  	(tag) =	ssettag $0x0;
	lr =	simm.s32 $0x1  }
0x2: {  	[smem:$0x3F9C] =	sst lr;
	_ =	strace $0xD0000000  }
0x3: {  	_ = 	snop  }
0x4: {  	_ = 	snop  }
0x5: {  	_ = 	snop  }
0x6: {  	_ = 	snop  }
0x7: {  	_ = 	snop  }
__scs_overlays_trampoline_lowered:
0x8: {  	[smem:$0x3FAB] =	sst s0  }
0x9: {  	[smem:$0x3FAC] =	sst s1  }
0xa: {  	[smem:$0x3FAD] =	sst s2  }
0xb: {  	[smem:$0x3FAE] =	sst s3  }
0xc: {  	[smem:$0x3FAF] =	sst s4  }
0xd: {  	[smem:$0x3FB0] =	sst s5  }
0xe: {  	[smem:$0x3FB1] =	sst s6  }
0xf: {  	[smem:$0x3FB2] =	sst s7  }
0x10: {  	[smem:$0x3FB3] =	sst s8  }
0x11: {  	[smem:$0x3FB4] =	sst s9;
	s0 =	simm.s32 @!p0 $0x0  }
0x12: {  	s1 =	sld [smem:$0x3F9A];
	s0 =	simm.s32 @p0 $0x1  }
0x13: {  	[smem:$0x3FB5] =	sst s0;
	s0 =	simm.s32 @!p1 $0x0  }
0x14: {  	s2 =	sld [smem:$0x3F99];
	s0 =	simm.s32 @p1 $0x1  }
0x15: {  	[smem:$0x3FB6] =	sst s0;
	s0 =	simm.s32 @!p2 $0x0  }
0x16: {  	s3 =	sld [smem:$0x3FDB];
	s0 =	simm.s32 @p2 $0x1  }
0x17: {  	s4 =	simm.s32 $0x1BF5;
	[smem:$0x3FB8] =	sst s0  }
0x18: {  	s0 =	sld [smem:$0x3F9B];
	_ =	swait.ge [sflag:s4], $0x0  }
0x19: {  	s7 =	sld [smem:$0x3F9C]  }
0x1a: {  	s8 =	sadd.s32 $0xFFFFE003, lr  }
0x1b: {  	s9 =	sadd.s32 $0xFFFFFEF7, lr;
	s5 =	simm.s32 $0xFFFFFFFF;
	p2 =	slt.u32 s8, $0xFFFFF086  }
0x1c: {  	p1 =	slt.u32 s9, $0xF7A;
	s5 =	simm.s32 @!p2 $0x0  }
0x1d: {  	s5 =	simm.s32 @p1 $0x1;
	p0 =	seq.s32 s7, s2  }
0x1e: {  	s7 =	smul.u32 @!p0 $0xF7A, s2;
	p2 =	seq.s32 @!p0 s5, $0x0  }
0x1f: {  	s9 =	smul.u32 $0xF7A, s1;
	s8 =	simm.s32 @!p0 $0x1BF5;
	p2 =	por !p2, p0  }
0x20: {  	[sflag:s8] =	ssyncset.s32 @!p0 $0xFFFFF086;
	s6 =	sadd.s32 @!p0 s3, s7;
	s7 =	simm.s32 @!p0 $0x108  }
0x21: {  	s3 =	sadd.s32 s3, s9;
	s6 =	sadd.s32 @!p0 $0x88, s6;
	s7 =	simm.s32 @p2 $0x1082  }
0x22: {  	[simem:s7], [sflag:s8] =	dma.local @!p0 [hbm:s6], $0xF7A  }
0x23: {  	s9 =	sor.u32 $0xD0000000, s2;
	s6 =	simm.s32 $0x108;
	_ =	swait.ge @!p0 [sflag:s8], $0x0  }
0x24: {  	s3 =	sadd.s32 $0x88, s3;
	s6 =	simm.s32 @!p1 $0x1082;
	[sflag:s4] =	ssyncset.s32 $0xFFFFF086  }
0x25: {  	[simem:s6], [sflag:s4] =	dma.local [hbm:s3], $0xF7A  }
0x26: {  	[smem:$0x3F9C] =	sst s1;
	(tag) =	ssettag s2;
	_ =	strace s9  }
0x27: {  	s1 =	sld [smem:$0x3FAC]  }
0x28: {  	s2 =	sld [smem:$0x3FAD]  }
0x29: {  	s4 =	sld [smem:$0x3FAF]  }
0x2a: {  	p0 =	seq.s32 s5, $0x0;
	s5 =	sld [smem:$0x3FB0]  }
0x2b: {  	s6 =	sld [smem:$0x3FB1]  }
0x2c: {  	s7 =	sld [smem:$0x3FB2]  }
0x2d: {  	s3 =	simm.s32 $0x108;
	s8 =	sld [smem:$0x3FB3]  }
0x2e: {  	s3 =	simm.s32 @!p0 $0x1082;
	s9 =	sld [smem:$0x3FB4]  }
0x2f: {  	lr =	sadd.s32 s0, s3;
	s0 =	sld [smem:$0x3FAB]  }
0x30: {  	s3 =	sld [smem:$0x3FAE]  }
0x31: {  	[smem:$0x3FB7] =	sst s10  }
0x32: {  	s10 =	sld [smem:$0x3FB5];
	_ =	sdelay $0x3  }
0x33: {  	p0 =	seq.s32 s10, $0x1;
	s10 =	sld [smem:$0x3FB7];
	_ =	sdelay $0x3  }
0x34: {  	[smem:$0x3FB7] =	sst s10  }
0x35: {  	s10 =	sld [smem:$0x3FB6];
	_ =	sdelay $0x3  }
0x36: {  	p1 =	seq.s32 s10, $0x1;
	s10 =	sld [smem:$0x3FB7];
	_ =	sdelay $0x3  }
0x37: {  	[smem:$0x3FB7] =	sst s10  }
0x38: {  	s10 =	sld [smem:$0x3FB8]  }
0x39: {  	_ = 	snop;
	(pc) =	sbr.ind lr, $3  }
0x3a: {  	_ = 	snop  }
0x3b: {  	_ = 	snop  }
0x3c: {  	p2 =	seq.s32 s10, $0x1;
	s10 =	sld [smem:$0x3FB7]  }
0x3d: {  	_ =	shalt  }
0x3e: {  	_ =	shalt  }
0x3f: {  	_ =	shalt  }
0x40: {  	_ =	shalt  }
0x41: {  	_ =	shalt  }
0x42: {  	_ =	shalt  }
0x43: {  	_ =	shalt  }
0x44: {  	_ =	shalt  }
0x45: {  	_ =	shalt  }
0x46: {  	_ =	shalt  }
0x47: {  	_ =	shalt  }
0x48: {  	_ =	shalt  }
0x49: {  	_ =	shalt  }
0x4a: {  	_ =	shalt  }
0x4b: {  	_ =	shalt  }
0x4c: {  	_ =	shalt  }
0x4d: {  	_ =	shalt  }
0x4e: {  	_ =	shalt  }
0x4f: {  	_ =	shalt  }
0x50: {  	_ =	shalt  }
0x51: {  	_ =	shalt  }
0x52: {  	_ =	shalt  }
0x53: {  	_ =	shalt  }
0x54: {  	_ =	shalt  }
0x55: {  	_ =	shalt  }
0x56: {  	_ =	shalt  }
0x57: {  	_ =	shalt  }
0x58: {  	_ =	shalt  }
0x59: {  	_ =	shalt  }
0x5a: {  	_ =	shalt  }
0x5b: {  	_ =	shalt  }
0x5c: {  	_ =	shalt  }
0x5d: {  	_ =	shalt  }
0x5e: {  	_ =	shalt  }
0x5f: {  	_ =	shalt  }
0x60: {  	_ =	shalt  }
0x61: {  	_ =	shalt  }
0x62: {  	_ =	shalt  }
0x63: {  	_ =	shalt  }
0x64: {  	_ =	shalt  }
0x65: {  	_ =	shalt  }
0x66: {  	_ =	shalt  }
0x67: {  	_ =	shalt  }
0x68: {  	_ =	shalt  }
0x69: {  	_ =	shalt  }
0x6a: {  	_ =	shalt  }
0x6b: {  	_ =	shalt  }
0x6c: {  	_ =	shalt  }
0x6d: {  	_ =	shalt  }
0x6e: {  	_ =	shalt  }
0x6f: {  	_ =	shalt  }
0x70: {  	_ =	shalt  }
0x71: {  	_ =	shalt  }
0x72: {  	_ =	shalt  }
0x73: {  	_ =	shalt  }
0x74: {  	_ =	shalt  }
0x75: {  	_ =	shalt  }
0x76: {  	_ =	shalt  }
0x77: {  	_ =	shalt  }
0x78: {  	_ =	shalt  }
0x79: {  	_ =	shalt  }
0x7a: {  	_ =	shalt  }
0x7b: {  	_ =	shalt  }
0x7c: {  	_ =	shalt  }
0x7d: {  	_ =	shalt  }
0x7e: {  	_ =	shalt  }
0x7f: {  	_ =	shalt  }
0x80: {  	_ =	shalt  }
0x81: {  	_ =	shalt  }
0x82: {  	_ =	shalt  }
0x83: {  	_ =	shalt  }
0x84: {  	_ =	shalt  }
0x85: {  	_ =	shalt  }
0x86: {  	_ =	shalt  }
0x87: {  	_ =	shalt  }
.Lfunc_end0:
.L_simem_size_0:
called_computation_lowered:
.L_overlay_start_0:
0x88: {  	s2 =	sld [smem:$0x3FD9]  }
0x89: {  	s3 =	sld [smem:$0x3FFE];
	_ =	sdelay $0x1  }
0x8a: {  	s1 =	srdreg.scid  }
0x8b: {  	s0 =	sand.u32 $0x1, s1  }
0x8c: {  	s17 =	sshll.u32 s0, $0xA;
	s2 =	sadd.s32 s3, s2  }
0x8d: {  	s2 =	sadd.s32 s2, s17  }
0x8e: {  	[smem:$0x3FC3] =	sst s2  }
0x8f: {  	_ = 	snop  }
0x90: {  	s2 =	sld [smem:$0x3FC7]  }
0x91: {  	s18 =	sld [smem:$0x3FC6]  }
0x92: {  	s4 =	sld [smem:$0x3FC5]  }
0x93: {  	s5 =	sld [smem:$0x3FD0];
	(tm) =	ssettm $0x1  }
0x94: {  	s6 =	sld [smem:$0x3FFB];
	_ =	sdelay $0x3  }
0x95: {  	_ =	strace s6  }
0x96: {  	s6 =	sld [smem:$0x3FFC];
	_ =	sdelay $0x3  }
0x97: {  	_ =	strace s6  }
0x98: {  	s6 =	sld [smem:$0x3FFD];
	_ =	sdelay $0x3  }
0x99: {  	_ =	strace s6  }
0x9a: {  	_ =	strace $0x8FFFFFFF  }
0x9b: {  	s19 =	sld [smem:$0x3FDB];
	_ =	sdelay $0x1  }
0x9c: {  	s7 =	simm.s32 $_scs_section_size  }
0x9d: {  	s8 =	simm.s32 $_size__tile_overlayer_lowered;
	s9 =	simm.s32 $_tile_overlayer_lowered  }
0x9e: {  	s22 =	simm.s32 $0x1BFF;
	s21 =	sshll.u32 s9, $0x1;
	s6 =	sadd.s32 s7, s19  }
0x9f: {  	s10 =	simm.s32 $0x0;
	s20 =	sshll.u32 s8, $0x1;
	s8 =	sadd.s32 s21, s6  }
0xa0: {  	[timem:s10], [sflag:s22] =	dma.local [hbm:s8], s20  }
0xa1: {  	_ =	swait.ge [sflag:s22], s20  }
0xa2: {  	s7 =	ssub.s32 $0x0, s20;
	[sflag:s22] =	ssyncset.done $0x0  }
0xa3: {  	[sflag:s22] =	ssyncadd.s32 s7;
	_ =	sdelay $0x1  }
0xa4: {  	s23 =	simm.s32 $0x1B8B  }
0xa5: {  	_ =	swait.ge [sflag:s23], $0x1  }
0xa6: {  	[sflag:s23] =	ssyncset.done $0x0  }
0xa7: {  	s25 =	simm.s32 $0x1B8E;
	s24 =	sld [smem:$0x3FFE];
	[sflag:s23] =	ssyncadd.s32 $0xFFFFFFFF  }
0xa8: {  	s26 =	simm.s32 $execute0_lowered;
	[smem:$0x3FD2] =	sst s25  }
0xa9: {  	s8 =	sshll.u32 s26, $0x1;
	_ =	strace $0x80000046;
	[dreg:$0x1] =	wrdreg $0xFFFFFFFF  }
0xaa: {  	s28 =	simm.s32 $_size_execute0_lowered;
	s6 =	sadd.s32 s6, s8;
	[dreg:$0x0] =	wrdreg $0x0  }
0xab: {  	s8 =	sshll.u32 s28, $0x1;
	[dreg:$0x2] =	wrdreg s6  }
0xac: {  	[dreg:$0x3] =	wrdreg s8  }
0xad: {  	[dreg:$0x4] =	wrdreg $0xC0  }
0xae: {  	_ =	task [dreg:s10], $0x5FFFF  }
0xaf: {  	[dreg:$0x1] =	wrdreg $0xFFFFFFFF  }
0xb0: {  	[dreg:$0x0] =	wrdreg $0x60  }
0xb1: {  	[dreg:$0x2] =	wrdreg s24  }
0xb2: {  	[dreg:$0x3] =	wrdreg s2  }
0xb3: {  	[dreg:$0x4] =	wrdreg s18  }
0xb4: {  	[dreg:$0x5] =	wrdreg s4  }
0xb5: {  	[dreg:$0x6] =	wrdreg s5  }
0xb6: {  	[dreg:$0x7] =	wrdreg $0x9  }
0xb7: {  	_ =	task.clear_ibuf [dreg:s10], $0x8FFFF;
	_ =	strace $0x90000046  }
0xb8: {  	s29 =	simm.s32 $0x9;
	_ =	strace $0x80000048  }
0xb9: {  	_ =	swait.ge [sflag:s29], $0x1  }
0xba: {  	[sflag:s29] =	ssyncadd.s32 $0xFFFFFFFF  }
0xbb: {  	_ =	strace $0x90000048  }
0xbc: {  	_ =	sfence  }
0xbd: {  	s30 =	sld [smem:$0x0];
	_ =	sdelay $0x2  }
0xbe: {  	s31 =	sshll.u32 s1, $0xD;
	s1 =	sshrl.u32 s1, $0x2  }
0xbf: {  	s3 =	sand.u32 $0x4000, s31;
	s1 =	sadd.s32 s1, s30  }
0xc0: {  	s0 =	sor.u32 s3, s0;
	s1 =	sshll.u32 s1, $0x11  }
0xc1: {  	s0 =	sor.u32 s1, s0  }
0xc2: {  	s0 =	sadd.s32 $0x8F2B, s0  }
0xc3: {  	[sflag:s0] =	ssyncadd.remote.s32 $0x1  }
0xc4: {  	_ =	sfence.sel $0xFFFF  }
0xc5: {  	[dreg:$0x0] =	wrdreg $0xFFFFFFFF;
	(pc) =	sbr.abs _section_cstart, $3  }
0xc6: {  	[dreg:$0x1] =	wrdreg $0xFFFFFFFF  }
0xc7: {  	_ =	task.clear_ibuf [dreg:s10], $0x2FFFF;
	_ =	strace $0x9FFFFFFF  }
0xc8: {  	(tm) =	ssettm $0x7FFFFFFF  }
0xc9: {  	_ =	shalt  }
tec
execute0_lowered:
.L_overlay_start_1:
0x0: {  	(tag) =	ssettag $0x1  }
0x1: {  	s0 =	rddreg [dreg:$0x0]  }
0x2: {  	s1 =	rddreg [dreg:$0x1]  }
0x3: {  	s2 =	rddreg [dreg:$0x2];
	s3 =	srdreg.scid  }
0x4: {  	s4 =	stileid.u32;
	s5 =	rddreg [dreg:$0x4];
	s6 =	simm.s32 $0x0  }
0x5: {  	s16 =	simm.s32 $0x19;
	s3 =	sand.u32 $0x1, s3;
	s4 =	sshll.u32 s4, $0x1  }
0x6: {  	[smem:$0x7FF] =	sst s6;
	s9 =	sadd.s32 $0x100, s1;
	s4 =	sor.u32 s3, s4  }
0x7: {  	s10 =	sadd.s32 $0x200, s1;
	s11 =	sadd.s32 $0x100, s2;
	s7 =	sshll.u32 s4, $0x9  }
0x8: {  	v0 =	vlaneseq.u32;
	s12 =	sadd.s32 $0x200, s2;
	s3 =	ssub.s32 $0x2, s3;
	s0 =	sadd.s32 s7, s0  }
0x9: {  	v1 =	vshrl.u32 v0, $0x3;
	_ =	strace $0x80000047;
	s29 =	sshrl.u32 s3, $0x1;
	s30 =	sadd.s32 $0x400, s0  }
0xa: {  	v0 =	vand.u32 $0x7, v0;
	v63 =	vmul.u32 $0x8, v1;
	s3 =	ssub.s32 s3, s29;
	s0 =	sadd.s32 $0x4400, s0;
	[dreg:$0x6] =	wrdreg s30  }
0xb: {  	[tilespmem:$0x1FFE0] =	vst v0;
	s13 =	sshll.u32 s4, $0x5;
	s31 =	smax.u32 s3, $0x1;
	[dreg:$0x7] =	wrdreg s0  }
0xc: {  	vm0 =	vmmov $0xffff;
	[tilespmem:$0x1FFF0] =	vst v63;
	s3 =	simm.s32 $0x18;
	[dreg:$0x8] =	wrdreg s31;
	s0 =	simm.s32 $0x0  }
.LBB2_1:
0xd: {  	s4 =	rddreg [dreg:$0x3];
	s7 =	simm.s32 $0x1A000  }
0xe: {  	[tilespmem:s7], [sflag:$0x19] =	stream.linear.gather [hbm4b:s4+s6], $0x300, $0x38;
	[tilespmem:$0x1A300] =	vst v63  }
0xf: {  	_ =	swait.ge [sflag:s16], $0x300  }
0x10: {  	[sflag:s16] =	ssyncset.done $0x0  }
0x11: {  	s22 =	rddreg [dreg:$0x6];
	[sflag:s16] =	ssyncadd.s32 $0xFFFFFD00  }
0x12: {  	[tilespmem:s6], [sflag:$0x19] =	stream.linear.gather [hbm4b:s22+s6], $0x1000, $0x38;
	[tilespmem:$0x1A300] =	vst v63  }
0x13: {  	_ =	swait.ge [sflag:s16], $0x1000  }
0x14: {  	[sflag:s16] =	ssyncset.done $0x0  }
0x15: {  	s24 =	simm.s32 $0x1000;
	s23 =	rddreg [dreg:$0x7];
	[sflag:s16] =	ssyncadd.s32 $0xFFFFF000  }
0x16: {  	[tilespmem:s24], [sflag:$0x19] =	stream.linear.gather [hbm4b:s23+s6], $0x1000, $0x38;
	[tilespmem:$0x1A300] =	vst v63  }
0x17: {  	_ =	swait.ge [sflag:s16], $0x1000  }
0x18: {  	[sflag:s16] =	ssyncset.done $0x0  }
0x19: {  	[sflag:s16] =	ssyncadd.s32 $0xFFFFF000  }
0x1a: {  	v0 =	vld.msk [tilespmem:$0x0], $0xff;
	_ =	sdelay $0x3  }
0x1b: {  	v2 =	vld [tilespmem:$0x1FFE0]  }
0x1c: {  	v1 =	vshrl.u32 v0, $0x3  }
0x1d: {  	v3 =	vld [tilespmem:$0x1FFF0];
	v1 =	vmul.u32 $0x30, v1  }
0x1e: {  	v0 =	vand.u32 $0x7, v0  }
0x1f: {  	v0 =	vor.u32 v0, v1  }
0x20: {  	v0 =	vperm.xlane v0, v2;
	_ =	sdelay $0x1  }
0x21: {  	v0 =	vadd.s32 v3, v0;
	_ =	sdelay $0x3  }
0x22: {  	s25 =	simm.s32 $0x2000  }
0x23: {  	[tilespmem:s25], [sflag:$0x1] =	stream.indirect_vreg.gather [hbm4b:s1+s6], $0x80, v0, vm0, $0xb8;
	[tilespmem:$0x1A300] =	vst v63  }
0x24: {  	s26 =	simm.s32 $0x2800  }
0x25: {  	[tilespmem:s26], [sflag:$0x1] =	stream.indirect_vreg.gather [hbm4b:s9+s6], $0x80, v0, vm0, $0xb8;
	[tilespmem:$0x1A300] =	vst v63  }
0x26: {  	s28 =	simm.s32 $0x3000  }
0x27: {  	[tilespmem:s28], [sflag:$0x1] =	stream.indirect_vreg.gather [hbm4b:s10+s6], $0x80, v0, vm0, $0xb8;
	[tilespmem:$0x1A300] =	vst v63  }
0x28: {  	v0 =	vld.msk [tilespmem:$0x1000], $0xff;
	_ =	sdelay $0x4  }
0x29: {  	v57 =	vshrl.u32 v0, $0x3  }
0x2a: {  	v1 =	vmul.u32 $0x30, v57  }
0x2b: {  	v0 =	vand.u32 $0x7, v0  }
0x2c: {  	v0 =	vor.u32 v0, v1  }
0x2d: {  	v0 =	vperm.xlane v0, v2;
	_ =	sdelay $0x1  }
0x2e: {  	v0 =	vadd.s32 v3, v0;
	_ =	sdelay $0x3  }
0x2f: {  	s29 =	simm.s32 $0xE000  }
0x30: {  	[tilespmem:s29], [sflag:$0x9] =	stream.indirect_vreg.gather [hbm4b:s2+s6], $0x80, v0, vm0, $0xb8;
	[tilespmem:$0x1A300] =	vst v63  }
0x31: {  	s30 =	simm.s32 $0xE800  }
0x32: {  	[tilespmem:s30], [sflag:$0x9] =	stream.indirect_vreg.gather [hbm4b:s11+s6], $0x80, v0, vm0, $0xb8;
	[tilespmem:$0x1A300] =	vst v63  }
0x33: {  	s31 =	simm.s32 $0xF000  }
0x34: {  	[tilespmem:s31], [sflag:$0x9] =	stream.indirect_vreg.gather [hbm4b:s12+s6], $0x80, v0, vm0, $0xb8;
	[tilespmem:$0x1A300] =	vst v63  }
0x35: {  	v0 =	vld.msk [tilespmem:$0x80], $0xff;
	_ =	sdelay $0x4  }
0x36: {  	v58 =	vshrl.u32 v0, $0x3  }
0x37: {  	v1 =	vmul.u32 $0x30, v58  }
0x38: {  	v0 =	vand.u32 $0x7, v0  }
0x39: {  	v0 =	vor.u32 v0, v1  }
0x3a: {  	v0 =	vperm.xlane v0, v2;
	_ =	sdelay $0x1  }
0x3b: {  	v0 =	vadd.s32 v3, v0;
	_ =	sdelay $0x3  }
0x3c: {  	s7 =	simm.s32 $0x3800  }
0x3d: {  	[tilespmem:s7], [sflag:$0x2] =	stream.indirect_vreg.gather [hbm4b:s1+s6], $0x80, v0, vm0, $0xb8;
	[tilespmem:$0x1A300] =	vst v63  }
0x3e: {  	s8 =	simm.s32 $0x4000  }
0x3f: {  	[tilespmem:s8], [sflag:$0x2] =	stream.indirect_vreg.gather [hbm4b:s9+s6], $0x80, v0, vm0, $0xb8;
	[tilespmem:$0x1A300] =	vst v63  }
0x40: {  	s14 =	simm.s32 $0x4800  }
0x41: {  	[tilespmem:s14], [sflag:$0x2] =	stream.indirect_vreg.gather [hbm4b:s10+s6], $0x80, v0, vm0, $0xb8;
	[tilespmem:$0x1A300] =	vst v63  }
0x42: {  	v0 =	vld.msk [tilespmem:$0x1080], $0xff;
	_ =	sdelay $0x4  }
0x43: {  	v59 =	vshrl.u32 v0, $0x3  }
0x44: {  	v1 =	vmul.u32 $0x30, v59  }
0x45: {  	v0 =	vand.u32 $0x7, v0  }
0x46: {  	v0 =	vor.u32 v0, v1  }
0x47: {  	v0 =	vperm.xlane v0, v2;
	_ =	sdelay $0x1  }
0x48: {  	v0 =	vadd.s32 v3, v0;
	_ =	sdelay $0x3  }
0x49: {  	s15 =	simm.s32 $0xF800  }
0x4a: {  	[tilespmem:s15], [sflag:$0xA] =	stream.indirect_vreg.gather [hbm4b:s2+s6], $0x80, v0, vm0, $0xb8;
	[tilespmem:$0x1A300] =	vst v63  }
0x4b: {  	s17 =	simm.s32 $0x10000  }
0x4c: {  	[tilespmem:s17], [sflag:$0xA] =	stream.indirect_vreg.gather [hbm4b:s11+s6], $0x80, v0, vm0, $0xb8;
	[tilespmem:$0x1A300] =	vst v63  }
0x4d: {  	s18 =	simm.s32 $0x10800  }
0x4e: {  	[tilespmem:s18], [sflag:$0xA] =	stream.indirect_vreg.gather [hbm4b:s12+s6], $0x80, v0, vm0, $0xb8;
	[tilespmem:$0x1A300] =	vst v63  }
0x4f: {  	v0 =	vld.msk [tilespmem:$0x100], $0xff;
	_ =	sdelay $0x4  }
0x50: {  	v60 =	vshrl.u32 v0, $0x3  }
0x51: {  	v1 =	vmul.u32 $0x30, v60  }
0x52: {  	v0 =	vand.u32 $0x7, v0  }
0x53: {  	v0 =	vor.u32 v0, v1  }
0x54: {  	v0 =	vperm.xlane v0, v2;
	_ =	sdelay $0x1  }
0x55: {  	v0 =	vadd.s32 v3, v0;
	_ =	sdelay $0x3  }
0x56: {  	s19 =	simm.s32 $0x5000  }
0x57: {  	[tilespmem:s19], [sflag:$0x3] =	stream.indirect_vreg.gather [hbm4b:s1+s6], $0x80, v0, vm0, $0xb8;
	[tilespmem:$0x1A300] =	vst v63  }
0x58: {  	s20 =	simm.s32 $0x5800  }
0x59: {  	[tilespmem:s20], [sflag:$0x3] =	stream.indirect_vreg.gather [hbm4b:s9+s6], $0x80, v0, vm0, $0xb8;
	[tilespmem:$0x1A300] =	vst v63  }
0x5a: {  	s21 =	simm.s32 $0x6000  }
0x5b: {  	[tilespmem:s21], [sflag:$0x3] =	stream.indirect_vreg.gather [hbm4b:s10+s6], $0x80, v0, vm0, $0xb8;
	[tilespmem:$0x1A300] =	vst v63  }
0x5c: {  	v0 =	vld.msk [tilespmem:$0x1100], $0xff;
	_ =	sdelay $0x4  }
0x5d: {  	v61 =	vshrl.u32 v0, $0x3  }
0x5e: {  	v1 =	vmul.u32 $0x30, v61  }
0x5f: {  	v0 =	vand.u32 $0x7, v0  }
0x60: {  	v0 =	vor.u32 v0, v1  }
0x61: {  	v0 =	vperm.xlane v0, v2;
	_ =	sdelay $0x1  }
0x62: {  	v0 =	vadd.s32 v3, v0;
	_ =	sdelay $0x3  }
0x63: {  	s22 =	simm.s32 $0x11000  }
0x64: {  	[tilespmem:s22], [sflag:$0xB] =	stream.indirect_vreg.gather [hbm4b:s2+s6], $0x80, v0, vm0, $0xb8;
	[tilespmem:$0x1A300] =	vst v63  }
0x65: {  	s23 =	simm.s32 $0x11800  }
0x66: {  	[tilespmem:s23], [sflag:$0xB] =	stream.indirect_vreg.gather [hbm4b:s11+s6], $0x80, v0, vm0, $0xb8;
	[tilespmem:$0x1A300] =	vst v63  }
0x67: {  	s24 =	simm.s32 $0x12000  }
0x68: {  	[tilespmem:s24], [sflag:$0xB] =	stream.indirect_vreg.gather [hbm4b:s12+s6], $0x80, v0, vm0, $0xb8;
	[tilespmem:$0x1A300] =	vst v63  }
0x69: {  	v0 =	vld.msk [tilespmem:$0x180], $0xff;
	_ =	sdelay $0x4  }
0x6a: {  	v62 =	vshrl.u32 v0, $0x3  }
0x6b: {  	v1 =	vmul.u32 $0x30, v62  }
0x6c: {  	v0 =	vand.u32 $0x7, v0  }
0x6d: {  	v0 =	vor.u32 v0, v1  }
0x6e: {  	v0 =	vperm.xlane v0, v2;
	_ =	sdelay $0x1  }
0x6f: {  	v0 =	vadd.s32 v3, v0;
	_ =	sdelay $0x3  }
0x70: {  	s25 =	simm.s32 $0x6800  }
0x71: {  	[tilespmem:s25], [sflag:$0x4] =	stream.indirect_vreg.gather [hbm4b:s1+s6], $0x80, v0, vm0, $0xb8;
	[tilespmem:$0x1A300] =	vst v63  }
0x72: {  	s26 =	simm.s32 $0x7000  }
0x73: {  	[tilespmem:s26], [sflag:$0x4] =	stream.indirect_vreg.gather [hbm4b:s9+s6], $0x80, v0, vm0, $0xb8;
	[tilespmem:$0x1A300] =	vst v63  }
0x74: {  	s28 =	simm.s32 $0x7800  }
0x75: {  	[tilespmem:s28], [sflag:$0x4] =	stream.indirect_vreg.gather [hbm4b:s10+s6], $0x80, v0, vm0, $0xb8;
	[tilespmem:$0x1A300] =	vst v63  }
0x76: {  	v0 =	vld.msk [tilespmem:$0x1180], $0xff;
	_ =	sdelay $0x4  }
0x77: {  	v63 =	vshrl.u32 v0, $0x3  }
0x78: {  	v1 =	vmul.u32 $0x30, v63  }
0x79: {  	v0 =	vand.u32 $0x7, v0  }
0x7a: {  	v0 =	vor.u32 v0, v1  }
0x7b: {  	v0 =	vperm.xlane v0, v2;
	_ =	sdelay $0x1  }
0x7c: {  	v0 =	vadd.s32 v3, v0;
	_ =	sdelay $0x3  }
0x7d: {  	s29 =	simm.s32 $0x12800  }
0x7e: {  	[tilespmem:s29], [sflag:$0xC] =	stream.indirect_vreg.gather [hbm4b:s2+s6], $0x80, v0, vm0, $0xb8;
	[tilespmem:$0x1A300] =	vst v63  }
0x7f: {  	s30 =	simm.s32 $0x13000  }
0x80: {  	[tilespmem:s30], [sflag:$0xC] =	stream.indirect_vreg.gather [hbm4b:s11+s6], $0x80, v0, vm0, $0xb8;
	[tilespmem:$0x1A300] =	vst v63  }
0x81: {  	s4 =	simm.s32 $0x0;
	s31 =	simm.s32 $0x13800  }
0x82: {  	[tilespmem:s31], [sflag:$0xC] =	stream.indirect_vreg.gather [hbm4b:s12+s6], $0x80, v0, vm0, $0xb8;
	[tilespmem:$0x1A300] =	vst v63  }
.LBB2_2:
0x83: {  	p0 =	sgt.u32 s4, $0x1B  }
0x84: {  	p1 =	slt.u32 @!p0 s4, $0x4  }
0x85: {  	p1 =	por p1, p0  }
0x86: {  	s7 =	sand.u32 @!p1 $0x7, s4  }
0x87: {  	s7 =	sxor.u32 @!p1 $0x4, s7  }
0x88: {  	s7 =	sadd.s32 @!p1 $0x11, s7  }
0x89: {  	_ =	swait.ge @!p1 [sflag:s7], $0x1800  }
0x8a: {  	s8 =	sadd.s32 $0x4, s4;
	[sflag:s7] =	ssyncset.done @!p1 $0x0  }
0x8b: {  	[sflag:s7] =	ssyncadd.s32 @!p1 $0xFFFFE800;
	s7 =	sshll.u32 @!p0 s8, $0x7  }
0x8c: {  	v0 =	vld.msk @!p0 [tilespmem:s7+$0x0], $0xff;
	_ =	sdelay $0x4  }
0x8d: {  	v1 =	vshrl.u32 @!p0 v0, $0x3  }
0x8e: {  	v1 =	vmul.u32 @!p0 $0x30, v1  }
0x8f: {  	v2 =	vlaneseq.u32 @!p0;
	v0 =	vand.u32 @!p0 $0x7, v0  }
0x90: {  	v0 =	vor.u32 @!p0 v0, v1;
	v1 =	vand.u32 @!p0 $0x7, v2;
	v2 =	vshrl.u32 @!p0 v2, $0x3  }
0x91: {  	v0 =	vperm.xlane @!p0 v0, v1;
	v2 =	vmul.u32 @!p0 $0x8, v2;
	_ =	sdelay $0x1  }
0x92: {  	v0 =	vadd.s32 @!p0 v2, v0  }
0x93: {  	s8 =	sand.u32 @!p0 $0x7, s8  }
0x94: {  	s14 =	smul.u32 @!p0 $0x1800, s8;
	_ =	sdelay $0x1  }
0x95: {  	vm1 =	vmmov @!p0 $0xffff;
	s18 =	simm.s32 @!p0 $0x0;
	s17 =	sadd.s32 @!p0 $0x1, s8;
	s15 =	sadd.s32 @!p0 $0x2000, s14  }
0x96: {  	[tilespmem:s15], [sflag:s17] =	stream.indirect_vreg.gather @!p0 [hbm4b:s1+s18], $0x80, v0, vm1, $0xb8;
	[tilespmem:$0x1A300] =	vst v63  }
0x97: {  	s15 =	sadd.s32 @!p0 $0x2800, s14  }
0x98: {  	[tilespmem:s15], [sflag:s17] =	stream.indirect_vreg.gather @!p0 [hbm4b:s9+s18], $0x80, v0, vm1, $0xb8;
	[tilespmem:$0x1A300] =	vst v63  }
0x99: {  	s15 =	sadd.s32 @!p0 $0x3000, s14  }
0x9a: {  	[tilespmem:s15], [sflag:s17] =	stream.indirect_vreg.gather @!p0 [hbm4b:s10+s18], $0x80, v0, vm1, $0xb8;
	[tilespmem:$0x1A300] =	vst v63  }
0x9b: {  	v0 =	vld.msk @!p0 [tilespmem:s7+$0x1000], $0xff;
	_ =	sdelay $0x4  }
0x9c: {  	v3 =	vshrl.u32 @!p0 v0, $0x3  }
0x9d: {  	v3 =	vmul.u32 @!p0 $0x30, v3  }
0x9e: {  	v0 =	vand.u32 @!p0 $0x7, v0  }
0x9f: {  	v0 =	vor.u32 @!p0 v0, v3  }
0xa0: {  	v0 =	vperm.xlane @!p0 v0, v1;
	_ =	sdelay $0x1  }
0xa1: {  	v0 =	vadd.s32 @!p0 v2, v0;
	_ =	sdelay $0x3  }
0xa2: {  	s8 =	sadd.s32 @!p0 $0x9, s8;
	s7 =	sadd.s32 @!p0 $0xE000, s14  }
0xa3: {  	[tilespmem:s7], [sflag:s8] =	stream.indirect_vreg.gather @!p0 [hbm4b:s2+s18], $0x80, v0, vm1, $0xb8;
	[tilespmem:$0x1A300] =	vst v63  }
0xa4: {  	s15 =	sand.u32 $0x7, s4;
	s7 =	sadd.s32 @!p0 $0xE800, s14  }
0xa5: {  	[tilespmem:s7], [sflag:s8] =	stream.indirect_vreg.gather @!p0 [hbm4b:s11+s18], $0x80, v0, vm1, $0xb8;
	[tilespmem:$0x1A300] =	vst v63  }
0xa6: {  	s30 =	sadd.s32 $0x1, s15;
	s7 =	sadd.s32 @!p0 $0xF000, s14  }
0xa7: {  	[tilespmem:s7], [sflag:s8] =	stream.indirect_vreg.gather @!p0 [hbm4b:s12+s18], $0x80, v0, vm1, $0xb8;
	[tilespmem:$0x1A300] =	vst v63  }
0xa8: {  	_ =	swait.ge [sflag:s30], $0x1800  }
0xa9: {  	[sflag:s30] =	ssyncset.done $0x0  }
0xaa: {  	s31 =	sadd.s32 $0x9, s15;
	s17 =	smul.u32 $0x1800, s15;
	[sflag:s30] =	ssyncadd.s32 $0xFFFFE800  }
0xab: {  	s22 =	simm.s32 $0x0;
	_ =	swait.ge [sflag:s31], $0x1800  }
0xac: {  	s19 =	sadd.s32 $0xC00, s17;
	s20 =	sadd.s32 $0x1000, s17;
	[sflag:s31] =	ssyncset.done $0x0  }
0xad: {  	s21 =	sadd.s32 $0x1400, s17;
	s18 =	sadd.s32 $0x800, s17;
	[sflag:s31] =	ssyncadd.s32 $0xFFFFE800  }
.LBB2_3:
0xae: {  	s28 =	sshll.u32 s22, $0x7  }
0xaf: {  	s23 =	sor.u32 s17, s28  }
0xb0: {  	v1 =	vld [tilespmem:s23+$0x2000]  }
0xb1: {  	v2 =	vld [tilespmem:s23+$0xE000];
	_ =	sdelay $0x1  }
0xb2: {  	v0 =	vld [tilespmem:$0x1A000];
	_ =	sdelay $0x2  }
0xb3: {  	v1 =	vadd.f32 v2, v1;
	_ =	sdelay $0x1  }
0xb4: {  	v47 =	vld [tilespmem:s23+$0x2010];
	[tilespmem:$0x1FF10] =	vst v1;
	v1 =	vmul.f32 v0, v1  }
0xb5: {  	v3 =	vld [tilespmem:s23+$0xE010]  }
0xb6: {  	[tilespmem:s23+$0x2000] =	vst v1  }
0xb7: {  	v1 =	vld [tilespmem:$0x1A010];
	_ =	sdelay $0x2  }
0xb8: {  	v16 =	vadd.f32 v3, v47;
	_ =	sdelay $0x1  }
0xb9: {  	v48 =	vld [tilespmem:s23+$0x2020];
	v1 =	vmul.f32 v1, v16  }
0xba: {  	v49 =	vld [tilespmem:s23+$0xE020]  }
0xbb: {  	[tilespmem:s23+$0x2010] =	vst v1  }
0xbc: {  	v1 =	vld [tilespmem:$0x1A020];
	_ =	sdelay $0x2  }
0xbd: {  	v18 =	vadd.f32 v49, v48;
	_ =	sdelay $0x1  }
0xbe: {  	v50 =	vld [tilespmem:s23+$0x2030];
	v1 =	vmul.f32 v1, v18  }
0xbf: {  	v51 =	vld [tilespmem:s23+$0xE030]  }
0xc0: {  	[tilespmem:s23+$0x2020] =	vst v1  }
0xc1: {  	v1 =	vld [tilespmem:$0x1A030];
	_ =	sdelay $0x2  }
0xc2: {  	v17 =	vadd.f32 v51, v50;
	_ =	sdelay $0x1  }
0xc3: {  	v52 =	vld [tilespmem:s23+$0x2040];
	v1 =	vmul.f32 v1, v17  }
0xc4: {  	v53 =	vld [tilespmem:s23+$0xE040]  }
0xc5: {  	[tilespmem:s23+$0x2030] =	vst v1  }
0xc6: {  	v1 =	vld [tilespmem:$0x1A040];
	_ =	sdelay $0x2  }
0xc7: {  	v21 =	vadd.f32 v53, v52;
	_ =	sdelay $0x1  }
0xc8: {  	v54 =	vld [tilespmem:s23+$0x2050];
	v1 =	vmul.f32 v1, v21  }
0xc9: {  	v55 =	vld [tilespmem:s23+$0xE050]  }
0xca: {  	[tilespmem:s23+$0x2040] =	vst v1  }
0xcb: {  	v1 =	vld [tilespmem:$0x1A050];
	_ =	sdelay $0x2  }
0xcc: {  	v22 =	vadd.f32 v55, v54;
	_ =	sdelay $0x1  }
0xcd: {  	v56 =	vld [tilespmem:s23+$0x2060];
	v1 =	vmul.f32 v1, v22  }
0xce: {  	v57 =	vld [tilespmem:s23+$0xE060]  }
0xcf: {  	[tilespmem:s23+$0x2050] =	vst v1  }
0xd0: {  	v1 =	vld [tilespmem:$0x1A060];
	_ =	sdelay $0x2  }
0xd1: {  	v24 =	vadd.f32 v57, v56;
	_ =	sdelay $0x1  }
0xd2: {  	v58 =	vld [tilespmem:s23+$0x2070];
	v1 =	vmul.f32 v1, v24  }
0xd3: {  	v59 =	vld [tilespmem:s23+$0xE070]  }
0xd4: {  	[tilespmem:s23+$0x2060] =	vst v1  }
0xd5: {  	v1 =	vld [tilespmem:$0x1A070];
	_ =	sdelay $0x2  }
0xd6: {  	v25 =	vadd.f32 v59, v58;
	_ =	sdelay $0x1  }
0xd7: {  	v60 =	vld [tilespmem:s23+$0x2400];
	v1 =	vmul.f32 v1, v25  }
0xd8: {  	v61 =	vld [tilespmem:s23+$0xE400]  }
0xd9: {  	[tilespmem:s23+$0x2070] =	vst v1  }
0xda: {  	v1 =	vld [tilespmem:$0x1A080];
	_ =	sdelay $0x2  }
0xdb: {  	v26 =	vadd.f32 v61, v60;
	_ =	sdelay $0x1  }
0xdc: {  	v62 =	vld [tilespmem:s23+$0x2410];
	v1 =	vmul.f32 v1, v26  }
0xdd: {  	v63 =	vld [tilespmem:s23+$0xE410]  }
0xde: {  	[tilespmem:s23+$0x2400] =	vst v1  }
0xdf: {  	v1 =	vld [tilespmem:$0x1A090];
	_ =	sdelay $0x2  }
0xe0: {  	v27 =	vadd.f32 v63, v62;
	_ =	sdelay $0x1  }
0xe1: {  	v6 =	vld [tilespmem:s23+$0x2420];
	v1 =	vmul.f32 v1, v27  }
0xe2: {  	v7 =	vld [tilespmem:s23+$0xE420]  }
0xe3: {  	[tilespmem:s23+$0x2410] =	vst v1  }
0xe4: {  	v1 =	vld [tilespmem:$0x1A0A0];
	_ =	sdelay $0x2  }
0xe5: {  	v28 =	vadd.f32 v7, v6;
	_ =	sdelay $0x1  }
0xe6: {  	v8 =	vld [tilespmem:s23+$0x2430];
	v1 =	vmul.f32 v1, v28  }
0xe7: {  	v9 =	vld [tilespmem:s23+$0xE430]  }
0xe8: {  	[tilespmem:s23+$0x2420] =	vst v1  }
0xe9: {  	v1 =	vld [tilespmem:$0x1A0B0];
	_ =	sdelay $0x2  }
0xea: {  	v30 =	vadd.f32 v9, v8;
	_ =	sdelay $0x1  }
0xeb: {  	v10 =	vld [tilespmem:s23+$0x2440];
	v1 =	vmul.f32 v1, v30  }
0xec: {  	v11 =	vld [tilespmem:s23+$0xE440]  }
0xed: {  	[tilespmem:s23+$0x2430] =	vst v1  }
0xee: {  	v1 =	vld [tilespmem:$0x1A0C0];
	_ =	sdelay $0x2  }
0xef: {  	v31 =	vadd.f32 v11, v10;
	_ =	sdelay $0x1  }
0xf0: {  	v12 =	vld [tilespmem:s23+$0x2450];
	v1 =	vmul.f32 v1, v31  }
0xf1: {  	v13 =	vld [tilespmem:s23+$0xE450]  }
0xf2: {  	[tilespmem:s23+$0x2440] =	vst v1  }
0xf3: {  	v1 =	vld [tilespmem:$0x1A0D0];
	_ =	sdelay $0x2  }
0xf4: {  	v33 =	vadd.f32 v13, v12;
	_ =	sdelay $0x1  }
0xf5: {  	v14 =	vld [tilespmem:s23+$0x2460];
	v1 =	vmul.f32 v1, v33  }
0xf6: {  	v15 =	vld [tilespmem:s23+$0xE460]  }
0xf7: {  	[tilespmem:s23+$0x2450] =	vst v1  }
0xf8: {  	v1 =	vld [tilespmem:$0x1A0E0];
	_ =	sdelay $0x2  }
0xf9: {  	v34 =	vadd.f32 v15, v14;
	_ =	sdelay $0x1  }
0xfa: {  	v19 =	vld [tilespmem:s23+$0x2470];
	v1 =	vmul.f32 v1, v34  }
0xfb: {  	v20 =	vld [tilespmem:s23+$0xE470]  }
0xfc: {  	[tilespmem:s23+$0x2460] =	vst v1  }
0xfd: {  	v1 =	vld [tilespmem:$0x1A0F0];
	_ =	sdelay $0x2  }
0xfe: {  	v35 =	vadd.f32 v20, v19;
	_ =	sdelay $0x1  }
0xff: {  	v1 =	vmul.f32 v1, v35  }
0x100: {  	s8 =	sor.u32 s18, s28  }
0x101: {  	v23 =	vld [tilespmem:s8+$0x2000];
	[tilespmem:s23+$0x2470] =	vst v1  }
0x102: {  	v29 =	vld [tilespmem:s8+$0xE000];
	_ =	sdelay $0x1  }
0x103: {  	v32 =	vld [tilespmem:$0x1A100];
	_ =	sdelay $0x2  }
0x104: {  	v37 =	vadd.f32 v29, v23;
	_ =	sdelay $0x1  }
0x105: {  	v38 =	vld [tilespmem:s8+$0x2010];
	v1 =	vmul.f32 v32, v37  }
0x106: {  	v39 =	vld [tilespmem:s8+$0xE010]  }
0x107: {  	[tilespmem:s8+$0x2000] =	vst v1  }
0x108: {  	v1 =	vld [tilespmem:$0x1A110];
	_ =	sdelay $0x2  }
0x109: {  	v38 =	vadd.f32 v39, v38;
	_ =	sdelay $0x1  }
0x10a: {  	v40 =	vld [tilespmem:s8+$0x2020];
	v1 =	vmul.f32 v1, v38  }
0x10b: {  	v41 =	vld [tilespmem:s8+$0xE020]  }
0x10c: {  	[tilespmem:s8+$0x2010] =	vst v1  }
0x10d: {  	v1 =	vld [tilespmem:$0x1A120];
	_ =	sdelay $0x2  }
0x10e: {  	v39 =	vadd.f32 v41, v40;
	_ =	sdelay $0x1  }
0x10f: {  	v42 =	vld [tilespmem:s8+$0x2030];
	v1 =	vmul.f32 v1, v39  }
0x110: {  	v43 =	vld [tilespmem:s8+$0xE030]  }
0x111: {  	[tilespmem:s8+$0x2020] =	vst v1  }
0x112: {  	v1 =	vld [tilespmem:$0x1A130];
	_ =	sdelay $0x2  }
0x113: {  	v41 =	vadd.f32 v43, v42;
	_ =	sdelay $0x1  }
0x114: {  	v44 =	vld [tilespmem:s8+$0x2040];
	v1 =	vmul.f32 v1, v41  }
0x115: {  	v45 =	vld [tilespmem:s8+$0xE040]  }
0x116: {  	s30 =	sor.u32 $0x80, s28;
	[tilespmem:s8+$0x2030] =	vst v1  }
0x117: {  	s7 =	sor.u32 s17, s30;
	v1 =	vld [tilespmem:$0x1A140]  }
0x118: {  	v46 =	vld [tilespmem:s7+$0x2000]  }
0x119: {  	v47 =	vld [tilespmem:s7+$0xE000]  }
0x11a: {  	v42 =	vadd.f32 v45, v44;
	_ =	sdelay $0x1  }
0x11b: {  	v1 =	vmul.f32 v1, v42;
	_ =	sdelay $0x1  }
0x11c: {  	[tilespmem:s8+$0x2040] =	vst v1;
	v1 =	vadd.f32 v47, v46;
	_ =	sdelay $0x1  }
0x11d: {  	v48 =	vld [tilespmem:s7+$0x2010];
	v0 =	vmul.f32 v1, v0  }
0x11e: {  	v49 =	vld [tilespmem:s7+$0xE010]  }
0x11f: {  	[tilespmem:s7+$0x2000] =	vst v0  }
0x120: {  	v0 =	vld [tilespmem:$0x1A010];
	_ =	sdelay $0x2  }
0x121: {  	[tilespmem:$0x1FF20] =	vst v1;
	v1 =	vadd.f32 v49, v48;
	_ =	sdelay $0x1  }
0x122: {  	v50 =	vld [tilespmem:s7+$0x2020];
	v0 =	vmul.f32 v0, v1  }
0x123: {  	v51 =	vld [tilespmem:s7+$0xE020]  }
0x124: {  	[tilespmem:s7+$0x2010] =	vst v0  }
0x125: {  	v0 =	vld [tilespmem:$0x1A020];
	_ =	sdelay $0x2  }
0x126: {  	[tilespmem:$0x1FF30] =	vst v1;
	v1 =	vadd.f32 v51, v50;
	_ =	sdelay $0x1  }
0x127: {  	v52 =	vld [tilespmem:s7+$0x2030];
	v0 =	vmul.f32 v0, v1  }
0x128: {  	v53 =	vld [tilespmem:s7+$0xE030]  }
0x129: {  	[tilespmem:s7+$0x2020] =	vst v0  }
0x12a: {  	v0 =	vld [tilespmem:$0x1A030];
	_ =	sdelay $0x2  }
0x12b: {  	[tilespmem:$0x1FF40] =	vst v1;
	v1 =	vadd.f32 v53, v52;
	_ =	sdelay $0x1  }
0x12c: {  	v54 =	vld [tilespmem:s7+$0x2040];
	v0 =	vmul.f32 v0, v1  }
0x12d: {  	v55 =	vld [tilespmem:s7+$0xE040]  }
0x12e: {  	[tilespmem:s7+$0x2030] =	vst v0  }
0x12f: {  	v0 =	vld [tilespmem:$0x1A040];
	_ =	sdelay $0x2  }
0x130: {  	[tilespmem:$0x1FF80] =	vst v1;
	v1 =	vadd.f32 v55, v54;
	_ =	sdelay $0x1  }
0x131: {  	v56 =	vld [tilespmem:s7+$0x2050];
	[tilespmem:$0x1FF50] =	vst v1;
	v0 =	vmul.f32 v0, v1  }
0x132: {  	v57 =	vld [tilespmem:s7+$0xE050]  }
0x133: {  	[tilespmem:s7+$0x2040] =	vst v0  }
0x134: {  	v0 =	vld [tilespmem:$0x1A050];
	_ =	sdelay $0x2  }
0x135: {  	v1 =	vadd.f32 v57, v56;
	_ =	sdelay $0x1  }
0x136: {  	v58 =	vld [tilespmem:s7+$0x2060];
	v0 =	vmul.f32 v0, v1  }
0x137: {  	v59 =	vld [tilespmem:s7+$0xE060]  }
0x138: {  	[tilespmem:s7+$0x2050] =	vst v0  }
0x139: {  	v0 =	vld [tilespmem:$0x1A060];
	_ =	sdelay $0x2  }
0x13a: {  	[tilespmem:$0x1FF60] =	vst v1;
	v1 =	vadd.f32 v59, v58;
	_ =	sdelay $0x1  }
0x13b: {  	v60 =	vld [tilespmem:s7+$0x2070];
	v0 =	vmul.f32 v0, v1  }
0x13c: {  	v61 =	vld [tilespmem:s7+$0xE070]  }
0x13d: {  	[tilespmem:s7+$0x2060] =	vst v0  }
0x13e: {  	v0 =	vld [tilespmem:$0x1A070];
	_ =	sdelay $0x2  }
0x13f: {  	[tilespmem:$0x1FF70] =	vst v1;
	v1 =	vadd.f32 v61, v60;
	_ =	sdelay $0x1  }
0x140: {  	v62 =	vld [tilespmem:s7+$0x2400];
	v0 =	vmul.f32 v0, v1  }
0x141: {  	v63 =	vld [tilespmem:s7+$0xE400]  }
0x142: {  	[tilespmem:s7+$0x2070] =	vst v0  }
0x143: {  	v0 =	vld [tilespmem:$0x1A080];
	_ =	sdelay $0x2  }
0x144: {  	[tilespmem:$0x1FF90] =	vst v1;
	v1 =	vadd.f32 v63, v62;
	_ =	sdelay $0x1  }
0x145: {  	v4 =	vld [tilespmem:s7+$0x2410];
	v0 =	vmul.f32 v0, v1  }
0x146: {  	v5 =	vld [tilespmem:s7+$0xE410]  }
0x147: {  	[tilespmem:s7+$0x2400] =	vst v0  }
0x148: {  	v0 =	vld [tilespmem:$0x1A090];
	_ =	sdelay $0x2  }
0x149: {  	[tilespmem:$0x1FFA0] =	vst v1;
	v1 =	vadd.f32 v5, v4;
	_ =	sdelay $0x1  }
0x14a: {  	v6 =	vld [tilespmem:s7+$0x2420];
	v0 =	vmul.f32 v0, v1  }
0x14b: {  	v7 =	vld [tilespmem:s7+$0xE420]  }
0x14c: {  	[tilespmem:s7+$0x2410] =	vst v0  }
0x14d: {  	v0 =	vld [tilespmem:$0x1A0A0];
	_ =	sdelay $0x2  }
0x14e: {  	[tilespmem:$0x1FFB0] =	vst v1;
	v1 =	vadd.f32 v7, v6;
	_ =	sdelay $0x1  }
0x14f: {  	v8 =	vld [tilespmem:s7+$0x2430];
	v0 =	vmul.f32 v0, v1  }
0x150: {  	v9 =	vld [tilespmem:s7+$0xE430]  }
0x151: {  	[tilespmem:s7+$0x2420] =	vst v0  }
0x152: {  	v0 =	vld [tilespmem:$0x1A0B0];
	_ =	sdelay $0x2  }
0x153: {  	[tilespmem:$0x1FFC0] =	vst v1;
	v1 =	vadd.f32 v9, v8;
	_ =	sdelay $0x1  }
0x154: {  	v10 =	vld [tilespmem:s7+$0x2440];
	v0 =	vmul.f32 v0, v1  }
0x155: {  	v11 =	vld [tilespmem:s7+$0xE440]  }
0x156: {  	[tilespmem:s7+$0x2430] =	vst v0  }
0x157: {  	v0 =	vld [tilespmem:$0x1A0C0];
	_ =	sdelay $0x2  }
0x158: {  	v15 =	vadd.f32 v11, v10;
	_ =	sdelay $0x1  }
0x159: {  	v12 =	vld [tilespmem:s7+$0x2450];
	v0 =	vmul.f32 v0, v15  }
0x15a: {  	v13 =	vld [tilespmem:s7+$0xE450]  }
0x15b: {  	[tilespmem:s7+$0x2440] =	vst v0  }
0x15c: {  	v0 =	vld [tilespmem:$0x1A0D0];
	_ =	sdelay $0x2  }
0x15d: {  	v14 =	vld [tilespmem:s8+$0x2050];
	v19 =	vadd.f32 v13, v12  }
0x15e: {  	v20 =	vld [tilespmem:s8+$0xE050]  }
0x15f: {  	v23 =	vld [tilespmem:s7+$0x2460];
	v0 =	vmul.f32 v0, v19  }
0x160: {  	v4 =	vld [tilespmem:s7+$0xE460]  }
0x161: {  	v5 =	vld [tilespmem:$0x1A150];
	[tilespmem:s7+$0x2450] =	vst v0  }
0x162: {  	v0 =	vld [tilespmem:$0x1A0E0];
	_ =	sdelay $0x1  }
0x163: {  	v52 =	vadd.f32 v20, v14  }
0x164: {  	v29 =	vld [tilespmem:s8+$0x2060];
	v20 =	vadd.f32 v4, v23  }
0x165: {  	v36 =	vld [tilespmem:s8+$0xE060];
	v32 =	vmul.f32 v5, v52  }
0x166: {  	v40 =	vld [tilespmem:s7+$0x2470];
	v0 =	vmul.f32 v0, v20  }
0x167: {  	v43 =	vld [tilespmem:s7+$0xE470];
	[tilespmem:s8+$0x2050] =	vst v32  }
0x168: {  	v44 =	vld [tilespmem:$0x1A160];
	[tilespmem:s7+$0x2460] =	vst v0  }
0x169: {  	v0 =	vld [tilespmem:$0x1A0F0];
	_ =	sdelay $0x1  }
0x16a: {  	v55 =	vadd.f32 v36, v29  }
0x16b: {  	v23 =	vadd.f32 v43, v40  }
0x16c: {  	v45 =	vld [tilespmem:s8+$0x2070];
	[tilespmem:$0x1FFD0] =	vst v1;
	v1 =	vmul.f32 v44, v55  }
0x16d: {  	v46 =	vld [tilespmem:s8+$0xE070];
	v0 =	vmul.f32 v0, v23  }
0x16e: {  	[tilespmem:s8+$0x2060] =	vst v1  }
0x16f: {  	s14 =	sor.u32 s18, s30;
	v1 =	vld [tilespmem:$0x1A170];
	[tilespmem:s7+$0x2470] =	vst v0  }
0x170: {  	v0 =	vld [tilespmem:s14+$0x2000]  }
0x171: {  	v47 =	vld [tilespmem:s14+$0xE000]  }
0x172: {  	v57 =	vadd.f32 v46, v45  }
0x173: {  	v48 =	vld [tilespmem:$0x1A100]  }
0x174: {  	v1 =	vmul.f32 v1, v57  }
0x175: {  	s24 =	sor.u32 s19, s28  }
0x176: {  	v49 =	vld [tilespmem:s24+$0x2000];
	[tilespmem:s8+$0x2070] =	vst v1;
	v29 =	vadd.f32 v47, v0  }
0x177: {  	v50 =	vld [tilespmem:s24+$0xE000]  }
0x178: {  	v51 =	vld [tilespmem:s14+$0x2010];
	v2 =	vmul.f32 v48, v29  }
0x179: {  	v53 =	vld [tilespmem:s14+$0xE010]  }
0x17a: {  	v54 =	vld [tilespmem:$0x1A180];
	[tilespmem:s14+$0x2000] =	vst v2  }
0x17b: {  	v2 =	vld [tilespmem:$0x1A110];
	_ =	sdelay $0x1  }
0x17c: {  	v58 =	vadd.f32 v50, v49  }
0x17d: {  	v59 =	vld [tilespmem:s24+$0x2010];
	v32 =	vadd.f32 v53, v51  }
0x17e: {  	v60 =	vld [tilespmem:s24+$0xE010];
	v1 =	vmul.f32 v54, v58  }
0x17f: {  	v61 =	vld [tilespmem:s14+$0x2020];
	v2 =	vmul.f32 v2, v32  }
0x180: {  	[tilespmem:s24+$0x2000] =	vst v1;
	v62 =	vld [tilespmem:s14+$0xE020]  }
0x181: {  	v63 =	vld [tilespmem:$0x1A190];
	[tilespmem:s14+$0x2010] =	vst v2  }
0x182: {  	v2 =	vld [tilespmem:$0x1A120];
	_ =	sdelay $0x1  }
0x183: {  	v59 =	vadd.f32 v60, v59  }
0x184: {  	v8 =	vld [tilespmem:s24+$0x2020];
	v36 =	vadd.f32 v62, v61  }
0x185: {  	v10 =	vld [tilespmem:s24+$0xE020];
	v9 =	vmul.f32 v63, v59  }
0x186: {  	v11 =	vld [tilespmem:s14+$0x2030];
	v2 =	vmul.f32 v2, v36  }
0x187: {  	[tilespmem:s24+$0x2010] =	vst v9;
	v12 =	vld [tilespmem:s14+$0xE030]  }
0x188: {  	v13 =	vld [tilespmem:$0x1A1A0];
	[tilespmem:s14+$0x2020] =	vst v2  }
0x189: {  	v2 =	vld [tilespmem:$0x1A130];
	_ =	sdelay $0x1  }
0x18a: {  	v60 =	vadd.f32 v10, v8  }
0x18b: {  	v14 =	vld [tilespmem:s24+$0x2030];
	v40 =	vadd.f32 v12, v11  }
0x18c: {  	v45 =	vld [tilespmem:s24+$0xE030];
	v44 =	vmul.f32 v13, v60  }
0x18d: {  	v46 =	vld [tilespmem:s14+$0x2040];
	v2 =	vmul.f32 v2, v40  }
0x18e: {  	[tilespmem:s24+$0x2020] =	vst v44;
	v47 =	vld [tilespmem:s14+$0xE040]  }
0x18f: {  	v48 =	vld [tilespmem:$0x1A1B0];
	[tilespmem:s14+$0x2030] =	vst v2  }
0x190: {  	v2 =	vld [tilespmem:$0x1A140];
	_ =	sdelay $0x1  }
0x191: {  	v61 =	vadd.f32 v45, v14  }
0x192: {  	v49 =	vld [tilespmem:s24+$0x2040];
	v43 =	vadd.f32 v47, v46  }
0x193: {  	v54 =	vld [tilespmem:s14+$0xE050];
	v50 =	vmul.f32 v48, v61  }
0x194: {  	v51 =	vld [tilespmem:s24+$0xE040];
	v2 =	vmul.f32 v2, v43  }
0x195: {  	v53 =	vld [tilespmem:s14+$0x2050];
	[tilespmem:s24+$0x2030] =	vst v50  }
0x196: {  	v56 =	vld [tilespmem:$0x1A1C0];
	[tilespmem:s14+$0x2040] =	vst v2  }
0x197: {  	v2 =	vld [tilespmem:$0x1A150];
	_ =	sdelay $0x1  }
0x198: {  	v62 =	vadd.f32 v51, v49  }
0x199: {  	v8 =	vld [tilespmem:s24+$0x2050];
	v44 =	vadd.f32 v54, v53  }
0x19a: {  	v10 =	vld [tilespmem:s24+$0xE050];
	v9 =	vmul.f32 v56, v62  }
0x19b: {  	v11 =	vld [tilespmem:s14+$0x2060];
	v2 =	vmul.f32 v2, v44  }
0x19c: {  	v12 =	vld [tilespmem:s14+$0xE060];
	[tilespmem:s24+$0x2040] =	vst v9  }
0x19d: {  	v13 =	vld [tilespmem:$0x1A1D0];
	[tilespmem:s14+$0x2050] =	vst v2  }
0x19e: {  	v2 =	vld [tilespmem:$0x1A160];
	_ =	sdelay $0x1  }
0x19f: {  	v63 =	vadd.f32 v10, v8  }
0x1a0: {  	v14 =	vld [tilespmem:s24+$0x2060];
	v45 =	vadd.f32 v12, v11  }
0x1a1: {  	v49 =	vld [tilespmem:s14+$0x2070];
	v47 =	vmul.f32 v13, v63  }
0x1a2: {  	v48 =	vld [tilespmem:s24+$0xE060];
	v2 =	vmul.f32 v2, v45  }
0x1a3: {  	v50 =	vld [tilespmem:s14+$0xE070];
	[tilespmem:s24+$0x2050] =	vst v47  }
0x1a4: {  	v51 =	vld [tilespmem:$0x1A1E0];
	[tilespmem:s14+$0x2060] =	vst v2  }
0x1a5: {  	v2 =	vld [tilespmem:$0x1A170];
	_ =	sdelay $0x1  }
0x1a6: {  	v14 =	vadd.f32 v48, v14  }
0x1a7: {  	v46 =	vadd.f32 v50, v49  }
0x1a8: {  	v53 =	vld [tilespmem:s24+$0x2070];
	v0 =	vmul.f32 v51, v14  }
0x1a9: {  	v54 =	vld [tilespmem:s24+$0xE070];
	v2 =	vmul.f32 v2, v46  }
0x1aa: {  	[tilespmem:s24+$0x2060] =	vst v0  }
0x1ab: {  	s26 =	sor.u32 s19, s30;
	v0 =	vld [tilespmem:$0x1A1F0];
	[tilespmem:s14+$0x2070] =	vst v2  }
0x1ac: {  	v2 =	vld [tilespmem:s26+$0x2000]  }
0x1ad: {  	v56 =	vld [tilespmem:s26+$0xE000]  }
0x1ae: {  	v13 =	vadd.f32 v54, v53  }
0x1af: {  	v8 =	vld [tilespmem:$0x1A180]  }
0x1b0: {  	v0 =	vmul.f32 v0, v13  }
0x1b1: {  	s25 =	sor.u32 s20, s28  }
0x1b2: {  	v9 =	vld [tilespmem:s25+$0x2000];
	[tilespmem:s24+$0x2070] =	vst v0;
	v47 =	vadd.f32 v56, v2  }
0x1b3: {  	v10 =	vld [tilespmem:s25+$0xE000]  }
0x1b4: {  	v11 =	vld [tilespmem:s26+$0x2010];
	v1 =	vmul.f32 v8, v47  }
0x1b5: {  	v53 =	vld [tilespmem:s26+$0xE010]  }
0x1b6: {  	v49 =	vld [tilespmem:$0x1A200];
	[tilespmem:s26+$0x2000] =	vst v1  }
0x1b7: {  	v1 =	vld [tilespmem:$0x1A190];
	_ =	sdelay $0x1  }
0x1b8: {  	v12 =	vadd.f32 v10, v9  }
0x1b9: {  	v54 =	vld [tilespmem:s25+$0x2010];
	v48 =	vadd.f32 v53, v11  }
0x1ba: {  	v5 =	vld [tilespmem:s26+$0x2020];
	v2 =	vmul.f32 v49, v12  }
0x1bb: {  	v56 =	vld [tilespmem:s25+$0xE010];
	v1 =	vmul.f32 v1, v48  }
0x1bc: {  	v6 =	vld [tilespmem:s26+$0xE020];
	[tilespmem:s25+$0x2000] =	vst v2  }
0x1bd: {  	v7 =	vld [tilespmem:$0x1A210];
	[tilespmem:s26+$0x2010] =	vst v1  }
0x1be: {  	v50 =	vld [tilespmem:$0x1A1A0];
	_ =	sdelay $0x1  }
0x1bf: {  	v11 =	vadd.f32 v56, v54  }
0x1c0: {  	v9 =	vld [tilespmem:s25+$0x2020];
	v49 =	vadd.f32 v6, v5  }
0x1c1: {  	v10 =	vld [tilespmem:s25+$0xE020];
	v1 =	vmul.f32 v7, v11  }
0x1c2: {  	v5 =	vld [tilespmem:s26+$0x2030];
	v56 =	vmul.f32 v50, v49  }
0x1c3: {  	v6 =	vld [tilespmem:s26+$0xE030];
	[tilespmem:s25+$0x2010] =	vst v1  }
0x1c4: {  	v51 =	vld [tilespmem:$0x1A220];
	[tilespmem:s26+$0x2020] =	vst v56  }
0x1c5: {  	v53 =	vld [tilespmem:$0x1A1B0];
	_ =	sdelay $0x1  }
0x1c6: {  	v10 =	vadd.f32 v10, v9  }
0x1c7: {  	v9 =	vld [tilespmem:s25+$0xE030];
	v50 =	vadd.f32 v6, v5  }
0x1c8: {  	v4 =	vld [tilespmem:s26+$0x2040];
	v8 =	vmul.f32 v51, v10  }
0x1c9: {  	v7 =	vld [tilespmem:s25+$0x2030];
	v56 =	vmul.f32 v53, v50  }
0x1ca: {  	v5 =	vld [tilespmem:s26+$0xE040];
	[tilespmem:s25+$0x2020] =	vst v8  }
0x1cb: {  	v54 =	vld [tilespmem:$0x1A230];
	[tilespmem:s26+$0x2030] =	vst v56  }
0x1cc: {  	v56 =	vld [tilespmem:$0x1A1C0];
	_ =	sdelay $0x1  }
0x1cd: {  	v9 =	vadd.f32 v9, v7  }
0x1ce: {  	v2 =	vld [tilespmem:s25+$0x2040];
	v51 =	vadd.f32 v5, v4  }
0x1cf: {  	v7 =	vld [tilespmem:s25+$0xE040];
	v6 =	vmul.f32 v54, v9  }
0x1d0: {  	v4 =	vld [tilespmem:s26+$0x2050];
	v8 =	vmul.f32 v56, v51  }
0x1d1: {  	v5 =	vld [tilespmem:s26+$0xE050];
	[tilespmem:s25+$0x2030] =	vst v6  }
0x1d2: {  	v54 =	vld [tilespmem:$0x1A240];
	[tilespmem:s26+$0x2040] =	vst v8  }
0x1d3: {  	v1 =	vld [tilespmem:$0x1A1D0];
	_ =	sdelay $0x1  }
0x1d4: {  	v8 =	vadd.f32 v7, v2  }
0x1d5: {  	v53 =	vadd.f32 v5, v4;
	v5 =	vld [tilespmem:s25+$0xE050]  }
0x1d6: {  	v7 =	vld [tilespmem:s25+$0x2050];
	v54 =	vmul.f32 v54, v8  }
0x1d7: {  	v2 =	vld [tilespmem:s26+$0x2060];
	v1 =	vmul.f32 v1, v53  }
0x1d8: {  	[tilespmem:s25+$0x2040] =	vst v54;
	v54 =	vld [tilespmem:s26+$0xE060]  }
0x1d9: {  	[tilespmem:s26+$0x2050] =	vst v1;
	v1 =	vld [tilespmem:$0x1A250];
	_ =	sdelay $0x1  }
0x1da: {  	v0 =	vld [tilespmem:$0x1A1E0]  }
0x1db: {  	v7 =	vadd.f32 v5, v7  }
0x1dc: {  	v3 =	vld [tilespmem:s26+$0x2070]  }
0x1dd: {  	v4 =	vld [tilespmem:s25+$0x2060];
	v54 =	vadd.f32 v54, v2;
	v1 =	vmul.f32 v1, v7  }
0x1de: {  	v6 =	vld [tilespmem:s25+$0xE060]  }
0x1df: {  	v0 =	vmul.f32 v0, v54;
	[tilespmem:s25+$0x2050] =	vst v1;
	v1 =	vld [tilespmem:s26+$0xE070];
	_ =	sdelay $0x1  }
0x1e0: {  	[tilespmem:s26+$0x2060] =	vst v0;
	v0 =	vld [tilespmem:$0x1A260];
	_ =	sdelay $0x1  }
0x1e1: {  	v2 =	vld [tilespmem:$0x1A1F0]  }
0x1e2: {  	v6 =	vadd.f32 v6, v4;
	v56 =	vadd.f32 v1, v3;
	v1 =	vld [tilespmem:s25+$0x2070]  }
0x1e3: {  	v3 =	vld [tilespmem:s25+$0xE070]  }
0x1e4: {  	v0 =	vmul.f32 v0, v6;
	_ =	sdelay $0x1  }
0x1e5: {  	v2 =	vmul.f32 v2, v56;
	[tilespmem:s25+$0x2060] =	vst v0  }
0x1e6: {  	v0 =	vld [tilespmem:$0x1A270]  }
0x1e7: {  	s29 =	sor.u32 s20, s30;
	[tilespmem:s26+$0x2070] =	vst v2;
	v5 =	vadd.f32 v3, v1;
	v1 =	vld [tilespmem:$0x1FF10]  }
0x1e8: {  	v4 =	vld [tilespmem:s29+$0x2000]  }
0x1e9: {  	v2 =	vld [tilespmem:s29+$0xE000];
	_ =	sdelay $0x2  }
0x1ea: {  	v0 =	vmul.f32 v0, v5;
	v3 =	vmul.f32 v1, v1;
	v1 =	vld [tilespmem:$0x1A200]  }
0x1eb: {  	v16 =	vmul.f32 v16, v16;
	v21 =	vmul.f32 v21, v21  }
0x1ec: {  	s28 =	sor.u32 s21, s28;
	v4 =	vadd.f32 v2, v4;
	v2 =	vmul.f32 v25, v25;
	[tilespmem:s25+$0x2070] =	vst v0;
	v0 =	vmul.f32 v17, v17  }
0x1ed: {  	v3 =	vadd.f32 v21, v3;
	v21 =	vmul.f32 v22, v22;
	v22 =	vmul.f32 v24, v24;
	v24 =	vld [tilespmem:s28+$0x2000]  }
0x1ee: {  	v26 =	vmul.f32 v26, v26;
	v0 =	vadd.f32 v2, v0;
	v2 =	vmul.f32 v27, v27;
	v27 =	vld [tilespmem:$0x1A280]  }
0x1ef: {  	v18 =	vmul.f32 v18, v18;
	v16 =	vadd.f32 v21, v16;
	v21 =	vld [tilespmem:s29+$0x2010];
	v1 =	vmul.f32 v1, v4  }
0x1f0: {  	v60 =	vmul.f32 v60, v60;
	v3 =	vadd.f32 v26, v3;
	v26 =	vld [tilespmem:s29+$0xE010]  }
0x1f1: {  	v61 =	vmul.f32 v61, v61;
	v17 =	vadd.f32 v22, v18;
	v22 =	vld [tilespmem:s28+$0xE000];
	v18 =	vmul.f32 v28, v28;
	[tilespmem:s29+$0x2000] =	vst v1  }
0x1f2: {  	v25 =	vmul.f32 v30, v30;
	v30 =	vmul.f32 v33, v33;
	v2 =	vadd.f32 v2, v16;
	v33 =	vld [tilespmem:$0x1A210]  }
0x1f3: {  	v28 =	vld [tilespmem:s28+$0xE020];
	v17 =	vadd.f32 v18, v17;
	v1 =	vmul.f32 v31, v31;
	v31 =	vmul.f32 v34, v34  }
0x1f4: {  	v16 =	vld [tilespmem:s28+$0x2010];
	v34 =	vmul.f32 v35, v35;
	v35 =	vmul.f32 v37, v37;
	v2 =	vadd.f32 v30, v2  }
0x1f5: {  	v37 =	vmul.f32 v38, v38;
	v30 =	vld [tilespmem:s29+$0x2020];
	v18 =	vadd.f32 v31, v17;
	v17 =	vadd.f32 v26, v21  }
0x1f6: {  	v0 =	vadd.f32 v25, v0;
	v38 =	vmul.f32 v39, v39;
	v39 =	vmul.f32 v41, v41;
	v31 =	vld [tilespmem:s28+$0xE010]  }
0x1f7: {  	v41 =	vmul.f32 v42, v42;
	v26 =	vld [tilespmem:s28+$0x2020];
	v25 =	vmul.f32 v33, v17  }
0x1f8: {  	v42 =	vmul.f32 v52, v52;
	v52 =	vmul.f32 v55, v55;
	v0 =	vadd.f32 v34, v0;
	v34 =	vld [tilespmem:s29+$0xE020]  }
0x1f9: {  	v55 =	vmul.f32 v57, v57;
	v1 =	vadd.f32 v1, v3;
	v2 =	vadd.f32 v37, v2;
	v37 =	vld [tilespmem:s28+$0x2070];
	[tilespmem:s29+$0x2010] =	vst v25  }
0x1fa: {  	v57 =	vmul.f32 v58, v58;
	v58 =	vmul.f32 v59, v59;
	v59 =	vld [tilespmem:$0x1A220]  }
0x1fb: {  	v14 =	vmul.f32 v14, v14;
	v1 =	vadd.f32 v35, v1;
	v3 =	vadd.f32 v38, v18;
	v35 =	vld [tilespmem:s28+$0x2030]  }
0x1fc: {  	v13 =	vmul.f32 v13, v13;
	v0 =	vadd.f32 v39, v0;
	v39 =	vld [tilespmem:s28+$0x2040];
	v2 =	vadd.f32 v42, v2  }
0x1fd: {  	v3 =	vadd.f32 v52, v3;
	v52 =	vmul.f32 v63, v63;
	v63 =	vld [tilespmem:s28+$0xE060];
	v21 =	vadd.f32 v34, v30  }
0x1fe: {  	v42 =	vmul.f32 v62, v62;
	v62 =	vadd.f32 v22, v24;
	v1 =	vadd.f32 v41, v1;
	v41 =	vld [tilespmem:s28+$0xE070]  }
0x1ff: {  	v0 =	vadd.f32 v55, v0;
	v2 =	vadd.f32 v58, v2;
	v58 =	vld [tilespmem:s29+$0xE030];
	v55 =	vmul.f32 v59, v21  }
0x200: {  	v12 =	vmul.f32 v12, v12;
	v22 =	vadd.f32 v31, v16;
	v1 =	vadd.f32 v57, v1;
	v57 =	vld [tilespmem:s29+$0x2030]  }
0x201: {  	v11 =	vmul.f32 v11, v11;
	v30 =	vld [tilespmem:s28+$0xE040];
	v24 =	vadd.f32 v28, v26;
	v3 =	vadd.f32 v60, v3;
	[tilespmem:s29+$0x2020] =	vst v55  }
0x202: {  	v10 =	vmul.f32 v10, v10;
	v0 =	vadd.f32 v61, v0;
	v2 =	vadd.f32 v52, v2;
	v60 =	vld [tilespmem:$0x1A230]  }
0x203: {  	v9 =	vmul.f32 v9, v9;
	v61 =	vld [tilespmem:s28+$0x2060];
	v1 =	vadd.f32 v42, v1;
	v3 =	vadd.f32 v14, v3  }
0x204: {  	v7 =	vmul.f32 v7, v7;
	v34 =	vld [tilespmem:s28+$0x2050];
	v0 =	vadd.f32 v13, v0;
	v11 =	vadd.f32 v11, v2  }
0x205: {  	v6 =	vmul.f32 v6, v6;
	v13 =	vld [tilespmem:s28+$0xE050];
	v16 =	vadd.f32 v41, v37;
	v2 =	vadd.f32 v58, v57  }
0x206: {  	v5 =	vmul.f32 v5, v5;
	v25 =	vld [tilespmem:s28+$0xE030];
	v1 =	vadd.f32 v12, v1;
	v3 =	vadd.f32 v10, v3  }
0x207: {  	v52 =	vld [tilespmem:s29+$0x2040];
	v0 =	vadd.f32 v9, v0;
	v59 =	vmul.f32 v8, v8;
	v8 =	vmul.f32 v60, v2  }
0x208: {  	v7 =	vadd.f32 v7, v11;
	v57 =	vld [tilespmem:s29+$0xE040];
	v18 =	vadd.f32 v63, v61  }
0x209: {  	v3 =	vadd.f32 v6, v3;
	v5 =	vadd.f32 v5, v0;
	v55 =	vmul.f32 v24, v24;
	[tilespmem:s29+$0x2030] =	vst v8  }
0x20a: {  	v38 =	vmul.f32 v62, v62;
	v0 =	vadd.f32 v13, v34;
	v1 =	vadd.f32 v59, v1;
	v59 =	vld [tilespmem:$0x1A240]  }
0x20b: {  	v42 =	vmul.f32 v22, v22;
	v58 =	vadd.f32 v55, v3;
	v3 =	vadd.f32 v25, v35  }
0x20c: {  	v10 =	vmul.f32 v27, v62;
	v14 =	vadd.f32 v38, v1;
	v1 =	vadd.f32 v30, v39  }
0x20d: {  	v28 =	vmul.f32 v16, v16;
	v6 =	vadd.f32 v57, v52;
	v60 =	vmul.f32 v3, v3  }
0x20e: {  	v7 =	vadd.f32 v42, v7;
	v62 =	vmul.f32 v0, v0;
	v61 =	vmul.f32 v1, v1  }
0x20f: {  	v31 =	vld [tilespmem:s29+$0xE050];
	v63 =	vmul.f32 v18, v18;
	v5 =	vadd.f32 v60, v5;
	v11 =	vmul.f32 v59, v6  }
0x210: {  	[tilespmem:s28+$0x2000] =	vst v10;
	v30 =	vld [tilespmem:s29+$0x2050];
	v7 =	vadd.f32 v62, v7;
	v9 =	vadd.f32 v61, v14  }
0x211: {  	v33 =	vld [tilespmem:$0x1A290];
	v8 =	vadd.f32 v63, v58;
	v5 =	vadd.f32 v28, v5;
	[tilespmem:s29+$0x2040] =	vst v11  }
0x212: {  	v34 =	vld [tilespmem:$0x1A250]  }
0x213: {  	v42 =	vld [tilespmem:$0x1FF20];
	v7 =	vadd.f32 v7, v9;
	v5 =	vadd.f32 v5, v8  }
0x214: {  	v38 =	vld [tilespmem:s29+$0x2060]  }
0x215: {  	v39 =	vld [tilespmem:s29+$0xE060];
	v5 =	vadd.f32 v5, v7;
	v7 =	vadd.f32 v31, v30  }
0x216: {  	v52 =	vld [tilespmem:$0x1FF30];
	v35 =	vmul.f32 v33, v22  }
0x217: {  	v55 =	vld [tilespmem:s29+$0x2070];
	v37 =	vmul.f32 v34, v7  }
0x218: {  	v62 =	vld [tilespmem:$0x1FF70];
	[tilespmem:s28+$0x2010] =	vst v35  }
0x219: {  	v41 =	vld [tilespmem:$0x1A2A0];
	[tilespmem:s29+$0x2050] =	vst v37  }
0x21a: {  	(xrf2) =	vadd.scan.msk.f32 $0xffff, v5;
	v5 =	vld [tilespmem:$0x1A260]  }
0x21b: {  	v58 =	vld [tilespmem:$0x1FF40]  }
0x21c: {  	v15 =	vmul.f32 v15, v15;
	v60 =	vld [tilespmem:s29+$0xE070]  }
0x21d: {  	v4 =	vmul.f32 v4, v4;
	v10 =	vmul.f32 v42, v42;
	v63 =	vld [tilespmem:$0x1FF80];
	v8 =	vadd.f32 v39, v38  }
0x21e: {  	v2 =	vmul.f32 v2, v2;
	v13 =	vmul.f32 v62, v62;
	v59 =	vld [tilespmem:$0x1FF50]  }
0x21f: {  	v33 =	vld [tilespmem:$0x1FFA0];
	v62 =	vmul.f32 v40, v40;
	v5 =	vmul.f32 v5, v8  }
0x220: {  	v40 =	vmul.f32 v48, v48;
	v48 =	vmul.f32 v54, v54;
	v28 =	vld [tilespmem:$0x1FF90]  }
0x221: {  	v9 =	vmul.f32 v41, v24;
	v38 =	vld [tilespmem:$0x1FFD0];
	v39 =	vmul.f32 v19, v19;
	[tilespmem:s29+$0x2060] =	vst v5  }
0x222: {  	v14 =	vmul.f32 v58, v58;
	v25 =	vmul.f32 v63, v63;
	v30 =	vld [tilespmem:$0x1A270]  }
0x223: {  	v61 =	vld [tilespmem:$0x1FF60];
	v12 =	vadd.f32 v60, v55;
	v55 =	vmul.f32 v23, v23;
	v22 =	vmul.f32 v59, v59  }
0x224: {  	v35 =	vld [tilespmem:$0x1FFB0];
	v58 =	vmul.f32 v32, v32;
	v60 =	vmul.f32 v36, v36  }
0x225: {  	v31 =	vadd.f32 v13, v14;
	v13 =	vmul.f32 v33, v33;
	v10 =	vadd.f32 v22, v10;
	v37 =	vld [tilespmem:$0x1FFC0]  }
0x226: {  	v11 =	vmul.f32 v52, v52;
	v22 =	vmul.f32 v28, v28  }
0x227: {  	[tilespmem:s28+$0x2020] =	vst v9;
	v10 =	vadd.f32 v13, v10;
	v13 =	vmul.f32 v38, v38;
	v41 =	vmul.f32 v30, v12  }
0x228: {  	s30 =	sor.u32 s21, s30;
	v14 =	vld [tilespmem:$0x1A2B0];
	v34 =	vadd.f32 v22, v25;
	v38 =	vmul.f32 v47, v47;
	v57, _, _ =	vpop (xrf2);
	v5 =	vmul.f32 v61, v61  }
0x229: {  	v42 =	vadd.f32 v15, v10;
	(v2sf) =	vpush v57, $0xF;
	v57 =	vmul.f32 v29, v29;
	v47 =	vld [tilespmem:s30+$0x2030];
	[tilespmem:s29+$0x2070] =	vst v41  }
0x22a: {  	v22 =	vmul.f32 v35, v35;
	v25 =	vmul.f32 v37, v37;
	v5 =	vadd.f32 v5, v11;
	v61 =	vld [tilespmem:s30+$0x2000]  }
0x22b: {  	v32 =	vmul.f32 v43, v43;
	v13 =	vadd.f32 v13, v34;
	v9 =	vadd.f32 v57, v42;
	v63 =	vld [tilespmem:s30+$0xE000]  }
0x22c: {  	v52 =	vmul.f32 v20, v20;
	v11 =	vadd.f32 v25, v31;
	v5 =	vadd.f32 v22, v5;
	v34 =	vld [tilespmem:$0x1A280]  }
0x22d: {  	v36 =	vmul.f32 v46, v46;
	v59 =	vadd.f32 v55, v13;
	v9 =	vadd.f32 v32, v9;
	v37 =	vld [tilespmem:s30+$0x2010]  }
0x22e: {  	v43 =	vmul.f32 v50, v50;
	v10 =	vadd.f32 v52, v11;
	v5 =	vadd.f32 v39, v5;
	v39 =	vld [tilespmem:s30+$0xE010]  }
0x22f: {  	v33 =	vmul.f32 v44, v44;
	v35 =	vmul.f32 v45, v45;
	v11 =	vadd.f32 v62, v59;
	v41 =	vld [tilespmem:s30+$0x2020]  }
0x230: {  	v45 =	vmul.f32 v51, v51;
	v9 =	vadd.f32 v38, v9;
	v10 =	vadd.f32 v60, v10;
	v44 =	vld [tilespmem:s30+$0xE020]  }
0x231: {  	v42 =	vmul.f32 v49, v49;
	v11 =	vadd.f32 v36, v11;
	v5 =	vadd.f32 v58, v5;
	v49 =	vld [tilespmem:s30+$0xE030]  }
0x232: {  	v46 =	vmul.f32 v53, v53;
	v9 =	vadd.f32 v45, v9;
	v10 =	vadd.f32 v35, v10;
	v51 =	vld [tilespmem:s30+$0x2040]  }
0x233: {  	v50 =	vmul.f32 v56, v56;
	v11 =	vadd.f32 v43, v11;
	v53 =	vld [tilespmem:s30+$0xE040];
	v5 =	vadd.f32 v33, v5  }
0x234: {  	v6 =	vmul.f32 v6, v6;
	v4 =	vadd.f32 v4, v9;
	v55 =	vld [tilespmem:s30+$0x2050];
	v10 =	vadd.f32 v42, v10  }
0x235: {  	v54 =	vmul.f32 v21, v21;
	v56 =	vld [tilespmem:s30+$0xE050];
	v11 =	vadd.f32 v50, v11;
	v5 =	vadd.f32 v40, v5  }
0x236: {  	v3 =	vmul.f32 v14, v3;
	v4 =	vadd.f32 v6, v4;
	v57 =	vld [tilespmem:s30+$0x2060];
	v10 =	vadd.f32 v48, v10  }
0x237: {  	v60 =	vmul.f32 v12, v12;
	v59 =	vld [tilespmem:s30+$0xE060];
	v2 =	vadd.f32 v2, v11;
	v5 =	vadd.f32 v46, v5  }
0x238: {  	v7 =	vmul.f32 v7, v7;
	v62 =	vld [tilespmem:s30+$0x2070];
	v10 =	vadd.f32 v54, v10;
	v58 =	vadd.f32 v63, v61  }
0x239: {  	[tilespmem:s28+$0x2030] =	vst v3;
	v52 =	vmul.f32 v17, v17;
	v25 =	vld [tilespmem:s30+$0xE070];
	v61 =	vadd.f32 v39, v37;
	v2 =	vadd.f32 v60, v2  }
0x23a: {  	v33 =	vadd.f32 v44, v41;
	v35 =	vadd.f32 v49, v47;
	v30 =	vmul.f32 v34, v58;
	v34 =	vld [tilespmem:$0x1A2C0]  }
0x23b: {  	v8 =	vmul.f32 v8, v8;
	v17 =	vadd.f32 v53, v51;
	v9 =	vadd.f32 v56, v55  }
0x23c: {  	v11 =	vadd.f32 v59, v57;
	v5 =	vadd.f32 v52, v5;
	v22 =	vmul.f32 v58, v58;
	[tilespmem:s30+$0x2000] =	vst v30  }
0x23d: {  	v63 =	vadd.f32 v8, v10;
	v31 =	vmul.f32 v61, v61;
	v37 =	vmul.f32 v33, v33;
	v36 =	vld [tilespmem:$0x1A290]  }
0x23e: {  	v38 =	vmul.f32 v35, v35;
	v10 =	vadd.f32 v25, v62;
	v39 =	vmul.f32 v17, v17  }
0x23f: {  	v40 =	vmul.f32 v9, v9;
	v5 =	vadd.f32 v7, v5;
	v1 =	vmul.f32 v34, v1  }
0x240: {  	v41 =	vmul.f32 v11, v11;
	v32 =	vadd.f32 v22, v4;
	v7 =	vadd.f32 v37, v63  }
0x241: {  	v2 =	vadd.f32 v38, v2;
	v42 =	vmul.f32 v10, v10;
	v5 =	vadd.f32 v31, v5;
	[tilespmem:s28+$0x2040] =	vst v1  }
0x242: {  	v3 =	vadd.f32 v39, v32;
	v7 =	vadd.f32 v41, v7;
	v43 =	vmul.f32 v36, v61;
	v45 =	vld [tilespmem:$0x1A2D0]  }
0x243: {  	s31 =	spop (v2sf);
	v2 =	vadd.f32 v42, v2;
	v5 =	vadd.f32 v40, v5  }
0x244: {  	s31 =	smul.f32 $1.302083370e-03, s31;
	[tilespmem:s30+$0x2010] =	vst v43  }
0x245: {  	v2 =	vadd.f32 v2, v7;
	v44 =	vadd.f32 v5, v3;
	v46 =	vld [tilespmem:$0x1A2A0]  }
0x246: {  	s31 =	sadd.f32 $9.999999960e-13, s31  }
0x247: {  	v1 =	vadd.f32 v2, v44;
	v0 =	vmul.f32 v45, v0  }
0x248: {  	v47 =	vmov s31  }
0x249: {  	v49 =	vshrl.u32 v47, $0x1;
	(xrf2) =	vadd.scan.msk.f32 $0xffff, v1;
	v1 =	vmul.f32 $5.000000000e-01, v47;
	[tilespmem:s28+$0x2050] =	vst v0  }
0x24a: {  	v0 =	vsub.s32 $0x5F3759DF, v49;
	v48 =	vmul.f32 v46, v33;
	v50 =	vld [tilespmem:$0x1A2E0]  }
0x24b: {  	v51 =	vmul.f32 v0, v1  }
0x24c: {  	[tilespmem:s30+$0x2020] =	vst v48  }
0x24d: {  	v2 =	vmul.f32 v0, v51;
	v52 =	vld [tilespmem:$0x1A2B0];
	_ =	sdelay $0x1  }
0x24e: {  	v2 =	vsub.f32 $1.500000000e+00, v2;
	v3 =	vmul.f32 v50, v18;
	_ =	sdelay $0x1  }
0x24f: {  	v0 =	vmul.f32 v0, v2;
	[tilespmem:s28+$0x2060] =	vst v3  }
0x250: {  	v4 =	vmul.f32 v52, v35;
	v54 =	vld [tilespmem:$0x1A2F0]  }
0x251: {  	v1 =	vmul.f32 v0, v1  }
0x252: {  	v53, _, _ =	vpop (xrf2);
	[tilespmem:s30+$0x2030] =	vst v4  }
0x253: {  	(v2sf) =	vpush v53, $0xF;
	v1 =	vmul.f32 v1, v0;
	v55 =	vld [tilespmem:$0x1A2C0]  }
0x254: {  	v56 =	vld [tilespmem:s23+$0x2000]  }
0x255: {  	v57 =	vld [tilespmem:s23+$0x2010];
	v1 =	vsub.f32 $1.500000000e+00, v1;
	v2 =	vmul.f32 v54, v16  }
0x256: {  	v58 =	vld [tilespmem:s23+$0x2020]  }
0x257: {  	v59 =	vld [tilespmem:s23+$0x2030];
	[tilespmem:s28+$0x2070] =	vst v2;
	v2 =	vmul.f32 v1, v0  }
0x258: {  	v18 =	vld [tilespmem:s23+$0x2420];
	v3 =	vmul.f32 v55, v17  }
0x259: {  	v19 =	vld [tilespmem:s23+$0x2430];
	v61 =	vmul.f32 v2, v56  }
0x25a: {  	v15 =	vld [tilespmem:s23+$0x2400];
	v5 =	vmul.f32 v2, v57;
	[tilespmem:s30+$0x2040] =	vst v3  }
0x25b: {  	v16 =	vld [tilespmem:s23+$0x2410];
	v12 =	vmul.f32 v2, v58;
	[tilespmem:s23+$0x2000] =	vst v61  }
0x25c: {  	v60 =	vld [tilespmem:s23+$0x2040];
	v0 =	vmul.f32 v2, v59;
	[tilespmem:s23+$0x2010] =	vst v5  }
0x25d: {  	v63 =	vld [tilespmem:s23+$0x2050];
	v24 =	vmul.f32 v2, v18;
	[tilespmem:s23+$0x2020] =	vst v12  }
0x25e: {  	v13 =	vld [tilespmem:s23+$0x2060];
	v27 =	vmul.f32 v19, v2;
	[tilespmem:s23+$0x2030] =	vst v0  }
0x25f: {  	v3 =	vmul.f32 v2, v15;
	v62 =	vld [tilespmem:$0x1A2D0];
	[tilespmem:s23+$0x2420] =	vst v24  }
0x260: {  	v14 =	vld [tilespmem:s23+$0x2070];
	v0 =	vmul.f32 v2, v16;
	[tilespmem:s23+$0x2430] =	vst v27  }
0x261: {  	v21 =	vld [tilespmem:s23+$0x2440];
	[tilespmem:s23+$0x2400] =	vst v3;
	v1 =	vmul.f32 v2, v60  }
0x262: {  	v23 =	vld [tilespmem:s23+$0x2450];
	v17 =	vmul.f32 v2, v63;
	[tilespmem:s23+$0x2410] =	vst v0;
	s31 =	spop (v2sf)  }
0x263: {  	v25 =	vld [tilespmem:s23+$0x2460];
	v6 =	vmul.f32 v2, v13;
	[tilespmem:s23+$0x2040] =	vst v1;
	s31 =	smul.f32 $1.302083370e-03, s31  }
0x264: {  	v28 =	vld [tilespmem:s23+$0x2470];
	[tilespmem:s23+$0x2050] =	vst v17;
	v4 =	vmul.f32 v62, v9  }
0x265: {  	v20 =	vmul.f32 v2, v14;
	[tilespmem:s23+$0x2060] =	vst v6;
	s31 =	sadd.f32 $9.999999960e-13, s31  }
0x266: {  	v31 =	vmul.f32 v21, v2;
	[tilespmem:s30+$0x2050] =	vst v4  }
0x267: {  	[tilespmem:s23+$0x2070] =	vst v20;
	v1 =	vmul.f32 v23, v2;
	v4 =	vld [tilespmem:$0x1A2E0];
	v22 =	vmov s31  }
0x268: {  	v33 =	vmul.f32 v25, v2;
	v32 =	vld [tilespmem:s8+$0x2000];
	[tilespmem:s23+$0x2440] =	vst v31;
	v26 =	vshrl.u32 v22, $0x1;
	v6 =	vmul.f32 $5.000000000e-01, v22  }
0x269: {  	v35 =	vmul.f32 v28, v2;
	v36 =	vld [tilespmem:s8+$0x2010];
	[tilespmem:s23+$0x2450] =	vst v1;
	v9 =	vsub.s32 $0x5F3759DF, v26  }
0x26a: {  	[tilespmem:s23+$0x2460] =	vst v33;
	v37 =	vld [tilespmem:s8+$0x2020];
	v30 =	vmul.f32 v9, v6  }
0x26b: {  	[tilespmem:s23+$0x2470] =	vst v35;
	v38 =	vld [tilespmem:s8+$0x2030]  }
0x26c: {  	v39 =	vld [tilespmem:s8+$0x2040];
	v29 =	vmul.f32 v4, v11;
	v4 =	vmul.f32 v9, v30  }
0x26d: {  	v3 =	vmul.f32 v32, v2  }
0x26e: {  	v41 =	vmul.f32 v36, v2;
	[tilespmem:s30+$0x2060] =	vst v29;
	v4 =	vsub.f32 $1.500000000e+00, v4  }
0x26f: {  	[tilespmem:s8+$0x2000] =	vst v3;
	v0 =	vmul.f32 v37, v2;
	v34 =	vld [tilespmem:$0x1A2F0]  }
0x270: {  	v40 =	vld [tilespmem:s8+$0x2050];
	[tilespmem:s8+$0x2010] =	vst v41;
	v1 =	vmul.f32 v38, v2;
	v4 =	vmul.f32 v9, v4  }
0x271: {  	v42 =	vld [tilespmem:s8+$0x2060];
	v45 =	vmul.f32 v39, v2;
	[tilespmem:s8+$0x2020] =	vst v0  }
0x272: {  	v43 =	vld [tilespmem:s8+$0x2070];
	[tilespmem:s8+$0x2030] =	vst v1;
	v6 =	vmul.f32 v4, v6  }
0x273: {  	[tilespmem:s8+$0x2040] =	vst v45;
	v23 =	vld [tilespmem:s24+$0x2000]  }
0x274: {  	v24 =	vld [tilespmem:s24+$0x2010];
	v5 =	vmul.f32 v34, v10;
	v6 =	vmul.f32 v6, v4  }
0x275: {  	v48 =	vmul.f32 v40, v2;
	v51 =	vld [tilespmem:s7+$0x2030]  }
0x276: {  	v50 =	vmul.f32 v42, v2;
	v14 =	vld [tilespmem:s7+$0x2430];
	[tilespmem:s30+$0x2070] =	vst v5;
	v46 =	vsub.f32 $1.500000000e+00, v6  }
0x277: {  	v52 =	vmul.f32 v43, v2;
	[tilespmem:s8+$0x2050] =	vst v48;
	v44 =	vld [tilespmem:s7+$0x2000]  }
0x278: {  	[tilespmem:s8+$0x2060] =	vst v50;
	v1 =	vmul.f32 v23, v2;
	v47 =	vld [tilespmem:s7+$0x2010];
	v3 =	vmul.f32 v46, v4  }
0x279: {  	[tilespmem:s8+$0x2070] =	vst v52;
	v0 =	vmul.f32 v24, v2;
	v49 =	vld [tilespmem:s7+$0x2020]  }
0x27a: {  	[tilespmem:s24+$0x2000] =	vst v1;
	v53 =	vld [tilespmem:s7+$0x2040];
	v60 =	vmul.f32 v3, v51  }
0x27b: {  	[tilespmem:s24+$0x2010] =	vst v0;
	v55 =	vld [tilespmem:s7+$0x2050];
	v6 =	vmul.f32 v14, v3  }
0x27c: {  	v57 =	vld [tilespmem:s7+$0x2060];
	v54 =	vmul.f32 v3, v44;
	[tilespmem:s7+$0x2030] =	vst v60  }
0x27d: {  	v59 =	vld [tilespmem:s7+$0x2070];
	v56 =	vmul.f32 v3, v47;
	[tilespmem:s7+$0x2430] =	vst v6  }
0x27e: {  	v61 =	vld [tilespmem:s7+$0x2400];
	v58 =	vmul.f32 v3, v49;
	[tilespmem:s7+$0x2000] =	vst v54  }
0x27f: {  	v63 =	vld [tilespmem:s7+$0x2410];
	v62 =	vmul.f32 v3, v53;
	[tilespmem:s7+$0x2010] =	vst v56  }
0x280: {  	v12 =	vld [tilespmem:s7+$0x2420];
	v11 =	vmul.f32 v3, v55;
	[tilespmem:s7+$0x2020] =	vst v58  }
0x281: {  	v18 =	vld [tilespmem:s7+$0x2450];
	v13 =	vmul.f32 v3, v57;
	[tilespmem:s7+$0x2040] =	vst v62  }
0x282: {  	v20 =	vld [tilespmem:s7+$0x2460];
	v15 =	vmul.f32 v3, v59;
	[tilespmem:s7+$0x2050] =	vst v11  }
0x283: {  	v22 =	vld [tilespmem:s7+$0x2470];
	v17 =	vmul.f32 v3, v61;
	[tilespmem:s7+$0x2060] =	vst v13  }
0x284: {  	v16 =	vld [tilespmem:s7+$0x2440];
	v19 =	vmul.f32 v3, v63;
	[tilespmem:s7+$0x2070] =	vst v15  }
0x285: {  	v25 =	vld [tilespmem:s24+$0x2020];
	v21 =	vmul.f32 v3, v12;
	[tilespmem:s7+$0x2400] =	vst v17  }
0x286: {  	v26 =	vld [tilespmem:s24+$0x2030];
	v4 =	vmul.f32 v18, v3;
	[tilespmem:s7+$0x2410] =	vst v19  }
0x287: {  	v28 =	vld [tilespmem:s24+$0x2050];
	v5 =	vmul.f32 v20, v3;
	[tilespmem:s7+$0x2420] =	vst v21  }
0x288: {  	v29 =	vld [tilespmem:s24+$0x2060];
	v7 =	vmul.f32 v22, v3;
	[tilespmem:s7+$0x2450] =	vst v4  }
0x289: {  	v31 =	vld [tilespmem:s24+$0x2070];
	v8 =	vmul.f32 v16, v3;
	[tilespmem:s7+$0x2460] =	vst v5  }
0x28a: {  	v27 =	vld [tilespmem:s24+$0x2040];
	v30 =	vmul.f32 v25, v2;
	[tilespmem:s7+$0x2470] =	vst v7  }
0x28b: {  	v32 =	vmul.f32 v26, v2;
	[tilespmem:s7+$0x2440] =	vst v8;
	v33 =	vld [tilespmem:s14+$0x2000]  }
0x28c: {  	v36 =	vmul.f32 v28, v2;
	[tilespmem:s24+$0x2020] =	vst v30;
	v35 =	vld [tilespmem:s14+$0x2010]  }
0x28d: {  	v38 =	vmul.f32 v29, v2;
	[tilespmem:s24+$0x2030] =	vst v32;
	v37 =	vld [tilespmem:s14+$0x2020]  }
0x28e: {  	v40 =	vmul.f32 v31, v2;
	[tilespmem:s24+$0x2050] =	vst v36;
	v39 =	vld [tilespmem:s14+$0x2030]  }
0x28f: {  	v34 =	vmul.f32 v27, v2;
	[tilespmem:s24+$0x2060] =	vst v38;
	v41 =	vld [tilespmem:s14+$0x2050]  }
0x290: {  	[tilespmem:s24+$0x2070] =	vst v40;
	v43 =	vld [tilespmem:s14+$0x2060];
	v42 =	vmul.f32 v33, v3  }
0x291: {  	[tilespmem:s24+$0x2040] =	vst v34;
	v45 =	vld [tilespmem:s14+$0x2070];
	v44 =	vmul.f32 v35, v3  }
0x292: {  	v47 =	vld [tilespmem:s14+$0x2040];
	v46 =	vmul.f32 v37, v3;
	[tilespmem:s14+$0x2000] =	vst v42  }
0x293: {  	v48 =	vmul.f32 v39, v3;
	[tilespmem:s14+$0x2010] =	vst v44  }
0x294: {  	v51 =	vld [tilespmem:s25+$0x2010];
	v50 =	vmul.f32 v41, v3;
	[tilespmem:s14+$0x2020] =	vst v46  }
0x295: {  	v49 =	vld [tilespmem:s25+$0x2000];
	v52 =	vmul.f32 v43, v3;
	[tilespmem:s14+$0x2030] =	vst v48  }
0x296: {  	v53 =	vld [tilespmem:s25+$0x2020];
	v54 =	vmul.f32 v45, v3;
	[tilespmem:s14+$0x2050] =	vst v50  }
0x297: {  	v55 =	vld [tilespmem:s25+$0x2030];
	v5 =	vmul.f32 v47, v3;
	[tilespmem:s14+$0x2060] =	vst v52  }
0x298: {  	v56 =	vld [tilespmem:s25+$0x2040];
	[tilespmem:s14+$0x2070] =	vst v54  }
0x299: {  	v6 =	vmul.f32 v51, v2;
	[tilespmem:s14+$0x2040] =	vst v5;
	v58 =	vld [tilespmem:s26+$0x2000]  }
0x29a: {  	v57 =	vmul.f32 v49, v2;
	v59 =	vld [tilespmem:s26+$0x2010]  }
0x29b: {  	v60 =	vmul.f32 v53, v2;
	[tilespmem:s25+$0x2010] =	vst v6;
	v61 =	vld [tilespmem:s26+$0x2020]  }
0x29c: {  	v4 =	vmul.f32 v55, v2;
	[tilespmem:s25+$0x2000] =	vst v57;
	v62 =	vld [tilespmem:s26+$0x2030]  }
0x29d: {  	[tilespmem:s25+$0x2020] =	vst v60;
	v0 =	vmul.f32 v56, v2;
	v63 =	vld [tilespmem:s26+$0x2050]  }
0x29e: {  	[tilespmem:s25+$0x2030] =	vst v4;
	v13 =	vld [tilespmem:s26+$0x2060];
	v12 =	vmul.f32 v58, v3  }
0x29f: {  	[tilespmem:s25+$0x2040] =	vst v0;
	v15 =	vld [tilespmem:s26+$0x2070];
	v14 =	vmul.f32 v59, v3  }
0x2a0: {  	v17 =	vld [tilespmem:s26+$0x2040];
	v16 =	vmul.f32 v61, v3;
	[tilespmem:s26+$0x2000] =	vst v12  }
0x2a1: {  	v18 =	vmul.f32 v62, v3;
	[tilespmem:s26+$0x2010] =	vst v14  }
0x2a2: {  	v22 =	vld [tilespmem:s25+$0x2070];
	v1 =	vmul.f32 v63, v3;
	[tilespmem:s26+$0x2020] =	vst v16  }
0x2a3: {  	v19 =	vld [tilespmem:s25+$0x2050];
	v21 =	vmul.f32 v13, v3;
	[tilespmem:s26+$0x2030] =	vst v18  }
0x2a4: {  	v20 =	vld [tilespmem:s25+$0x2060];
	v23 =	vmul.f32 v15, v3;
	[tilespmem:s26+$0x2050] =	vst v1  }
0x2a5: {  	v24 =	vld [tilespmem:s28+$0x2000];
	v8 =	vmul.f32 v17, v3;
	[tilespmem:s26+$0x2060] =	vst v21  }
0x2a6: {  	v25 =	vld [tilespmem:s28+$0x2010];
	[tilespmem:s26+$0x2070] =	vst v23  }
0x2a7: {  	v28 =	vmul.f32 v22, v2;
	[tilespmem:s26+$0x2040] =	vst v8;
	v27 =	vld [tilespmem:s29+$0x2000]  }
0x2a8: {  	v26 =	vmul.f32 v19, v2;
	v8 =	vld [tilespmem:s29+$0x2010]  }
0x2a9: {  	v4 =	vmul.f32 v20, v2;
	[tilespmem:s25+$0x2070] =	vst v28;
	v29 =	vld [tilespmem:s29+$0x2020]  }
0x2aa: {  	[tilespmem:s25+$0x2050] =	vst v26;
	v30 =	vmul.f32 v24, v2;
	v31 =	vld [tilespmem:s29+$0x2030]  }
0x2ab: {  	[tilespmem:s25+$0x2060] =	vst v4;
	v0 =	vmul.f32 v25, v2;
	v32 =	vld [tilespmem:s29+$0x2050]  }
0x2ac: {  	[tilespmem:s28+$0x2000] =	vst v30;
	v34 =	vld [tilespmem:s29+$0x2060];
	v33 =	vmul.f32 v27, v3  }
0x2ad: {  	[tilespmem:s28+$0x2010] =	vst v0;
	v36 =	vld [tilespmem:s29+$0x2070];
	v35 =	vmul.f32 v8, v3  }
0x2ae: {  	v38 =	vld [tilespmem:s29+$0x2040];
	v37 =	vmul.f32 v29, v3;
	[tilespmem:s29+$0x2000] =	vst v33  }
0x2af: {  	v40 =	vld [tilespmem:s28+$0x2030];
	v7 =	vmul.f32 v31, v3;
	[tilespmem:s29+$0x2010] =	vst v35  }
0x2b0: {  	v41 =	vld [tilespmem:s28+$0x2040];
	v1 =	vmul.f32 v32, v3;
	[tilespmem:s29+$0x2020] =	vst v37  }
0x2b1: {  	v43 =	vld [tilespmem:s28+$0x2060];
	v6 =	vmul.f32 v34, v3;
	[tilespmem:s29+$0x2030] =	vst v7  }
0x2b2: {  	v44 =	vld [tilespmem:s28+$0x2070];
	v8 =	vmul.f32 v36, v3;
	[tilespmem:s29+$0x2050] =	vst v1  }
0x2b3: {  	v39 =	vld [tilespmem:s28+$0x2020];
	v5 =	vmul.f32 v38, v3;
	[tilespmem:s29+$0x2060] =	vst v6  }
0x2b4: {  	v42 =	vld [tilespmem:s28+$0x2050];
	v4 =	vmul.f32 v40, v2;
	[tilespmem:s29+$0x2070] =	vst v8  }
0x2b5: {  	v46 =	vmul.f32 v41, v2;
	[tilespmem:s29+$0x2040] =	vst v5;
	v45 =	vld [tilespmem:s30+$0x2000]  }
0x2b6: {  	v49 =	vmul.f32 v43, v2;
	[tilespmem:s28+$0x2030] =	vst v4;
	v47 =	vld [tilespmem:s30+$0x2010]  }
0x2b7: {  	v51 =	vmul.f32 v44, v2;
	[tilespmem:s28+$0x2040] =	vst v46;
	v48 =	vld [tilespmem:s30+$0x2020]  }
0x2b8: {  	v0 =	vmul.f32 v39, v2;
	[tilespmem:s28+$0x2060] =	vst v49;
	v50 =	vld [tilespmem:s30+$0x2030]  }
0x2b9: {  	[tilespmem:s28+$0x2070] =	vst v51;
	v1 =	vmul.f32 v42, v2;
	v52 =	vld [tilespmem:s30+$0x2040]  }
0x2ba: {  	[tilespmem:s28+$0x2020] =	vst v0;
	v54 =	vld [tilespmem:s30+$0x2050];
	v53 =	vmul.f32 v45, v3  }
0x2bb: {  	v56 =	vld [tilespmem:s30+$0x2060];
	[tilespmem:s28+$0x2050] =	vst v1;
	v55 =	vmul.f32 v47, v3  }
0x2bc: {  	v58 =	vld [tilespmem:s30+$0x2070];
	v57 =	vmul.f32 v48, v3;
	[tilespmem:s30+$0x2000] =	vst v53  }
0x2bd: {  	v59 =	vmul.f32 v50, v3;
	[tilespmem:s30+$0x2010] =	vst v55  }
0x2be: {  	p0 =	slt.u32 s22, $0x6;
	v60 =	vmul.f32 v52, v3;
	[tilespmem:s30+$0x2020] =	vst v57  }
.Ltmp0:
0x2bf: {  	v61 =	vmul.f32 v54, v3;
	[tilespmem:s30+$0x2030] =	vst v59;
	(pc) =	sbr.rel @p0 .LBB2_3-.Ltmp0, $4  }
0x2c0: {  	v62 =	vmul.f32 v56, v3;
	[tilespmem:s30+$0x2040] =	vst v60  }
0x2c1: {  	v63 =	vmul.f32 v58, v3;
	[tilespmem:s30+$0x2050] =	vst v61  }
0x2c2: {  	s31 =	sadd.s32 $0x2, s22;
	[tilespmem:s30+$0x2060] =	vst v62  }
0x2c3: {  	s22 =	smov.u32 s31;
	[tilespmem:s30+$0x2070] =	vst v63  }
0x2c4: {  	s8 =	sadd.s32 s13, s4;
	s4 =	sadd.s32 $0x1, s4  }
0x2c5: {  	s7 =	smul.u32 $0x6000, s15;
	p0 =	sne.s32 s4, $0x20  }
.Ltmp1:
0x2c6: {  	_ = 	snop;
	(pc) =	sbr.rel @p0 .LBB2_2-.Ltmp1, $4  }
0x2c7: {  	s8 =	smul.u32 $0x300, s8  }
0x2c8: {  	s7 =	sshrl.u32 s7, $0x2  }
0x2c9: {  	s14 =	sadd.s32 $0x11, s15;
	s7 =	sadd.s32 $0x2000, s7;
	s8 =	sadd.s32 s5, s8  }
0x2ca: {  	[hbm4b:s8+s6] =	stream.linear.scatter [tilespmem:s7], [sflag:s14], $0x1800, $0x38;
	[tilespmem:$0x1A300] =	vst v63  }
0x2cb: {  	s4 =	simm.s32 $0x11  }
0x2cc: {  	_ =	swait.ge [sflag:s4], $0x1800  }
0x2cd: {  	[sflag:s4] =	ssyncset.done $0x0  }
0x2ce: {  	s24 =	simm.s32 $0x12;
	[sflag:s4] =	ssyncadd.s32 $0xFFFFE800  }
0x2cf: {  	_ =	swait.ge [sflag:s24], $0x1800  }
0x2d0: {  	[sflag:s24] =	ssyncset.done $0x0  }
0x2d1: {  	s25 =	simm.s32 $0x13;
	[sflag:s24] =	ssyncadd.s32 $0xFFFFE800  }
0x2d2: {  	_ =	swait.ge [sflag:s25], $0x1800  }
0x2d3: {  	[sflag:s25] =	ssyncset.done $0x0  }
0x2d4: {  	s26 =	simm.s32 $0x14;
	[sflag:s25] =	ssyncadd.s32 $0xFFFFE800  }
0x2d5: {  	_ =	swait.ge [sflag:s26], $0x1800  }
0x2d6: {  	[sflag:s26] =	ssyncset.done $0x0  }
0x2d7: {  	s28 =	simm.s32 $0x15;
	[sflag:s26] =	ssyncadd.s32 $0xFFFFE800  }
0x2d8: {  	_ =	swait.ge [sflag:s28], $0x1800  }
0x2d9: {  	[sflag:s28] =	ssyncset.done $0x0  }
0x2da: {  	s29 =	simm.s32 $0x16;
	[sflag:s28] =	ssyncadd.s32 $0xFFFFE800  }
0x2db: {  	_ =	swait.ge [sflag:s29], $0x1800  }
0x2dc: {  	[sflag:s29] =	ssyncset.done $0x0  }
0x2dd: {  	s30 =	simm.s32 $0x17;
	[sflag:s29] =	ssyncadd.s32 $0xFFFFE800  }
0x2de: {  	_ =	swait.ge [sflag:s30], $0x1800  }
0x2df: {  	[sflag:s30] =	ssyncset.done $0x0  }
0x2e0: {  	[sflag:s30] =	ssyncadd.s32 $0xFFFFE800  }
0x2e1: {  	_ =	swait.ge [sflag:s3], $0x1800  }
0x2e2: {  	s0 =	sadd.s32 $0x1, s0;
	s31 =	rddreg [dreg:$0x8]  }
0x2e3: {  	p0 =	sne.s32 s0, s31  }
.Ltmp2:
0x2e4: {  	_ = 	snop;
	(pc) =	sbr.rel @p0 .LBB2_1-.Ltmp2, $3  }
0x2e5: {  	_ =	sdelay $0x1  }
0x2e6: {  	[sflag:s3] =	ssyncset.done $0x0  }
0x2e7: {  	[sflag:s3] =	ssyncadd.s32 $0xFFFFE800  }
0x2e8: {  	_ =	sfence.sel $0x180000  }
0x2e9: {  	[bflag:$0x0] =	sbarrier.arrive $0xFFFF  }
0x2ea: {  	_ =	strace $0x90000047  }
0x2eb: {  	s0 =	stileid.u32;
	[bflag:$0x2] =	sbarrier.arrive $0xFFFF  }
0x2ec: {  	p0 =	sne.s32 s0, $0x0;
	s0 =	rddreg [dreg:$0x5]  }
0x2ed: {  	s0 =	sadd.s32 @!p0 $0x100000, s0  }
0x2ee: {  	[sflag:s0] =	ssyncadd.tile.s32 @!p0 $0x1;
	_ =	shalt  }
.Lfunc_end2:
_tile_overlayer_lowered:
.L_overlay_start_2:
0x2ef: {  	(tag) =	ssettag $0x2  }
0x2f0: {  	s0 =	rddreg [dreg:$0x0];
	s2 =	stileid.u32  }
0x2f1: {  	s1 =	rddreg [dreg:$0x1];
	p0 =	sne.s32 s2, $0x0  }
0x2f2: {  	s3 =	rddreg [dreg:$0x2];
	[bflag:$0x3] =	sbarrier.arrive $0xFFFF;
	s2 =	simm.s32 @!p0 $0x1C19  }
0x2f3: {  	[timem:s3], [sflag:s2] =	dma.local @!p0 [hbm:s0], s1  }
0x2f4: {  	s0 =	simm.s32 @!p0 $0x19  }
0x2f5: {  	_ =	swait.ge @!p0 [sflag:s0], s1  }
0x2f6: {  	s1 =	ssub.s32 @!p0 $0x0, s1;
	[sflag:s0] =	ssyncset.done @!p0 $0x0  }
0x2f7: {  	[sflag:s0] =	ssyncadd.s32 @!p0 s1  }
0x2f8: {  	[bflag:$0x3] =	sbarrier.arrive $0xFFFF  }
0x2f9: {  	_ =	shalt  }

</sc_bundles>
